<compile_context>
chip_gen: v7x
topology: tpu7x:2x2x1
jax: 0.10.2.dev20260603
libtpu: 0.0.44.dev20260713+nightly
codegen_flags: <defaults>
</compile_context>

<pallas_src>
import functools
import math

import jax
import jax.numpy as jnp
from jax import lax
from jax.experimental import pallas as pl
from jax.experimental.pallas import tpu as pltpu
from jax.experimental.pallas import tpu_sc as plsc

D_MODEL = 512
SCALE = math.sqrt(D_MODEL ** 0.5)

_INFO = plsc.get_sparse_core_info()
_NC = _INFO.num_cores
_NS = _INFO.num_subcores
_L = _INFO.num_lanes
_NW = _NC * _NS

CHUNK = 64
NBUF = 3


def _make_gather(bsz, seq, d):
    n_rows = bsz * seq
    per_w = n_rows // _NW
    n_chunks = per_w // CHUNK
    w_per_row = seq // per_w
    mesh = plsc.VectorSubcoreMesh(core_axis_name="c", subcore_axis_name="s")

    @functools.partial(
        pl.kernel,
        mesh=mesh,
        out_type=jax.ShapeDtypeStruct((bsz, seq, d), jnp.float32),
        scratch_types=[
            pltpu.VMEM((per_w,), jnp.int32),
            pltpu.VMEM((NBUF * CHUNK, d), jnp.float32),
            pltpu.SemaphoreType.DMA,
            pltpu.SemaphoreType.DMA,
        ],
    )
    def k(idx_hbm, table_hbm, out_hbm, idx_v, buf, gsem, ssem):
        wid = lax.axis_index("s") * _NC + lax.axis_index("c")
        row = wid // w_per_row
        off = (wid % w_per_row) * per_w
        pltpu.sync_copy(idx_hbm.at[row, pl.ds(off, per_w)], idx_v)

        def g_desc(g, rb):
            return pltpu.make_async_copy(
                table_hbm.at[idx_v.at[pl.ds(g * CHUNK, CHUNK)]],
                buf.at[pl.ds(rb, CHUNK)], gsem)

        HALF = CHUNK // 2

        def s_desc(g, rb, h):
            return pltpu.make_async_copy(
                buf.at[pl.ds(rb + h * HALF, HALF)],
                out_hbm.at[row, pl.ds(off + g * CHUNK + h * HALF, HALF)],
                ssem)

        for g0 in range(min(NBUF, n_chunks)):
            g_desc(g0, g0 * CHUNK).start()

        @pl.loop(0, n_chunks)
        def _steady(g):
            rb = lax.rem(g, NBUF) * CHUNK
            g_desc(g, rb).wait()

            for h in range(2):
                hb = rb + h * HALF

                def row_body(r, carry):
                    for c in range(d // _L):
                        sl = pl.ds(c * _L, _L)
                        buf[r, sl] = buf[r, sl] * SCALE
                    return carry
                lax.fori_loop(hb, hb + HALF, row_body, 0)

                s_desc(g, rb, h).start()

            nxt = g + NBUF - 1

            @pl.when(jnp.logical_and(g >= 1, nxt < n_chunks))
            def _refill():
                pb = lax.rem(g - 1, NBUF) * CHUNK
                s_desc(g - 1, pb, 0).wait()
                s_desc(g - 1, pb, 1).wait()
                g_desc(nxt, pb).start()

        @pl.loop(max(0, n_chunks - NBUF), n_chunks)
        def _drain(g):
            rb = lax.rem(g, NBUF) * CHUNK
            s_desc(g, rb, 0).wait()
            s_desc(g, rb, 1).wait()

    return k


def kernel(x, table):
    bsz, seq = x.shape
    d = table.shape[1]
    return _make_gather(bsz, seq, d)(x.astype(jnp.int32), table)

# --- scband reference (transcript-rebuilt; emitter-appended) ---
"""Pipeline reference for scband-input-embeddings-37288906064060 (READ-ONLY COPY).

The authoritative reference and input builder live on the scoring server;
editing this copy changes nothing except your own understanding.
"""

import jax, jax.numpy as jnp
import numpy as np
import math

D_MODEL = 512
VOCAB_SIZE = 100000

def setup_inputs(seed: int = 0) -> dict:
    key = jax.random.key(seed)
    k1, k2 = jax.random.split(key)
    x = jax.random.randint(k1, (4, 2048), 0, VOCAB_SIZE, dtype=jnp.int64) if jax.config.jax_enable_x64 else jax.random.randint(k1, (4, 2048), 0, VOCAB_SIZE, dtype=jnp.int32)
    table = jax.random.normal(k2, (VOCAB_SIZE, D_MODEL), dtype=jnp.float32)
    return {"x": x, "table": table}

def reference(x, table):
    # embedding lookup followed by the module's scale: sqrt(d_model ** 0.5) == d_model ** 0.25
    emb = jnp.take(table, x, axis=0)
    return emb * math.sqrt(D_MODEL ** 0.5)

if __name__ == "__main__":
    import jax
    _d = setup_inputs()
    print(jax.jit(kernel)(*tuple(_d.values())))

</pallas_src>

<mosaic_0001>
#map = affine_map<(d0, d1) -> (0, 0)>
#map1 = affine_map<(d0, d1) -> (0, 0, 0)>
module attributes {stable_mosaic.version = 14 : i64} {
  func.func @k(%arg0: i32, %arg1: i32, %arg2: memref<4x2048xi32, #tpu.memory_space<hbm>>, %arg3: memref<100000x512xf32, #tpu.memory_space<hbm>>, %arg4: memref<4x2048x512xf32, #tpu.memory_space<hbm>>, %arg5: memref<256xi32, #tpu.memory_space<vmem>>, %arg6: memref<192x512xf32, #tpu.memory_space<vmem>>, %arg7: memref<!tpu.dma_semaphore, #tpu.memory_space<semaphore_mem>>, %arg8: memref<!tpu.dma_semaphore, #tpu.memory_space<semaphore_mem>>) attributes {dimension_semantics = [#tpu.dimension_semantics<core_parallel>, #tpu.dimension_semantics<subcore_parallel>], iteration_bounds = array<i64: 2, 16>, scalar_prefetch = 0 : i64, scratch_operands = 4 : i64, tpu.core_type = #tpu.core_type<sc_vector_subcore>, window_params = [{transform_indices = #map}, {transform_indices = #map}, {transform_indices = #map1}]} {
    %mul3A = arith.constant 2 : i32
    %mul3A_0 = arith.muli %arg1, %mul3A : i32
    %add3A = arith.addi %mul3A_0, %arg0 : i32
    %jit3A = arith.constant 8 : i32
    %div3A = arith.divsi %add3A, %jit3A : i32
    %sign3A = arith.constant 0 : i32
    %sign3A_1 = arith.cmpi sgt, %add3A, %sign3A : i32
    %sign3A_2 = arith.extui %sign3A_1 : i1 to i32
    %sign3A_3 = arith.constant 0 : i32
    %sign3A_4 = arith.cmpi slt, %add3A, %sign3A_3 : i32
    %sign3A_5 = arith.extui %sign3A_4 : i1 to i32
    %sign3A_6 = arith.subi %sign3A_2, %sign3A_5 : i32
    %sign3A_7 = arith.constant 0 : i32
    %sign3A_8 = arith.cmpi sgt, %jit3A, %sign3A_7 : i32
    %sign3A_9 = arith.extui %sign3A_8 : i1 to i32
    %sign3A_10 = arith.constant 0 : i32
    %sign3A_11 = arith.cmpi slt, %jit3A, %sign3A_10 : i32
    %sign3A_12 = arith.extui %sign3A_11 : i1 to i32
    %sign3A_13 = arith.subi %sign3A_9, %sign3A_12 : i32
    %ne3A = arith.cmpi ne, %sign3A_6, %sign3A_13 : i32
    %rem3A = arith.remsi %add3A, %jit3A : i32
    %ne3A_14 = arith.constant 0 : i32
    %ne3A_15 = arith.cmpi ne, %rem3A, %ne3A_14 : i32
    %and3A = arith.andi %ne3A, %ne3A_15 : i1
    %sub3A = arith.constant 1 : i32
    %sub3A_16 = arith.subi %div3A, %sub3A : i32
    %select_n3A = arith.select %and3A, %sub3A_16, %div3A : i32
    %jit3A_17 = arith.constant 8 : i32
    %eq3A = arith.constant 0 : i32
    %eq3A_18 = arith.cmpi eq, %jit3A_17, %eq3A : i32
    %jit3A_19 = arith.constant 1 : i32
    %select_n3A_20 = arith.select %eq3A_18, %jit3A_19, %jit3A_17 : i32
    %rem3A_21 = arith.remsi %add3A, %select_n3A_20 : i32
    %ne3A_22 = arith.constant 0 : i32
    %ne3A_23 = arith.cmpi ne, %rem3A_21, %ne3A_22 : i32
    %lt3A = arith.constant 0 : i32
    %lt3A_24 = arith.cmpi slt, %rem3A_21, %lt3A : i32
    %lt3A_25 = arith.constant 0 : i32
    %lt3A_26 = arith.cmpi slt, %select_n3A_20, %lt3A_25 : i32
    %ne3A_27 = arith.xori %lt3A_24, %lt3A_26 : i1
    %and3A_28 = arith.andi %ne3A_27, %ne3A_23 : i1
    %add3A_29 = arith.addi %rem3A_21, %select_n3A_20 : i32
    %select_n3A_30 = arith.select %and3A_28, %add3A_29, %rem3A_21 : i32
    %mul3A_31 = arith.constant 256 : i32
    %mul3A_32 = arith.muli %select_n3A_30, %mul3A_31 : i32
    "tpu.region"() ({
      %run_scoped3A = tpu.sem_alloc : memref<!tpu.dma_semaphore, #tpu.memory_space<semaphore_mem>>
      %dma_start3A_65 = tpu.memref_slice %arg2[%select_n3A, %mul3A_32] : memref<4x2048xi32, #tpu.memory_space<hbm>> -> memref<1x256xi32, #tpu.memory_space<hbm>>
      %dma_start3A_66 = tpu.memref_squeeze %dma_start3A_65 : memref<1x256xi32, #tpu.memory_space<hbm>> -> memref<256xi32, #tpu.memory_space<hbm>>
      %dma_start3A_67 = tpu.memref_slice %arg2[%select_n3A, %mul3A_32] : memref<4x2048xi32, #tpu.memory_space<hbm>> -> memref<1x256xi32, #tpu.memory_space<hbm>>
      %dma_start3A_68 = tpu.memref_squeeze %dma_start3A_67 : memref<1x256xi32, #tpu.memory_space<hbm>> -> memref<256xi32, #tpu.memory_space<hbm>>
      tpu.enqueue_dma source(%dma_start3A_68 : memref<256xi32, #tpu.memory_space<hbm>>) target(%arg5 : memref<256xi32, #tpu.memory_space<vmem>>) target_semaphore(%run_scoped3A : memref<!tpu.dma_semaphore, #tpu.memory_space<semaphore_mem>>)
      %dma_wait3A = tpu.memref_slice %arg2[%select_n3A, %mul3A_32] : memref<4x2048xi32, #tpu.memory_space<hbm>> -> memref<1x256xi32, #tpu.memory_space<hbm>>
      %dma_wait3A_69 = tpu.memref_squeeze %dma_wait3A : memref<1x256xi32, #tpu.memory_space<hbm>> -> memref<256xi32, #tpu.memory_space<hbm>>
      %dma_wait3A_70 = tpu.memref_slice %arg2[%select_n3A, %mul3A_32] : memref<4x2048xi32, #tpu.memory_space<hbm>> -> memref<1x256xi32, #tpu.memory_space<hbm>>
      %dma_wait3A_71 = tpu.memref_squeeze %dma_wait3A_70 : memref<1x256xi32, #tpu.memory_space<hbm>> -> memref<256xi32, #tpu.memory_space<hbm>>
      tpu.wait_dma2 semaphore(%run_scoped3A : memref<!tpu.dma_semaphore, #tpu.memory_space<semaphore_mem>>) src(%dma_wait3A_71 : memref<256xi32, #tpu.memory_space<hbm>>) dst(%arg5 : memref<256xi32, #tpu.memory_space<vmem>>)
      tpu.yield
    }) : () -> ()
    %dma_start3A = arith.constant 0 : i32
    %dma_start3A_33 = arith.constant 0 : i32
    %dma_start3A_34 = tpu.memref_slice %arg6[%dma_start3A, %dma_start3A_33] : memref<192x512xf32, #tpu.memory_space<vmem>> -> memref<64x512xf32, #tpu.memory_space<vmem>>
    %dma_start3A_35 = arith.constant 0 : i32
    %dma_start3A_36 = tpu.memref_slice %arg5[%dma_start3A_35] : memref<256xi32, #tpu.memory_space<vmem>> -> memref<64xi32, #tpu.memory_space<vmem>>
    %dma_start3A_37 = arith.constant 0 : i32
    %dma_start3A_38 = arith.constant 0 : i32
    %dma_start3A_39 = tpu.memref_slice %arg3[%dma_start3A_37, %dma_start3A_38] : memref<100000x512xf32, #tpu.memory_space<hbm>> -> memref<100000x512xf32, #tpu.memory_space<hbm>>
    tpu.enqueue_indirect_dma source(%dma_start3A_39 : memref<100000x512xf32, #tpu.memory_space<hbm>>) target(%dma_start3A_34 : memref<64x512xf32, #tpu.memory_space<vmem>>) offsets(%dma_start3A_36 : memref<64xi32, #tpu.memory_space<vmem>>) semaphore(%arg7 : memref<!tpu.dma_semaphore, #tpu.memory_space<semaphore_mem>>)
    %dma_start3A_40 = arith.constant 64 : i32
    %dma_start3A_41 = arith.constant 0 : i32
    %dma_start3A_42 = tpu.memref_slice %arg6[%dma_start3A_40, %dma_start3A_41] : memref<192x512xf32, #tpu.memory_space<vmem>> -> memref<64x512xf32, #tpu.memory_space<vmem>>
    %dma_start3A_43 = arith.constant 64 : i32
    %dma_start3A_44 = tpu.memref_slice %arg5[%dma_start3A_43] : memref<256xi32, #tpu.memory_space<vmem>> -> memref<64xi32, #tpu.memory_space<vmem>>
    %dma_start3A_45 = arith.constant 0 : i32
    %dma_start3A_46 = arith.constant 0 : i32
    %dma_start3A_47 = tpu.memref_slice %arg3[%dma_start3A_45, %dma_start3A_46] : memref<100000x512xf32, #tpu.memory_space<hbm>> -> memref<100000x512xf32, #tpu.memory_space<hbm>>
    tpu.enqueue_indirect_dma source(%dma_start3A_47 : memref<100000x512xf32, #tpu.memory_space<hbm>>) target(%dma_start3A_42 : memref<64x512xf32, #tpu.memory_space<vmem>>) offsets(%dma_start3A_44 : memref<64xi32, #tpu.memory_space<vmem>>) semaphore(%arg7 : memref<!tpu.dma_semaphore, #tpu.memory_space<semaphore_mem>>)
    %dma_start3A_48 = arith.constant 128 : i32
    %dma_start3A_49 = arith.constant 0 : i32
    %dma_start3A_50 = tpu.memref_slice %arg6[%dma_start3A_48, %dma_start3A_49] : memref<192x512xf32, #tpu.memory_space<vmem>> -> memref<64x512xf32, #tpu.memory_space<vmem>>
    %dma_start3A_51 = arith.constant 128 : i32
    %dma_start3A_52 = tpu.memref_slice %arg5[%dma_start3A_51] : memref<256xi32, #tpu.memory_space<vmem>> -> memref<64xi32, #tpu.memory_space<vmem>>
    %dma_start3A_53 = arith.constant 0 : i32
    %dma_start3A_54 = arith.constant 0 : i32
    %dma_start3A_55 = tpu.memref_slice %arg3[%dma_start3A_53, %dma_start3A_54] : memref<100000x512xf32, #tpu.memory_space<hbm>> -> memref<100000x512xf32, #tpu.memory_space<hbm>>
    tpu.enqueue_indirect_dma source(%dma_start3A_55 : memref<100000x512xf32, #tpu.memory_space<hbm>>) target(%dma_start3A_50 : memref<64x512xf32, #tpu.memory_space<vmem>>) offsets(%dma_start3A_52 : memref<64xi32, #tpu.memory_space<vmem>>) semaphore(%arg7 : memref<!tpu.dma_semaphore, #tpu.memory_space<semaphore_mem>>)
    %scan3A = arith.constant 0 : i32
    %scan3A_56 = arith.constant 4 : i32
    %scan3A_57 = arith.addi %scan3A, %scan3A_56 : i32
    %scan3A_58 = arith.constant 1 : i32
    scf.for %scan3A_65 = %scan3A to %scan3A_57 step %scan3A_58  : i32 {
      %mul3A_66 = arith.constant 1 : i32
      %mul3A_67 = arith.muli %scan3A_65, %mul3A_66 : i32
      %add3A_68 = arith.constant 0 : i32
      %add3A_69 = arith.addi %add3A_68, %mul3A_67 : i32
      %rem3A_70 = arith.constant 3 : i32
      %rem3A_71 = arith.remsi %add3A_69, %rem3A_70 : i32
      %mul3A_72 = arith.constant 64 : i32
      %mul3A_73 = arith.muli %rem3A_71, %mul3A_72 : i32
      %mul3A_74 = arith.constant 64 : i32
      %mul3A_75 = arith.muli %add3A_69, %mul3A_74 : i32
      %dma_wait3A = arith.constant 0 : i32
      %dma_wait3A_76 = tpu.memref_slice %arg6[%mul3A_73, %dma_wait3A] : memref<192x512xf32, #tpu.memory_space<vmem>> -> memref<64x512xf32, #tpu.memory_space<vmem>>
      %dma_wait3A_77 = tpu.memref_slice %arg5[%mul3A_75] : memref<256xi32, #tpu.memory_space<vmem>> -> memref<64xi32, #tpu.memory_space<vmem>>
      %dma_wait3A_78 = arith.constant 0 : i32
      %dma_wait3A_79 = arith.constant 0 : i32
      %dma_wait3A_80 = tpu.memref_slice %arg3[%dma_wait3A_78, %dma_wait3A_79] : memref<100000x512xf32, #tpu.memory_space<hbm>> -> memref<100000x512xf32, #tpu.memory_space<hbm>>
      tpu.wait_indirect_dma semaphore(%arg7 : memref<!tpu.dma_semaphore, #tpu.memory_space<semaphore_mem>>) src(%dma_wait3A_80 : memref<100000x512xf32, #tpu.memory_space<hbm>>) dst(%dma_wait3A_76 : memref<64x512xf32, #tpu.memory_space<vmem>>)
      %add3A_81 = arith.constant 0 : i32
      %add3A_82 = arith.addi %mul3A_73, %add3A_81 : i32
      %add3A_83 = arith.constant 32 : i32
      %add3A_84 = arith.addi %add3A_82, %add3A_83 : i32
      %while3A = arith.constant 0 : i32
      %while3A_85 = arith.subi %add3A_84, %add3A_82 : i32
      %while3A_86 = arith.addi %add3A_82, %while3A_85 : i32
      %while3A_87 = arith.constant 1 : i32
      %while3A_88 = arith.divsi %while3A_85, %while3A_87 : i32
      %while3A_89 = arith.muli %while3A_88, %while3A_87 : i32
      %while3A_90 = arith.addi %add3A_82, %while3A_89 : i32
      %while3A_91 = arith.constant 1 : i32
      scf.for %while3A_149 = %add3A_82 to %while3A_90 step %while3A_91  : i32 {
        %get3A = arith.index_cast %while3A_149 : i32 to index
        %get3A_150 = arith.constant 0 : index
        %get3A_151 = tpu.vector_load %arg6[%get3A, %get3A_150] {strides = array<i32>} : memref<192x512xf32, #tpu.memory_space<vmem>>, vector<1x16xf32>,
        %get3A_152 = vector.shape_cast %get3A_151 : vector<1x16xf32> to vector<16xf32>
        %mul3A_153 = arith.constant 4.75682831 : f32
        %mul3A_154 = vector.broadcast %mul3A_153 : f32 to vector<16xf32>
        %mul3A_155 = arith.mulf %get3A_152, %mul3A_154 : vector<16xf32>
        %swap3A = arith.index_cast %while3A_149 : i32 to index
        %swap3A_156 = arith.constant 0 : index
        %swap3A_157 = tpu.vector_load %arg6[%swap3A, %swap3A_156] {strides = array<i32>} : memref<192x512xf32, #tpu.memory_space<vmem>>, vector<1x16xf32>,
        %swap3A_158 = vector.shape_cast %swap3A_157 : vector<1x16xf32> to vector<16xf32>
        %swap3A_159 = vector.shape_cast %mul3A_155 : vector<16xf32> to vector<1x16xf32>
        tpu.vector_store %arg6[%swap3A, %swap3A_156], %swap3A_159 {strides = array<i32>} : memref<192x512xf32, #tpu.memory_space<vmem>>, vector<1x16xf32>,
        %get3A_160 = arith.index_cast %while3A_149 : i32 to index
        %get3A_161 = arith.constant 16 : index
        %get3A_162 = tpu.vector_load %arg6[%get3A_160, %get3A_161] {strides = array<i32>} : memref<192x512xf32, #tpu.memory_space<vmem>>, vector<1x16xf32>,
        %get3A_163 = vector.shape_cast %get3A_162 : vector<1x16xf32> to vector<16xf32>
        %mul3A_164 = arith.constant 4.75682831 : f32
        %mul3A_165 = vector.broadcast %mul3A_164 : f32 to vector<16xf32>
        %mul3A_166 = arith.mulf %get3A_163, %mul3A_165 : vector<16xf32>
        %swap3A_167 = arith.index_cast %while3A_149 : i32 to index
        %swap3A_168 = arith.constant 16 : index
        %swap3A_169 = tpu.vector_load %arg6[%swap3A_167, %swap3A_168] {strides = array<i32>} : memref<192x512xf32, #tpu.memory_space<vmem>>, vector<1x16xf32>,
        %swap3A_170 = vector.shape_cast %swap3A_169 : vector<1x16xf32> to vector<16xf32>
        %swap3A_171 = vector.shape_cast %mul3A_166 : vector<16xf32> to vector<1x16xf32>
        tpu.vector_store %arg6[%swap3A_167, %swap3A_168], %swap3A_171 {strides = array<i32>} : memref<192x512xf32, #tpu.memory_space<vmem>>, vector<1x16xf32>,
        %get3A_172 = arith.index_cast %while3A_149 : i32 to index
        %get3A_173 = arith.constant 32 : index
        %get3A_174 = tpu.vector_load %arg6[%get3A_172, %get3A_173] {strides = array<i32>} : memref<192x512xf32, #tpu.memory_space<vmem>>, vector<1x16xf32>,
        %get3A_175 = vector.shape_cast %get3A_174 : vector<1x16xf32> to vector<16xf32>
        %mul3A_176 = arith.constant 4.75682831 : f32
        %mul3A_177 = vector.broadcast %mul3A_176 : f32 to vector<16xf32>
        %mul3A_178 = arith.mulf %get3A_175, %mul3A_177 : vector<16xf32>
        %swap3A_179 = arith.index_cast %while3A_149 : i32 to index
        %swap3A_180 = arith.constant 32 : index
        %swap3A_181 = tpu.vector_load %arg6[%swap3A_179, %swap3A_180] {strides = array<i32>} : memref<192x512xf32, #tpu.memory_space<vmem>>, vector<1x16xf32>,
        %swap3A_182 = vector.shape_cast %swap3A_181 : vector<1x16xf32> to vector<16xf32>
        %swap3A_183 = vector.shape_cast %mul3A_178 : vector<16xf32> to vector<1x16xf32>
        tpu.vector_store %arg6[%swap3A_179, %swap3A_180], %swap3A_183 {strides = array<i32>} : memref<192x512xf32, #tpu.memory_space<vmem>>, vector<1x16xf32>,
        %get3A_184 = arith.index_cast %while3A_149 : i32 to index
        %get3A_185 = arith.constant 48 : index
        %get3A_186 = tpu.vector_load %arg6[%get3A_184, %get3A_185] {strides = array<i32>} : memref<192x512xf32, #tpu.memory_space<vmem>>, vector<1x16xf32>,
        %get3A_187 = vector.shape_cast %get3A_186 : vector<1x16xf32> to vector<16xf32>
        %mul3A_188 = arith.constant 4.75682831 : f32
        %mul3A_189 = vector.broadcast %mul3A_188 : f32 to vector<16xf32>
        %mul3A_190 = arith.mulf %get3A_187, %mul3A_189 : vector<16xf32>
        %swap3A_191 = arith.index_cast %while3A_149 : i32 to index
        %swap3A_192 = arith.constant 48 : index
        %swap3A_193 = tpu.vector_load %arg6[%swap3A_191, %swap3A_192] {strides = array<i32>} : memref<192x512xf32, #tpu.memory_space<vmem>>, vector<1x16xf32>,
        %swap3A_194 = vector.shape_cast %swap3A_193 : vector<1x16xf32> to vector<16xf32>
        %swap3A_195 = vector.shape_cast %mul3A_190 : vector<16xf32> to vector<1x16xf32>
        tpu.vector_store %arg6[%swap3A_191, %swap3A_192], %swap3A_195 {strides = array<i32>} : memref<192x512xf32, #tpu.memory_space<vmem>>, vector<1x16xf32>,
        %get3A_196 = arith.index_cast %while3A_149 : i32 to index
        %get3A_197 = arith.constant 64 : index
        %get3A_198 = tpu.vector_load %arg6[%get3A_196, %get3A_197] {strides = array<i32>} : memref<192x512xf32, #tpu.memory_space<vmem>>, vector<1x16xf32>,
        %get3A_199 = vector.shape_cast %get3A_198 : vector<1x16xf32> to vector<16xf32>
        %mul3A_200 = arith.constant 4.75682831 : f32
        %mul3A_201 = vector.broadcast %mul3A_200 : f32 to vector<16xf32>
        %mul3A_202 = arith.mulf %get3A_199, %mul3A_201 : vector<16xf32>
        %swap3A_203 = arith.index_cast %while3A_149 : i32 to index
        %swap3A_204 = arith.constant 64 : index
        %swap3A_205 = tpu.vector_load %arg6[%swap3A_203, %swap3A_204] {strides = array<i32>} : memref<192x512xf32, #tpu.memory_space<vmem>>, vector<1x16xf32>,
        %swap3A_206 = vector.shape_cast %swap3A_205 : vector<1x16xf32> to vector<16xf32>
        %swap3A_207 = vector.shape_cast %mul3A_202 : vector<16xf32> to vector<1x16xf32>
        tpu.vector_store %arg6[%swap3A_203, %swap3A_204], %swap3A_207 {strides = array<i32>} : memref<192x512xf32, #tpu.memory_space<vmem>>, vector<1x16xf32>,
        %get3A_208 = arith.index_cast %while3A_149 : i32 to index
        %get3A_209 = arith.constant 80 : index
        %get3A_210 = tpu.vector_load %arg6[%get3A_208, %get3A_209] {strides = array<i32>} : memref<192x512xf32, #tpu.memory_space<vmem>>, vector<1x16xf32>,
        %get3A_211 = vector.shape_cast %get3A_210 : vector<1x16xf32> to vector<16xf32>
        %mul3A_212 = arith.constant 4.75682831 : f32
        %mul3A_213 = vector.broadcast %mul3A_212 : f32 to vector<16xf32>
        %mul3A_214 = arith.mulf %get3A_211, %mul3A_213 : vector<16xf32>
        %swap3A_215 = arith.index_cast %while3A_149 : i32 to index
        %swap3A_216 = arith.constant 80 : index
        %swap3A_217 = tpu.vector_load %arg6[%swap3A_215, %swap3A_216] {strides = array<i32>} : memref<192x512xf32, #tpu.memory_space<vmem>>, vector<1x16xf32>,
        %swap3A_218 = vector.shape_cast %swap3A_217 : vector<1x16xf32> to vector<16xf32>
        %swap3A_219 = vector.shape_cast %mul3A_214 : vector<16xf32> to vector<1x16xf32>
        tpu.vector_store %arg6[%swap3A_215, %swap3A_216], %swap3A_219 {strides = array<i32>} : memref<192x512xf32, #tpu.memory_space<vmem>>, vector<1x16xf32>,
        %get3A_220 = arith.index_cast %while3A_149 : i32 to index
        %get3A_221 = arith.constant 96 : index
        %get3A_222 = tpu.vector_load %arg6[%get3A_220, %get3A_221] {strides = array<i32>} : memref<192x512xf32, #tpu.memory_space<vmem>>, vector<1x16xf32>,
        %get3A_223 = vector.shape_cast %get3A_222 : vector<1x16xf32> to vector<16xf32>
        %mul3A_224 = arith.constant 4.75682831 : f32
        %mul3A_225 = vector.broadcast %mul3A_224 : f32 to vector<16xf32>
        %mul3A_226 = arith.mulf %get3A_223, %mul3A_225 : vector<16xf32>
        %swap3A_227 = arith.index_cast %while3A_149 : i32 to index
        %swap3A_228 = arith.constant 96 : index
        %swap3A_229 = tpu.vector_load %arg6[%swap3A_227, %swap3A_228] {strides = array<i32>} : memref<192x512xf32, #tpu.memory_space<vmem>>, vector<1x16xf32>,
        %swap3A_230 = vector.shape_cast %swap3A_229 : vector<1x16xf32> to vector<16xf32>
        %swap3A_231 = vector.shape_cast %mul3A_226 : vector<16xf32> to vector<1x16xf32>
        tpu.vector_store %arg6[%swap3A_227, %swap3A_228], %swap3A_231 {strides = array<i32>} : memref<192x512xf32, #tpu.memory_space<vmem>>, vector<1x16xf32>,
        %get3A_232 = arith.index_cast %while3A_149 : i32 to index
        %get3A_233 = arith.constant 112 : index
        %get3A_234 = tpu.vector_load %arg6[%get3A_232, %get3A_233] {strides = array<i32>} : memref<192x512xf32, #tpu.memory_space<vmem>>, vector<1x16xf32>,
        %get3A_235 = vector.shape_cast %get3A_234 : vector<1x16xf32> to vector<16xf32>
        %mul3A_236 = arith.constant 4.75682831 : f32
        %mul3A_237 = vector.broadcast %mul3A_236 : f32 to vector<16xf32>
        %mul3A_238 = arith.mulf %get3A_235, %mul3A_237 : vector<16xf32>
        %swap3A_239 = arith.index_cast %while3A_149 : i32 to index
        %swap3A_240 = arith.constant 112 : index
        %swap3A_241 = tpu.vector_load %arg6[%swap3A_239, %swap3A_240] {strides = array<i32>} : memref<192x512xf32, #tpu.memory_space<vmem>>, vector<1x16xf32>,
        %swap3A_242 = vector.shape_cast %swap3A_241 : vector<1x16xf32> to vector<16xf32>
        %swap3A_243 = vector.shape_cast %mul3A_238 : vector<16xf32> to vector<1x16xf32>
        tpu.vector_store %arg6[%swap3A_239, %swap3A_240], %swap3A_243 {strides = array<i32>} : memref<192x512xf32, #tpu.memory_space<vmem>>, vector<1x16xf32>,
        %get3A_244 = arith.index_cast %while3A_149 : i32 to index
        %get3A_245 = arith.constant 128 : index
        %get3A_246 = tpu.vector_load %arg6[%get3A_244, %get3A_245] {strides = array<i32>} : memref<192x512xf32, #tpu.memory_space<vmem>>, vector<1x16xf32>,
        %get3A_247 = vector.shape_cast %get3A_246 : vector<1x16xf32> to vector<16xf32>
        %mul3A_248 = arith.constant 4.75682831 : f32
        %mul3A_249 = vector.broadcast %mul3A_248 : f32 to vector<16xf32>
        %mul3A_250 = arith.mulf %get3A_247, %mul3A_249 : vector<16xf32>
        %swap3A_251 = arith.index_cast %while3A_149 : i32 to index
        %swap3A_252 = arith.constant 128 : index
        %swap3A_253 = tpu.vector_load %arg6[%swap3A_251, %swap3A_252] {strides = array<i32>} : memref<192x512xf32, #tpu.memory_space<vmem>>, vector<1x16xf32>,
        %swap3A_254 = vector.shape_cast %swap3A_253 : vector<1x16xf32> to vector<16xf32>
        %swap3A_255 = vector.shape_cast %mul3A_250 : vector<16xf32> to vector<1x16xf32>
        tpu.vector_store %arg6[%swap3A_251, %swap3A_252], %swap3A_255 {strides = array<i32>} : memref<192x512xf32, #tpu.memory_space<vmem>>, vector<1x16xf32>,
        %get3A_256 = arith.index_cast %while3A_149 : i32 to index
        %get3A_257 = arith.constant 144 : index
        %get3A_258 = tpu.vector_load %arg6[%get3A_256, %get3A_257] {strides = array<i32>} : memref<192x512xf32, #tpu.memory_space<vmem>>, vector<1x16xf32>,
        %get3A_259 = vector.shape_cast %get3A_258 : vector<1x16xf32> to vector<16xf32>
        %mul3A_260 = arith.constant 4.75682831 : f32
        %mul3A_261 = vector.broadcast %mul3A_260 : f32 to vector<16xf32>
        %mul3A_262 = arith.mulf %get3A_259, %mul3A_261 : vector<16xf32>
        %swap3A_263 = arith.index_cast %while3A_149 : i32 to index
        %swap3A_264 = arith.constant 144 : index
        %swap3A_265 = tpu.vector_load %arg6[%swap3A_263, %swap3A_264] {strides = array<i32>} : memref<192x512xf32, #tpu.memory_space<vmem>>, vector<1x16xf32>,
        %swap3A_266 = vector.shape_cast %swap3A_265 : vector<1x16xf32> to vector<16xf32>
        %swap3A_267 = vector.shape_cast %mul3A_262 : vector<16xf32> to vector<1x16xf32>
        tpu.vector_store %arg6[%swap3A_263, %swap3A_264], %swap3A_267 {strides = array<i32>} : memref<192x512xf32, #tpu.memory_space<vmem>>, vector<1x16xf32>,
        %get3A_268 = arith.index_cast %while3A_149 : i32 to index
        %get3A_269 = arith.constant 160 : index
        %get3A_270 = tpu.vector_load %arg6[%get3A_268, %get3A_269] {strides = array<i32>} : memref<192x512xf32, #tpu.memory_space<vmem>>, vector<1x16xf32>,
        %get3A_271 = vector.shape_cast %get3A_270 : vector<1x16xf32> to vector<16xf32>
        %mul3A_272 = arith.constant 4.75682831 : f32
        %mul3A_273 = vector.broadcast %mul3A_272 : f32 to vector<16xf32>
        %mul3A_274 = arith.mulf %get3A_271, %mul3A_273 : vector<16xf32>
        %swap3A_275 = arith.index_cast %while3A_149 : i32 to index
        %swap3A_276 = arith.constant 160 : index
        %swap3A_277 = tpu.vector_load %arg6[%swap3A_275, %swap3A_276] {strides = array<i32>} : memref<192x512xf32, #tpu.memory_space<vmem>>, vector<1x16xf32>,
        %swap3A_278 = vector.shape_cast %swap3A_277 : vector<1x16xf32> to vector<16xf32>
        %swap3A_279 = vector.shape_cast %mul3A_274 : vector<16xf32> to vector<1x16xf32>
        tpu.vector_store %arg6[%swap3A_275, %swap3A_276], %swap3A_279 {strides = array<i32>} : memref<192x512xf32, #tpu.memory_space<vmem>>, vector<1x16xf32>,
        %get3A_280 = arith.index_cast %while3A_149 : i32 to index
        %get3A_281 = arith.constant 176 : index
        %get3A_282 = tpu.vector_load %arg6[%get3A_280, %get3A_281] {strides = array<i32>} : memref<192x512xf32, #tpu.memory_space<vmem>>, vector<1x16xf32>,
        %get3A_283 = vector.shape_cast %get3A_282 : vector<1x16xf32> to vector<16xf32>
        %mul3A_284 = arith.constant 4.75682831 : f32
        %mul3A_285 = vector.broadcast %mul3A_284 : f32 to vector<16xf32>
        %mul3A_286 = arith.mulf %get3A_283, %mul3A_285 : vector<16xf32>
        %swap3A_287 = arith.index_cast %while3A_149 : i32 to index
        %swap3A_288 = arith.constant 176 : index
        %swap3A_289 = tpu.vector_load %arg6[%swap3A_287, %swap3A_288] {strides = array<i32>} : memref<192x512xf32, #tpu.memory_space<vmem>>, vector<1x16xf32>,
        %swap3A_290 = vector.shape_cast %swap3A_289 : vector<1x16xf32> to vector<16xf32>
        %swap3A_291 = vector.shape_cast %mul3A_286 : vector<16xf32> to vector<1x16xf32>
        tpu.vector_store %arg6[%swap3A_287, %swap3A_288], %swap3A_291 {strides = array<i32>} : memref<192x512xf32, #tpu.memory_space<vmem>>, vector<1x16xf32>,
        %get3A_292 = arith.index_cast %while3A_149 : i32 to index
        %get3A_293 = arith.constant 192 : index
        %get3A_294 = tpu.vector_load %arg6[%get3A_292, %get3A_293] {strides = array<i32>} : memref<192x512xf32, #tpu.memory_space<vmem>>, vector<1x16xf32>,
        %get3A_295 = vector.shape_cast %get3A_294 : vector<1x16xf32> to vector<16xf32>
        %mul3A_296 = arith.constant 4.75682831 : f32
        %mul3A_297 = vector.broadcast %mul3A_296 : f32 to vector<16xf32>
        %mul3A_298 = arith.mulf %get3A_295, %mul3A_297 : vector<16xf32>
        %swap3A_299 = arith.index_cast %while3A_149 : i32 to index
        %swap3A_300 = arith.constant 192 : index
        %swap3A_301 = tpu.vector_load %arg6[%swap3A_299, %swap3A_300] {strides = array<i32>} : memref<192x512xf32, #tpu.memory_space<vmem>>, vector<1x16xf32>,
        %swap3A_302 = vector.shape_cast %swap3A_301 : vector<1x16xf32> to vector<16xf32>
        %swap3A_303 = vector.shape_cast %mul3A_298 : vector<16xf32> to vector<1x16xf32>
        tpu.vector_store %arg6[%swap3A_299, %swap3A_300], %swap3A_303 {strides = array<i32>} : memref<192x512xf32, #tpu.memory_space<vmem>>, vector<1x16xf32>,
        %get3A_304 = arith.index_cast %while3A_149 : i32 to index
        %get3A_305 = arith.constant 208 : index
        %get3A_306 = tpu.vector_load %arg6[%get3A_304, %get3A_305] {strides = array<i32>} : memref<192x512xf32, #tpu.memory_space<vmem>>, vector<1x16xf32>,
        %get3A_307 = vector.shape_cast %get3A_306 : vector<1x16xf32> to vector<16xf32>
        %mul3A_308 = arith.constant 4.75682831 : f32
        %mul3A_309 = vector.broadcast %mul3A_308 : f32 to vector<16xf32>
        %mul3A_310 = arith.mulf %get3A_307, %mul3A_309 : vector<16xf32>
        %swap3A_311 = arith.index_cast %while3A_149 : i32 to index
        %swap3A_312 = arith.constant 208 : index
        %swap3A_313 = tpu.vector_load %arg6[%swap3A_311, %swap3A_312] {strides = array<i32>} : memref<192x512xf32, #tpu.memory_space<vmem>>, vector<1x16xf32>,
        %swap3A_314 = vector.shape_cast %swap3A_313 : vector<1x16xf32> to vector<16xf32>
        %swap3A_315 = vector.shape_cast %mul3A_310 : vector<16xf32> to vector<1x16xf32>
        tpu.vector_store %arg6[%swap3A_311, %swap3A_312], %swap3A_315 {strides = array<i32>} : memref<192x512xf32, #tpu.memory_space<vmem>>, vector<1x16xf32>,
        %get3A_316 = arith.index_cast %while3A_149 : i32 to index
        %get3A_317 = arith.constant 224 : index
        %get3A_318 = tpu.vector_load %arg6[%get3A_316, %get3A_317] {strides = array<i32>} : memref<192x512xf32, #tpu.memory_space<vmem>>, vector<1x16xf32>,
        %get3A_319 = vector.shape_cast %get3A_318 : vector<1x16xf32> to vector<16xf32>
        %mul3A_320 = arith.constant 4.75682831 : f32
        %mul3A_321 = vector.broadcast %mul3A_320 : f32 to vector<16xf32>
        %mul3A_322 = arith.mulf %get3A_319, %mul3A_321 : vector<16xf32>
        %swap3A_323 = arith.index_cast %while3A_149 : i32 to index
        %swap3A_324 = arith.constant 224 : index
        %swap3A_325 = tpu.vector_load %arg6[%swap3A_323, %swap3A_324] {strides = array<i32>} : memref<192x512xf32, #tpu.memory_space<vmem>>, vector<1x16xf32>,
        %swap3A_326 = vector.shape_cast %swap3A_325 : vector<1x16xf32> to vector<16xf32>
        %swap3A_327 = vector.shape_cast %mul3A_322 : vector<16xf32> to vector<1x16xf32>
        tpu.vector_store %arg6[%swap3A_323, %swap3A_324], %swap3A_327 {strides = array<i32>} : memref<192x512xf32, #tpu.memory_space<vmem>>, vector<1x16xf32>,
        %get3A_328 = arith.index_cast %while3A_149 : i32 to index
        %get3A_329 = arith.constant 240 : index
        %get3A_330 = tpu.vector_load %arg6[%get3A_328, %get3A_329] {strides = array<i32>} : memref<192x512xf32, #tpu.memory_space<vmem>>, vector<1x16xf32>,
        %get3A_331 = vector.shape_cast %get3A_330 : vector<1x16xf32> to vector<16xf32>
        %mul3A_332 = arith.constant 4.75682831 : f32
        %mul3A_333 = vector.broadcast %mul3A_332 : f32 to vector<16xf32>
        %mul3A_334 = arith.mulf %get3A_331, %mul3A_333 : vector<16xf32>
        %swap3A_335 = arith.index_cast %while3A_149 : i32 to index
        %swap3A_336 = arith.constant 240 : index
        %swap3A_337 = tpu.vector_load %arg6[%swap3A_335, %swap3A_336] {strides = array<i32>} : memref<192x512xf32, #tpu.memory_space<vmem>>, vector<1x16xf32>,
        %swap3A_338 = vector.shape_cast %swap3A_337 : vector<1x16xf32> to vector<16xf32>
        %swap3A_339 = vector.shape_cast %mul3A_334 : vector<16xf32> to vector<1x16xf32>
        tpu.vector_store %arg6[%swap3A_335, %swap3A_336], %swap3A_339 {strides = array<i32>} : memref<192x512xf32, #tpu.memory_space<vmem>>, vector<1x16xf32>,
        %get3A_340 = arith.index_cast %while3A_149 : i32 to index
        %get3A_341 = arith.constant 256 : index
        %get3A_342 = tpu.vector_load %arg6[%get3A_340, %get3A_341] {strides = array<i32>} : memref<192x512xf32, #tpu.memory_space<vmem>>, vector<1x16xf32>,
        %get3A_343 = vector.shape_cast %get3A_342 : vector<1x16xf32> to vector<16xf32>
        %mul3A_344 = arith.constant 4.75682831 : f32
        %mul3A_345 = vector.broadcast %mul3A_344 : f32 to vector<16xf32>
        %mul3A_346 = arith.mulf %get3A_343, %mul3A_345 : vector<16xf32>
        %swap3A_347 = arith.index_cast %while3A_149 : i32 to index
        %swap3A_348 = arith.constant 256 : index
        %swap3A_349 = tpu.vector_load %arg6[%swap3A_347, %swap3A_348] {strides = array<i32>} : memref<192x512xf32, #tpu.memory_space<vmem>>, vector<1x16xf32>,
        %swap3A_350 = vector.shape_cast %swap3A_349 : vector<1x16xf32> to vector<16xf32>
        %swap3A_351 = vector.shape_cast %mul3A_346 : vector<16xf32> to vector<1x16xf32>
        tpu.vector_store %arg6[%swap3A_347, %swap3A_348], %swap3A_351 {strides = array<i32>} : memref<192x512xf32, #tpu.memory_space<vmem>>, vector<1x16xf32>,
        %get3A_352 = arith.index_cast %while3A_149 : i32 to index
        %get3A_353 = arith.constant 272 : index
        %get3A_354 = tpu.vector_load %arg6[%get3A_352, %get3A_353] {strides = array<i32>} : memref<192x512xf32, #tpu.memory_space<vmem>>, vector<1x16xf32>,
        %get3A_355 = vector.shape_cast %get3A_354 : vector<1x16xf32> to vector<16xf32>
        %mul3A_356 = arith.constant 4.75682831 : f32
        %mul3A_357 = vector.broadcast %mul3A_356 : f32 to vector<16xf32>
        %mul3A_358 = arith.mulf %get3A_355, %mul3A_357 : vector<16xf32>
        %swap3A_359 = arith.index_cast %while3A_149 : i32 to index
        %swap3A_360 = arith.constant 272 : index
        %swap3A_361 = tpu.vector_load %arg6[%swap3A_359, %swap3A_360] {strides = array<i32>} : memref<192x512xf32, #tpu.memory_space<vmem>>, vector<1x16xf32>,
        %swap3A_362 = vector.shape_cast %swap3A_361 : vector<1x16xf32> to vector<16xf32>
        %swap3A_363 = vector.shape_cast %mul3A_358 : vector<16xf32> to vector<1x16xf32>
        tpu.vector_store %arg6[%swap3A_359, %swap3A_360], %swap3A_363 {strides = array<i32>} : memref<192x512xf32, #tpu.memory_space<vmem>>, vector<1x16xf32>,
        %get3A_364 = arith.index_cast %while3A_149 : i32 to index
        %get3A_365 = arith.constant 288 : index
        %get3A_366 = tpu.vector_load %arg6[%get3A_364, %get3A_365] {strides = array<i32>} : memref<192x512xf32, #tpu.memory_space<vmem>>, vector<1x16xf32>,
        %get3A_367 = vector.shape_cast %get3A_366 : vector<1x16xf32> to vector<16xf32>
        %mul3A_368 = arith.constant 4.75682831 : f32
        %mul3A_369 = vector.broadcast %mul3A_368 : f32 to vector<16xf32>
        %mul3A_370 = arith.mulf %get3A_367, %mul3A_369 : vector<16xf32>
        %swap3A_371 = arith.index_cast %while3A_149 : i32 to index
        %swap3A_372 = arith.constant 288 : index
        %swap3A_373 = tpu.vector_load %arg6[%swap3A_371, %swap3A_372] {strides = array<i32>} : memref<192x512xf32, #tpu.memory_space<vmem>>, vector<1x16xf32>,
        %swap3A_374 = vector.shape_cast %swap3A_373 : vector<1x16xf32> to vector<16xf32>
        %swap3A_375 = vector.shape_cast %mul3A_370 : vector<16xf32> to vector<1x16xf32>
        tpu.vector_store %arg6[%swap3A_371, %swap3A_372], %swap3A_375 {strides = array<i32>} : memref<192x512xf32, #tpu.memory_space<vmem>>, vector<1x16xf32>,
        %get3A_376 = arith.index_cast %while3A_149 : i32 to index
        %get3A_377 = arith.constant 304 : index
        %get3A_378 = tpu.vector_load %arg6[%get3A_376, %get3A_377] {strides = array<i32>} : memref<192x512xf32, #tpu.memory_space<vmem>>, vector<1x16xf32>,
        %get3A_379 = vector.shape_cast %get3A_378 : vector<1x16xf32> to vector<16xf32>
        %mul3A_380 = arith.constant 4.75682831 : f32
        %mul3A_381 = vector.broadcast %mul3A_380 : f32 to vector<16xf32>
        %mul3A_382 = arith.mulf %get3A_379, %mul3A_381 : vector<16xf32>
        %swap3A_383 = arith.index_cast %while3A_149 : i32 to index
        %swap3A_384 = arith.constant 304 : index
        %swap3A_385 = tpu.vector_load %arg6[%swap3A_383, %swap3A_384] {strides = array<i32>} : memref<192x512xf32, #tpu.memory_space<vmem>>, vector<1x16xf32>,
        %swap3A_386 = vector.shape_cast %swap3A_385 : vector<1x16xf32> to vector<16xf32>
        %swap3A_387 = vector.shape_cast %mul3A_382 : vector<16xf32> to vector<1x16xf32>
        tpu.vector_store %arg6[%swap3A_383, %swap3A_384], %swap3A_387 {strides = array<i32>} : memref<192x512xf32, #tpu.memory_space<vmem>>, vector<1x16xf32>,
        %get3A_388 = arith.index_cast %while3A_149 : i32 to index
        %get3A_389 = arith.constant 320 : index
        %get3A_390 = tpu.vector_load %arg6[%get3A_388, %get3A_389] {strides = array<i32>} : memref<192x512xf32, #tpu.memory_space<vmem>>, vector<1x16xf32>,
        %get3A_391 = vector.shape_cast %get3A_390 : vector<1x16xf32> to vector<16xf32>
        %mul3A_392 = arith.constant 4.75682831 : f32
        %mul3A_393 = vector.broadcast %mul3A_392 : f32 to vector<16xf32>
        %mul3A_394 = arith.mulf %get3A_391, %mul3A_393 : vector<16xf32>
        %swap3A_395 = arith.index_cast %while3A_149 : i32 to index
        %swap3A_396 = arith.constant 320 : index
        %swap3A_397 = tpu.vector_load %arg6[%swap3A_395, %swap3A_396] {strides = array<i32>} : memref<192x512xf32, #tpu.memory_space<vmem>>, vector<1x16xf32>,
        %swap3A_398 = vector.shape_cast %swap3A_397 : vector<1x16xf32> to vector<16xf32>
        %swap3A_399 = vector.shape_cast %mul3A_394 : vector<16xf32> to vector<1x16xf32>
        tpu.vector_store %arg6[%swap3A_395, %swap3A_396], %swap3A_399 {strides = array<i32>} : memref<192x512xf32, #tpu.memory_space<vmem>>, vector<1x16xf32>,
        %get3A_400 = arith.index_cast %while3A_149 : i32 to index
        %get3A_401 = arith.constant 336 : index
        %get3A_402 = tpu.vector_load %arg6[%get3A_400, %get3A_401] {strides = array<i32>} : memref<192x512xf32, #tpu.memory_space<vmem>>, vector<1x16xf32>,
        %get3A_403 = vector.shape_cast %get3A_402 : vector<1x16xf32> to vector<16xf32>
        %mul3A_404 = arith.constant 4.75682831 : f32
        %mul3A_405 = vector.broadcast %mul3A_404 : f32 to vector<16xf32>
        %mul3A_406 = arith.mulf %get3A_403, %mul3A_405 : vector<16xf32>
        %swap3A_407 = arith.index_cast %while3A_149 : i32 to index
        %swap3A_408 = arith.constant 336 : index
        %swap3A_409 = tpu.vector_load %arg6[%swap3A_407, %swap3A_408] {strides = array<i32>} : memref<192x512xf32, #tpu.memory_space<vmem>>, vector<1x16xf32>,
        %swap3A_410 = vector.shape_cast %swap3A_409 : vector<1x16xf32> to vector<16xf32>
        %swap3A_411 = vector.shape_cast %mul3A_406 : vector<16xf32> to vector<1x16xf32>
        tpu.vector_store %arg6[%swap3A_407, %swap3A_408], %swap3A_411 {strides = array<i32>} : memref<192x512xf32, #tpu.memory_space<vmem>>, vector<1x16xf32>,
        %get3A_412 = arith.index_cast %while3A_149 : i32 to index
        %get3A_413 = arith.constant 352 : index
        %get3A_414 = tpu.vector_load %arg6[%get3A_412, %get3A_413] {strides = array<i32>} : memref<192x512xf32, #tpu.memory_space<vmem>>, vector<1x16xf32>,
        %get3A_415 = vector.shape_cast %get3A_414 : vector<1x16xf32> to vector<16xf32>
        %mul3A_416 = arith.constant 4.75682831 : f32
        %mul3A_417 = vector.broadcast %mul3A_416 : f32 to vector<16xf32>
        %mul3A_418 = arith.mulf %get3A_415, %mul3A_417 : vector<16xf32>
        %swap3A_419 = arith.index_cast %while3A_149 : i32 to index
        %swap3A_420 = arith.constant 352 : index
        %swap3A_421 = tpu.vector_load %arg6[%swap3A_419, %swap3A_420] {strides = array<i32>} : memref<192x512xf32, #tpu.memory_space<vmem>>, vector<1x16xf32>,
        %swap3A_422 = vector.shape_cast %swap3A_421 : vector<1x16xf32> to vector<16xf32>
        %swap3A_423 = vector.shape_cast %mul3A_418 : vector<16xf32> to vector<1x16xf32>
        tpu.vector_store %arg6[%swap3A_419, %swap3A_420], %swap3A_423 {strides = array<i32>} : memref<192x512xf32, #tpu.memory_space<vmem>>, vector<1x16xf32>,
        %get3A_424 = arith.index_cast %while3A_149 : i32 to index
        %get3A_425 = arith.constant 368 : index
        %get3A_426 = tpu.vector_load %arg6[%get3A_424, %get3A_425] {strides = array<i32>} : memref<192x512xf32, #tpu.memory_space<vmem>>, vector<1x16xf32>,
        %get3A_427 = vector.shape_cast %get3A_426 : vector<1x16xf32> to vector<16xf32>
        %mul3A_428 = arith.constant 4.75682831 : f32
        %mul3A_429 = vector.broadcast %mul3A_428 : f32 to vector<16xf32>
        %mul3A_430 = arith.mulf %get3A_427, %mul3A_429 : vector<16xf32>
        %swap3A_431 = arith.index_cast %while3A_149 : i32 to index
        %swap3A_432 = arith.constant 368 : index
        %swap3A_433 = tpu.vector_load %arg6[%swap3A_431, %swap3A_432] {strides = array<i32>} : memref<192x512xf32, #tpu.memory_space<vmem>>, vector<1x16xf32>,
        %swap3A_434 = vector.shape_cast %swap3A_433 : vector<1x16xf32> to vector<16xf32>
        %swap3A_435 = vector.shape_cast %mul3A_430 : vector<16xf32> to vector<1x16xf32>
        tpu.vector_store %arg6[%swap3A_431, %swap3A_432], %swap3A_435 {strides = array<i32>} : memref<192x512xf32, #tpu.memory_space<vmem>>, vector<1x16xf32>,
        %get3A_436 = arith.index_cast %while3A_149 : i32 to index
        %get3A_437 = arith.constant 384 : index
        %get3A_438 = tpu.vector_load %arg6[%get3A_436, %get3A_437] {strides = array<i32>} : memref<192x512xf32, #tpu.memory_space<vmem>>, vector<1x16xf32>,
        %get3A_439 = vector.shape_cast %get3A_438 : vector<1x16xf32> to vector<16xf32>
        %mul3A_440 = arith.constant 4.75682831 : f32
        %mul3A_441 = vector.broadcast %mul3A_440 : f32 to vector<16xf32>
        %mul3A_442 = arith.mulf %get3A_439, %mul3A_441 : vector<16xf32>
        %swap3A_443 = arith.index_cast %while3A_149 : i32 to index
        %swap3A_444 = arith.constant 384 : index
        %swap3A_445 = tpu.vector_load %arg6[%swap3A_443, %swap3A_444] {strides = array<i32>} : memref<192x512xf32, #tpu.memory_space<vmem>>, vector<1x16xf32>,
        %swap3A_446 = vector.shape_cast %swap3A_445 : vector<1x16xf32> to vector<16xf32>
        %swap3A_447 = vector.shape_cast %mul3A_442 : vector<16xf32> to vector<1x16xf32>
        tpu.vector_store %arg6[%swap3A_443, %swap3A_444], %swap3A_447 {strides = array<i32>} : memref<192x512xf32, #tpu.memory_space<vmem>>, vector<1x16xf32>,
        %get3A_448 = arith.index_cast %while3A_149 : i32 to index
        %get3A_449 = arith.constant 400 : index
        %get3A_450 = tpu.vector_load %arg6[%get3A_448, %get3A_449] {strides = array<i32>} : memref<192x512xf32, #tpu.memory_space<vmem>>, vector<1x16xf32>,
        %get3A_451 = vector.shape_cast %get3A_450 : vector<1x16xf32> to vector<16xf32>
        %mul3A_452 = arith.constant 4.75682831 : f32
        %mul3A_453 = vector.broadcast %mul3A_452 : f32 to vector<16xf32>
        %mul3A_454 = arith.mulf %get3A_451, %mul3A_453 : vector<16xf32>
        %swap3A_455 = arith.index_cast %while3A_149 : i32 to index
        %swap3A_456 = arith.constant 400 : index
        %swap3A_457 = tpu.vector_load %arg6[%swap3A_455, %swap3A_456] {strides = array<i32>} : memref<192x512xf32, #tpu.memory_space<vmem>>, vector<1x16xf32>,
        %swap3A_458 = vector.shape_cast %swap3A_457 : vector<1x16xf32> to vector<16xf32>
        %swap3A_459 = vector.shape_cast %mul3A_454 : vector<16xf32> to vector<1x16xf32>
        tpu.vector_store %arg6[%swap3A_455, %swap3A_456], %swap3A_459 {strides = array<i32>} : memref<192x512xf32, #tpu.memory_space<vmem>>, vector<1x16xf32>,
        %get3A_460 = arith.index_cast %while3A_149 : i32 to index
        %get3A_461 = arith.constant 416 : index
        %get3A_462 = tpu.vector_load %arg6[%get3A_460, %get3A_461] {strides = array<i32>} : memref<192x512xf32, #tpu.memory_space<vmem>>, vector<1x16xf32>,
        %get3A_463 = vector.shape_cast %get3A_462 : vector<1x16xf32> to vector<16xf32>
        %mul3A_464 = arith.constant 4.75682831 : f32
        %mul3A_465 = vector.broadcast %mul3A_464 : f32 to vector<16xf32>
        %mul3A_466 = arith.mulf %get3A_463, %mul3A_465 : vector<16xf32>
        %swap3A_467 = arith.index_cast %while3A_149 : i32 to index
        %swap3A_468 = arith.constant 416 : index
        %swap3A_469 = tpu.vector_load %arg6[%swap3A_467, %swap3A_468] {strides = array<i32>} : memref<192x512xf32, #tpu.memory_space<vmem>>, vector<1x16xf32>,
        %swap3A_470 = vector.shape_cast %swap3A_469 : vector<1x16xf32> to vector<16xf32>
        %swap3A_471 = vector.shape_cast %mul3A_466 : vector<16xf32> to vector<1x16xf32>
        tpu.vector_store %arg6[%swap3A_467, %swap3A_468], %swap3A_471 {strides = array<i32>} : memref<192x512xf32, #tpu.memory_space<vmem>>, vector<1x16xf32>,
        %get3A_472 = arith.index_cast %while3A_149 : i32 to index
        %get3A_473 = arith.constant 432 : index
        %get3A_474 = tpu.vector_load %arg6[%get3A_472, %get3A_473] {strides = array<i32>} : memref<192x512xf32, #tpu.memory_space<vmem>>, vector<1x16xf32>,
        %get3A_475 = vector.shape_cast %get3A_474 : vector<1x16xf32> to vector<16xf32>
        %mul3A_476 = arith.constant 4.75682831 : f32
        %mul3A_477 = vector.broadcast %mul3A_476 : f32 to vector<16xf32>
        %mul3A_478 = arith.mulf %get3A_475, %mul3A_477 : vector<16xf32>
        %swap3A_479 = arith.index_cast %while3A_149 : i32 to index
        %swap3A_480 = arith.constant 432 : index
        %swap3A_481 = tpu.vector_load %arg6[%swap3A_479, %swap3A_480] {strides = array<i32>} : memref<192x512xf32, #tpu.memory_space<vmem>>, vector<1x16xf32>,
        %swap3A_482 = vector.shape_cast %swap3A_481 : vector<1x16xf32> to vector<16xf32>
        %swap3A_483 = vector.shape_cast %mul3A_478 : vector<16xf32> to vector<1x16xf32>
        tpu.vector_store %arg6[%swap3A_479, %swap3A_480], %swap3A_483 {strides = array<i32>} : memref<192x512xf32, #tpu.memory_space<vmem>>, vector<1x16xf32>,
        %get3A_484 = arith.index_cast %while3A_149 : i32 to index
        %get3A_485 = arith.constant 448 : index
        %get3A_486 = tpu.vector_load %arg6[%get3A_484, %get3A_485] {strides = array<i32>} : memref<192x512xf32, #tpu.memory_space<vmem>>, vector<1x16xf32>,
        %get3A_487 = vector.shape_cast %get3A_486 : vector<1x16xf32> to vector<16xf32>
        %mul3A_488 = arith.constant 4.75682831 : f32
        %mul3A_489 = vector.broadcast %mul3A_488 : f32 to vector<16xf32>
        %mul3A_490 = arith.mulf %get3A_487, %mul3A_489 : vector<16xf32>
        %swap3A_491 = arith.index_cast %while3A_149 : i32 to index
        %swap3A_492 = arith.constant 448 : index
        %swap3A_493 = tpu.vector_load %arg6[%swap3A_491, %swap3A_492] {strides = array<i32>} : memref<192x512xf32, #tpu.memory_space<vmem>>, vector<1x16xf32>,
        %swap3A_494 = vector.shape_cast %swap3A_493 : vector<1x16xf32> to vector<16xf32>
        %swap3A_495 = vector.shape_cast %mul3A_490 : vector<16xf32> to vector<1x16xf32>
        tpu.vector_store %arg6[%swap3A_491, %swap3A_492], %swap3A_495 {strides = array<i32>} : memref<192x512xf32, #tpu.memory_space<vmem>>, vector<1x16xf32>,
        %get3A_496 = arith.index_cast %while3A_149 : i32 to index
        %get3A_497 = arith.constant 464 : index
        %get3A_498 = tpu.vector_load %arg6[%get3A_496, %get3A_497] {strides = array<i32>} : memref<192x512xf32, #tpu.memory_space<vmem>>, vector<1x16xf32>,
        %get3A_499 = vector.shape_cast %get3A_498 : vector<1x16xf32> to vector<16xf32>
        %mul3A_500 = arith.constant 4.75682831 : f32
        %mul3A_501 = vector.broadcast %mul3A_500 : f32 to vector<16xf32>
        %mul3A_502 = arith.mulf %get3A_499, %mul3A_501 : vector<16xf32>
        %swap3A_503 = arith.index_cast %while3A_149 : i32 to index
        %swap3A_504 = arith.constant 464 : index
        %swap3A_505 = tpu.vector_load %arg6[%swap3A_503, %swap3A_504] {strides = array<i32>} : memref<192x512xf32, #tpu.memory_space<vmem>>, vector<1x16xf32>,
        %swap3A_506 = vector.shape_cast %swap3A_505 : vector<1x16xf32> to vector<16xf32>
        %swap3A_507 = vector.shape_cast %mul3A_502 : vector<16xf32> to vector<1x16xf32>
        tpu.vector_store %arg6[%swap3A_503, %swap3A_504], %swap3A_507 {strides = array<i32>} : memref<192x512xf32, #tpu.memory_space<vmem>>, vector<1x16xf32>,
        %get3A_508 = arith.index_cast %while3A_149 : i32 to index
        %get3A_509 = arith.constant 480 : index
        %get3A_510 = tpu.vector_load %arg6[%get3A_508, %get3A_509] {strides = array<i32>} : memref<192x512xf32, #tpu.memory_space<vmem>>, vector<1x16xf32>,
        %get3A_511 = vector.shape_cast %get3A_510 : vector<1x16xf32> to vector<16xf32>
        %mul3A_512 = arith.constant 4.75682831 : f32
        %mul3A_513 = vector.broadcast %mul3A_512 : f32 to vector<16xf32>
        %mul3A_514 = arith.mulf %get3A_511, %mul3A_513 : vector<16xf32>
        %swap3A_515 = arith.index_cast %while3A_149 : i32 to index
        %swap3A_516 = arith.constant 480 : index
        %swap3A_517 = tpu.vector_load %arg6[%swap3A_515, %swap3A_516] {strides = array<i32>} : memref<192x512xf32, #tpu.memory_space<vmem>>, vector<1x16xf32>,
        %swap3A_518 = vector.shape_cast %swap3A_517 : vector<1x16xf32> to vector<16xf32>
        %swap3A_519 = vector.shape_cast %mul3A_514 : vector<16xf32> to vector<1x16xf32>
        tpu.vector_store %arg6[%swap3A_515, %swap3A_516], %swap3A_519 {strides = array<i32>} : memref<192x512xf32, #tpu.memory_space<vmem>>, vector<1x16xf32>,
        %get3A_520 = arith.index_cast %while3A_149 : i32 to index
        %get3A_521 = arith.constant 496 : index
        %get3A_522 = tpu.vector_load %arg6[%get3A_520, %get3A_521] {strides = array<i32>} : memref<192x512xf32, #tpu.memory_space<vmem>>, vector<1x16xf32>,
        %get3A_523 = vector.shape_cast %get3A_522 : vector<1x16xf32> to vector<16xf32>
        %mul3A_524 = arith.constant 4.75682831 : f32
        %mul3A_525 = vector.broadcast %mul3A_524 : f32 to vector<16xf32>
        %mul3A_526 = arith.mulf %get3A_523, %mul3A_525 : vector<16xf32>
        %swap3A_527 = arith.index_cast %while3A_149 : i32 to index
        %swap3A_528 = arith.constant 496 : index
        %swap3A_529 = tpu.vector_load %arg6[%swap3A_527, %swap3A_528] {strides = array<i32>} : memref<192x512xf32, #tpu.memory_space<vmem>>, vector<1x16xf32>,
        %swap3A_530 = vector.shape_cast %swap3A_529 : vector<1x16xf32> to vector<16xf32>
        %swap3A_531 = vector.shape_cast %mul3A_526 : vector<16xf32> to vector<1x16xf32>
        tpu.vector_store %arg6[%swap3A_527, %swap3A_528], %swap3A_531 {strides = array<i32>} : memref<192x512xf32, #tpu.memory_space<vmem>>, vector<1x16xf32>,
      }
      %while3A_92 = arith.constant 1 : i32
      scf.for %while3A_149 = %while3A_90 to %while3A_86 step %while3A_92  : i32 {
        %get3A = arith.index_cast %while3A_149 : i32 to index
        %get3A_150 = arith.constant 0 : index
        %get3A_151 = tpu.vector_load %arg6[%get3A, %get3A_150] {strides = array<i32>} : memref<192x512xf32, #tpu.memory_space<vmem>>, vector<1x16xf32>,
        %get3A_152 = vector.shape_cast %get3A_151 : vector<1x16xf32> to vector<16xf32>
        %mul3A_153 = arith.constant 4.75682831 : f32
        %mul3A_154 = vector.broadcast %mul3A_153 : f32 to vector<16xf32>
        %mul3A_155 = arith.mulf %get3A_152, %mul3A_154 : vector<16xf32>
        %swap3A = arith.index_cast %while3A_149 : i32 to index
        %swap3A_156 = arith.constant 0 : index
        %swap3A_157 = tpu.vector_load %arg6[%swap3A, %swap3A_156] {strides = array<i32>} : memref<192x512xf32, #tpu.memory_space<vmem>>, vector<1x16xf32>,
        %swap3A_158 = vector.shape_cast %swap3A_157 : vector<1x16xf32> to vector<16xf32>
        %swap3A_159 = vector.shape_cast %mul3A_155 : vector<16xf32> to vector<1x16xf32>
        tpu.vector_store %arg6[%swap3A, %swap3A_156], %swap3A_159 {strides = array<i32>} : memref<192x512xf32, #tpu.memory_space<vmem>>, vector<1x16xf32>,
        %get3A_160 = arith.index_cast %while3A_149 : i32 to index
        %get3A_161 = arith.constant 16 : index
        %get3A_162 = tpu.vector_load %arg6[%get3A_160, %get3A_161] {strides = array<i32>} : memref<192x512xf32, #tpu.memory_space<vmem>>, vector<1x16xf32>,
        %get3A_163 = vector.shape_cast %get3A_162 : vector<1x16xf32> to vector<16xf32>
        %mul3A_164 = arith.constant 4.75682831 : f32
        %mul3A_165 = vector.broadcast %mul3A_164 : f32 to vector<16xf32>
        %mul3A_166 = arith.mulf %get3A_163, %mul3A_165 : vector<16xf32>
        %swap3A_167 = arith.index_cast %while3A_149 : i32 to index
        %swap3A_168 = arith.constant 16 : index
        %swap3A_169 = tpu.vector_load %arg6[%swap3A_167, %swap3A_168] {strides = array<i32>} : memref<192x512xf32, #tpu.memory_space<vmem>>, vector<1x16xf32>,
        %swap3A_170 = vector.shape_cast %swap3A_169 : vector<1x16xf32> to vector<16xf32>
        %swap3A_171 = vector.shape_cast %mul3A_166 : vector<16xf32> to vector<1x16xf32>
        tpu.vector_store %arg6[%swap3A_167, %swap3A_168], %swap3A_171 {strides = array<i32>} : memref<192x512xf32, #tpu.memory_space<vmem>>, vector<1x16xf32>,
        %get3A_172 = arith.index_cast %while3A_149 : i32 to index
        %get3A_173 = arith.constant 32 : index
        %get3A_174 = tpu.vector_load %arg6[%get3A_172, %get3A_173] {strides = array<i32>} : memref<192x512xf32, #tpu.memory_space<vmem>>, vector<1x16xf32>,
        %get3A_175 = vector.shape_cast %get3A_174 : vector<1x16xf32> to vector<16xf32>
        %mul3A_176 = arith.constant 4.75682831 : f32
        %mul3A_177 = vector.broadcast %mul3A_176 : f32 to vector<16xf32>
        %mul3A_178 = arith.mulf %get3A_175, %mul3A_177 : vector<16xf32>
        %swap3A_179 = arith.index_cast %while3A_149 : i32 to index
        %swap3A_180 = arith.constant 32 : index
        %swap3A_181 = tpu.vector_load %arg6[%swap3A_179, %swap3A_180] {strides = array<i32>} : memref<192x512xf32, #tpu.memory_space<vmem>>, vector<1x16xf32>,
        %swap3A_182 = vector.shape_cast %swap3A_181 : vector<1x16xf32> to vector<16xf32>
        %swap3A_183 = vector.shape_cast %mul3A_178 : vector<16xf32> to vector<1x16xf32>
        tpu.vector_store %arg6[%swap3A_179, %swap3A_180], %swap3A_183 {strides = array<i32>} : memref<192x512xf32, #tpu.memory_space<vmem>>, vector<1x16xf32>,
        %get3A_184 = arith.index_cast %while3A_149 : i32 to index
        %get3A_185 = arith.constant 48 : index
        %get3A_186 = tpu.vector_load %arg6[%get3A_184, %get3A_185] {strides = array<i32>} : memref<192x512xf32, #tpu.memory_space<vmem>>, vector<1x16xf32>,
        %get3A_187 = vector.shape_cast %get3A_186 : vector<1x16xf32> to vector<16xf32>
        %mul3A_188 = arith.constant 4.75682831 : f32
        %mul3A_189 = vector.broadcast %mul3A_188 : f32 to vector<16xf32>
        %mul3A_190 = arith.mulf %get3A_187, %mul3A_189 : vector<16xf32>
        %swap3A_191 = arith.index_cast %while3A_149 : i32 to index
        %swap3A_192 = arith.constant 48 : index
        %swap3A_193 = tpu.vector_load %arg6[%swap3A_191, %swap3A_192] {strides = array<i32>} : memref<192x512xf32, #tpu.memory_space<vmem>>, vector<1x16xf32>,
        %swap3A_194 = vector.shape_cast %swap3A_193 : vector<1x16xf32> to vector<16xf32>
        %swap3A_195 = vector.shape_cast %mul3A_190 : vector<16xf32> to vector<1x16xf32>
        tpu.vector_store %arg6[%swap3A_191, %swap3A_192], %swap3A_195 {strides = array<i32>} : memref<192x512xf32, #tpu.memory_space<vmem>>, vector<1x16xf32>,
        %get3A_196 = arith.index_cast %while3A_149 : i32 to index
        %get3A_197 = arith.constant 64 : index
        %get3A_198 = tpu.vector_load %arg6[%get3A_196, %get3A_197] {strides = array<i32>} : memref<192x512xf32, #tpu.memory_space<vmem>>, vector<1x16xf32>,
        %get3A_199 = vector.shape_cast %get3A_198 : vector<1x16xf32> to vector<16xf32>
        %mul3A_200 = arith.constant 4.75682831 : f32
        %mul3A_201 = vector.broadcast %mul3A_200 : f32 to vector<16xf32>
        %mul3A_202 = arith.mulf %get3A_199, %mul3A_201 : vector<16xf32>
        %swap3A_203 = arith.index_cast %while3A_149 : i32 to index
        %swap3A_204 = arith.constant 64 : index
        %swap3A_205 = tpu.vector_load %arg6[%swap3A_203, %swap3A_204] {strides = array<i32>} : memref<192x512xf32, #tpu.memory_space<vmem>>, vector<1x16xf32>,
        %swap3A_206 = vector.shape_cast %swap3A_205 : vector<1x16xf32> to vector<16xf32>
        %swap3A_207 = vector.shape_cast %mul3A_202 : vector<16xf32> to vector<1x16xf32>
        tpu.vector_store %arg6[%swap3A_203, %swap3A_204], %swap3A_207 {strides = array<i32>} : memref<192x512xf32, #tpu.memory_space<vmem>>, vector<1x16xf32>,
        %get3A_208 = arith.index_cast %while3A_149 : i32 to index
        %get3A_209 = arith.constant 80 : index
        %get3A_210 = tpu.vector_load %arg6[%get3A_208, %get3A_209] {strides = array<i32>} : memref<192x512xf32, #tpu.memory_space<vmem>>, vector<1x16xf32>,
        %get3A_211 = vector.shape_cast %get3A_210 : vector<1x16xf32> to vector<16xf32>
        %mul3A_212 = arith.constant 4.75682831 : f32
        %mul3A_213 = vector.broadcast %mul3A_212 : f32 to vector<16xf32>
        %mul3A_214 = arith.mulf %get3A_211, %mul3A_213 : vector<16xf32>
        %swap3A_215 = arith.index_cast %while3A_149 : i32 to index
        %swap3A_216 = arith.constant 80 : index
        %swap3A_217 = tpu.vector_load %arg6[%swap3A_215, %swap3A_216] {strides = array<i32>} : memref<192x512xf32, #tpu.memory_space<vmem>>, vector<1x16xf32>,
        %swap3A_218 = vector.shape_cast %swap3A_217 : vector<1x16xf32> to vector<16xf32>
        %swap3A_219 = vector.shape_cast %mul3A_214 : vector<16xf32> to vector<1x16xf32>
        tpu.vector_store %arg6[%swap3A_215, %swap3A_216], %swap3A_219 {strides = array<i32>} : memref<192x512xf32, #tpu.memory_space<vmem>>, vector<1x16xf32>,
        %get3A_220 = arith.index_cast %while3A_149 : i32 to index
        %get3A_221 = arith.constant 96 : index
        %get3A_222 = tpu.vector_load %arg6[%get3A_220, %get3A_221] {strides = array<i32>} : memref<192x512xf32, #tpu.memory_space<vmem>>, vector<1x16xf32>,
        %get3A_223 = vector.shape_cast %get3A_222 : vector<1x16xf32> to vector<16xf32>
        %mul3A_224 = arith.constant 4.75682831 : f32
        %mul3A_225 = vector.broadcast %mul3A_224 : f32 to vector<16xf32>
        %mul3A_226 = arith.mulf %get3A_223, %mul3A_225 : vector<16xf32>
        %swap3A_227 = arith.index_cast %while3A_149 : i32 to index
        %swap3A_228 = arith.constant 96 : index
        %swap3A_229 = tpu.vector_load %arg6[%swap3A_227, %swap3A_228] {strides = array<i32>} : memref<192x512xf32, #tpu.memory_space<vmem>>, vector<1x16xf32>,
        %swap3A_230 = vector.shape_cast %swap3A_229 : vector<1x16xf32> to vector<16xf32>
        %swap3A_231 = vector.shape_cast %mul3A_226 : vector<16xf32> to vector<1x16xf32>
        tpu.vector_store %arg6[%swap3A_227, %swap3A_228], %swap3A_231 {strides = array<i32>} : memref<192x512xf32, #tpu.memory_space<vmem>>, vector<1x16xf32>,
        %get3A_232 = arith.index_cast %while3A_149 : i32 to index
        %get3A_233 = arith.constant 112 : index
        %get3A_234 = tpu.vector_load %arg6[%get3A_232, %get3A_233] {strides = array<i32>} : memref<192x512xf32, #tpu.memory_space<vmem>>, vector<1x16xf32>,
        %get3A_235 = vector.shape_cast %get3A_234 : vector<1x16xf32> to vector<16xf32>
        %mul3A_236 = arith.constant 4.75682831 : f32
        %mul3A_237 = vector.broadcast %mul3A_236 : f32 to vector<16xf32>
        %mul3A_238 = arith.mulf %get3A_235, %mul3A_237 : vector<16xf32>
        %swap3A_239 = arith.index_cast %while3A_149 : i32 to index
        %swap3A_240 = arith.constant 112 : index
        %swap3A_241 = tpu.vector_load %arg6[%swap3A_239, %swap3A_240] {strides = array<i32>} : memref<192x512xf32, #tpu.memory_space<vmem>>, vector<1x16xf32>,
        %swap3A_242 = vector.shape_cast %swap3A_241 : vector<1x16xf32> to vector<16xf32>
        %swap3A_243 = vector.shape_cast %mul3A_238 : vector<16xf32> to vector<1x16xf32>
        tpu.vector_store %arg6[%swap3A_239, %swap3A_240], %swap3A_243 {strides = array<i32>} : memref<192x512xf32, #tpu.memory_space<vmem>>, vector<1x16xf32>,
        %get3A_244 = arith.index_cast %while3A_149 : i32 to index
        %get3A_245 = arith.constant 128 : index
        %get3A_246 = tpu.vector_load %arg6[%get3A_244, %get3A_245] {strides = array<i32>} : memref<192x512xf32, #tpu.memory_space<vmem>>, vector<1x16xf32>,
        %get3A_247 = vector.shape_cast %get3A_246 : vector<1x16xf32> to vector<16xf32>
        %mul3A_248 = arith.constant 4.75682831 : f32
        %mul3A_249 = vector.broadcast %mul3A_248 : f32 to vector<16xf32>
        %mul3A_250 = arith.mulf %get3A_247, %mul3A_249 : vector<16xf32>
        %swap3A_251 = arith.index_cast %while3A_149 : i32 to index
        %swap3A_252 = arith.constant 128 : index
        %swap3A_253 = tpu.vector_load %arg6[%swap3A_251, %swap3A_252] {strides = array<i32>} : memref<192x512xf32, #tpu.memory_space<vmem>>, vector<1x16xf32>,
        %swap3A_254 = vector.shape_cast %swap3A_253 : vector<1x16xf32> to vector<16xf32>
        %swap3A_255 = vector.shape_cast %mul3A_250 : vector<16xf32> to vector<1x16xf32>
        tpu.vector_store %arg6[%swap3A_251, %swap3A_252], %swap3A_255 {strides = array<i32>} : memref<192x512xf32, #tpu.memory_space<vmem>>, vector<1x16xf32>,
        %get3A_256 = arith.index_cast %while3A_149 : i32 to index
        %get3A_257 = arith.constant 144 : index
        %get3A_258 = tpu.vector_load %arg6[%get3A_256, %get3A_257] {strides = array<i32>} : memref<192x512xf32, #tpu.memory_space<vmem>>, vector<1x16xf32>,
        %get3A_259 = vector.shape_cast %get3A_258 : vector<1x16xf32> to vector<16xf32>
        %mul3A_260 = arith.constant 4.75682831 : f32
        %mul3A_261 = vector.broadcast %mul3A_260 : f32 to vector<16xf32>
        %mul3A_262 = arith.mulf %get3A_259, %mul3A_261 : vector<16xf32>
        %swap3A_263 = arith.index_cast %while3A_149 : i32 to index
        %swap3A_264 = arith.constant 144 : index
        %swap3A_265 = tpu.vector_load %arg6[%swap3A_263, %swap3A_264] {strides = array<i32>} : memref<192x512xf32, #tpu.memory_space<vmem>>, vector<1x16xf32>,
        %swap3A_266 = vector.shape_cast %swap3A_265 : vector<1x16xf32> to vector<16xf32>
        %swap3A_267 = vector.shape_cast %mul3A_262 : vector<16xf32> to vector<1x16xf32>
        tpu.vector_store %arg6[%swap3A_263, %swap3A_264], %swap3A_267 {strides = array<i32>} : memref<192x512xf32, #tpu.memory_space<vmem>>, vector<1x16xf32>,
        %get3A_268 = arith.index_cast %while3A_149 : i32 to index
        %get3A_269 = arith.constant 160 : index
        %get3A_270 = tpu.vector_load %arg6[%get3A_268, %get3A_269] {strides = array<i32>} : memref<192x512xf32, #tpu.memory_space<vmem>>, vector<1x16xf32>,
        %get3A_271 = vector.shape_cast %get3A_270 : vector<1x16xf32> to vector<16xf32>
        %mul3A_272 = arith.constant 4.75682831 : f32
        %mul3A_273 = vector.broadcast %mul3A_272 : f32 to vector<16xf32>
        %mul3A_274 = arith.mulf %get3A_271, %mul3A_273 : vector<16xf32>
        %swap3A_275 = arith.index_cast %while3A_149 : i32 to index
        %swap3A_276 = arith.constant 160 : index
        %swap3A_277 = tpu.vector_load %arg6[%swap3A_275, %swap3A_276] {strides = array<i32>} : memref<192x512xf32, #tpu.memory_space<vmem>>, vector<1x16xf32>,
        %swap3A_278 = vector.shape_cast %swap3A_277 : vector<1x16xf32> to vector<16xf32>
        %swap3A_279 = vector.shape_cast %mul3A_274 : vector<16xf32> to vector<1x16xf32>
        tpu.vector_store %arg6[%swap3A_275, %swap3A_276], %swap3A_279 {strides = array<i32>} : memref<192x512xf32, #tpu.memory_space<vmem>>, vector<1x16xf32>,
        %get3A_280 = arith.index_cast %while3A_149 : i32 to index
        %get3A_281 = arith.constant 176 : index
        %get3A_282 = tpu.vector_load %arg6[%get3A_280, %get3A_281] {strides = array<i32>} : memref<192x512xf32, #tpu.memory_space<vmem>>, vector<1x16xf32>,
        %get3A_283 = vector.shape_cast %get3A_282 : vector<1x16xf32> to vector<16xf32>
        %mul3A_284 = arith.constant 4.75682831 : f32
        %mul3A_285 = vector.broadcast %mul3A_284 : f32 to vector<16xf32>
        %mul3A_286 = arith.mulf %get3A_283, %mul3A_285 : vector<16xf32>
        %swap3A_287 = arith.index_cast %while3A_149 : i32 to index
        %swap3A_288 = arith.constant 176 : index
        %swap3A_289 = tpu.vector_load %arg6[%swap3A_287, %swap3A_288] {strides = array<i32>} : memref<192x512xf32, #tpu.memory_space<vmem>>, vector<1x16xf32>,
        %swap3A_290 = vector.shape_cast %swap3A_289 : vector<1x16xf32> to vector<16xf32>
        %swap3A_291 = vector.shape_cast %mul3A_286 : vector<16xf32> to vector<1x16xf32>
        tpu.vector_store %arg6[%swap3A_287, %swap3A_288], %swap3A_291 {strides = array<i32>} : memref<192x512xf32, #tpu.memory_space<vmem>>, vector<1x16xf32>,
        %get3A_292 = arith.index_cast %while3A_149 : i32 to index
        %get3A_293 = arith.constant 192 : index
        %get3A_294 = tpu.vector_load %arg6[%get3A_292, %get3A_293] {strides = array<i32>} : memref<192x512xf32, #tpu.memory_space<vmem>>, vector<1x16xf32>,
        %get3A_295 = vector.shape_cast %get3A_294 : vector<1x16xf32> to vector<16xf32>
        %mul3A_296 = arith.constant 4.75682831 : f32
        %mul3A_297 = vector.broadcast %mul3A_296 : f32 to vector<16xf32>
        %mul3A_298 = arith.mulf %get3A_295, %mul3A_297 : vector<16xf32>
        %swap3A_299 = arith.index_cast %while3A_149 : i32 to index
        %swap3A_300 = arith.constant 192 : index
        %swap3A_301 = tpu.vector_load %arg6[%swap3A_299, %swap3A_300] {strides = array<i32>} : memref<192x512xf32, #tpu.memory_space<vmem>>, vector<1x16xf32>,
        %swap3A_302 = vector.shape_cast %swap3A_301 : vector<1x16xf32> to vector<16xf32>
        %swap3A_303 = vector.shape_cast %mul3A_298 : vector<16xf32> to vector<1x16xf32>
        tpu.vector_store %arg6[%swap3A_299, %swap3A_300], %swap3A_303 {strides = array<i32>} : memref<192x512xf32, #tpu.memory_space<vmem>>, vector<1x16xf32>,
        %get3A_304 = arith.index_cast %while3A_149 : i32 to index
        %get3A_305 = arith.constant 208 : index
        %get3A_306 = tpu.vector_load %arg6[%get3A_304, %get3A_305] {strides = array<i32>} : memref<192x512xf32, #tpu.memory_space<vmem>>, vector<1x16xf32>,
        %get3A_307 = vector.shape_cast %get3A_306 : vector<1x16xf32> to vector<16xf32>
        %mul3A_308 = arith.constant 4.75682831 : f32
        %mul3A_309 = vector.broadcast %mul3A_308 : f32 to vector<16xf32>
        %mul3A_310 = arith.mulf %get3A_307, %mul3A_309 : vector<16xf32>
        %swap3A_311 = arith.index_cast %while3A_149 : i32 to index
        %swap3A_312 = arith.constant 208 : index
        %swap3A_313 = tpu.vector_load %arg6[%swap3A_311, %swap3A_312] {strides = array<i32>} : memref<192x512xf32, #tpu.memory_space<vmem>>, vector<1x16xf32>,
        %swap3A_314 = vector.shape_cast %swap3A_313 : vector<1x16xf32> to vector<16xf32>
        %swap3A_315 = vector.shape_cast %mul3A_310 : vector<16xf32> to vector<1x16xf32>
        tpu.vector_store %arg6[%swap3A_311, %swap3A_312], %swap3A_315 {strides = array<i32>} : memref<192x512xf32, #tpu.memory_space<vmem>>, vector<1x16xf32>,
        %get3A_316 = arith.index_cast %while3A_149 : i32 to index
        %get3A_317 = arith.constant 224 : index
        %get3A_318 = tpu.vector_load %arg6[%get3A_316, %get3A_317] {strides = array<i32>} : memref<192x512xf32, #tpu.memory_space<vmem>>, vector<1x16xf32>,
        %get3A_319 = vector.shape_cast %get3A_318 : vector<1x16xf32> to vector<16xf32>
        %mul3A_320 = arith.constant 4.75682831 : f32
        %mul3A_321 = vector.broadcast %mul3A_320 : f32 to vector<16xf32>
        %mul3A_322 = arith.mulf %get3A_319, %mul3A_321 : vector<16xf32>
        %swap3A_323 = arith.index_cast %while3A_149 : i32 to index
        %swap3A_324 = arith.constant 224 : index
        %swap3A_325 = tpu.vector_load %arg6[%swap3A_323, %swap3A_324] {strides = array<i32>} : memref<192x512xf32, #tpu.memory_space<vmem>>, vector<1x16xf32>,
        %swap3A_326 = vector.shape_cast %swap3A_325 : vector<1x16xf32> to vector<16xf32>
        %swap3A_327 = vector.shape_cast %mul3A_322 : vector<16xf32> to vector<1x16xf32>
        tpu.vector_store %arg6[%swap3A_323, %swap3A_324], %swap3A_327 {strides = array<i32>} : memref<192x512xf32, #tpu.memory_space<vmem>>, vector<1x16xf32>,
        %get3A_328 = arith.index_cast %while3A_149 : i32 to index
        %get3A_329 = arith.constant 240 : index
        %get3A_330 = tpu.vector_load %arg6[%get3A_328, %get3A_329] {strides = array<i32>} : memref<192x512xf32, #tpu.memory_space<vmem>>, vector<1x16xf32>,
        %get3A_331 = vector.shape_cast %get3A_330 : vector<1x16xf32> to vector<16xf32>
        %mul3A_332 = arith.constant 4.75682831 : f32
        %mul3A_333 = vector.broadcast %mul3A_332 : f32 to vector<16xf32>
        %mul3A_334 = arith.mulf %get3A_331, %mul3A_333 : vector<16xf32>
        %swap3A_335 = arith.index_cast %while3A_149 : i32 to index
        %swap3A_336 = arith.constant 240 : index
        %swap3A_337 = tpu.vector_load %arg6[%swap3A_335, %swap3A_336] {strides = array<i32>} : memref<192x512xf32, #tpu.memory_space<vmem>>, vector<1x16xf32>,
        %swap3A_338 = vector.shape_cast %swap3A_337 : vector<1x16xf32> to vector<16xf32>
        %swap3A_339 = vector.shape_cast %mul3A_334 : vector<16xf32> to vector<1x16xf32>
        tpu.vector_store %arg6[%swap3A_335, %swap3A_336], %swap3A_339 {strides = array<i32>} : memref<192x512xf32, #tpu.memory_space<vmem>>, vector<1x16xf32>,
        %get3A_340 = arith.index_cast %while3A_149 : i32 to index
        %get3A_341 = arith.constant 256 : index
        %get3A_342 = tpu.vector_load %arg6[%get3A_340, %get3A_341] {strides = array<i32>} : memref<192x512xf32, #tpu.memory_space<vmem>>, vector<1x16xf32>,
        %get3A_343 = vector.shape_cast %get3A_342 : vector<1x16xf32> to vector<16xf32>
        %mul3A_344 = arith.constant 4.75682831 : f32
        %mul3A_345 = vector.broadcast %mul3A_344 : f32 to vector<16xf32>
        %mul3A_346 = arith.mulf %get3A_343, %mul3A_345 : vector<16xf32>
        %swap3A_347 = arith.index_cast %while3A_149 : i32 to index
        %swap3A_348 = arith.constant 256 : index
        %swap3A_349 = tpu.vector_load %arg6[%swap3A_347, %swap3A_348] {strides = array<i32>} : memref<192x512xf32, #tpu.memory_space<vmem>>, vector<1x16xf32>,
        %swap3A_350 = vector.shape_cast %swap3A_349 : vector<1x16xf32> to vector<16xf32>
        %swap3A_351 = vector.shape_cast %mul3A_346 : vector<16xf32> to vector<1x16xf32>
        tpu.vector_store %arg6[%swap3A_347, %swap3A_348], %swap3A_351 {strides = array<i32>} : memref<192x512xf32, #tpu.memory_space<vmem>>, vector<1x16xf32>,
        %get3A_352 = arith.index_cast %while3A_149 : i32 to index
        %get3A_353 = arith.constant 272 : index
        %get3A_354 = tpu.vector_load %arg6[%get3A_352, %get3A_353] {strides = array<i32>} : memref<192x512xf32, #tpu.memory_space<vmem>>, vector<1x16xf32>,
        %get3A_355 = vector.shape_cast %get3A_354 : vector<1x16xf32> to vector<16xf32>
        %mul3A_356 = arith.constant 4.75682831 : f32
        %mul3A_357 = vector.broadcast %mul3A_356 : f32 to vector<16xf32>
        %mul3A_358 = arith.mulf %get3A_355, %mul3A_357 : vector<16xf32>
        %swap3A_359 = arith.index_cast %while3A_149 : i32 to index
        %swap3A_360 = arith.constant 272 : index
        %swap3A_361 = tpu.vector_load %arg6[%swap3A_359, %swap3A_360] {strides = array<i32>} : memref<192x512xf32, #tpu.memory_space<vmem>>, vector<1x16xf32>,
        %swap3A_362 = vector.shape_cast %swap3A_361 : vector<1x16xf32> to vector<16xf32>
        %swap3A_363 = vector.shape_cast %mul3A_358 : vector<16xf32> to vector<1x16xf32>
        tpu.vector_store %arg6[%swap3A_359, %swap3A_360], %swap3A_363 {strides = array<i32>} : memref<192x512xf32, #tpu.memory_space<vmem>>, vector<1x16xf32>,
        %get3A_364 = arith.index_cast %while3A_149 : i32 to index
        %get3A_365 = arith.constant 288 : index
        %get3A_366 = tpu.vector_load %arg6[%get3A_364, %get3A_365] {strides = array<i32>} : memref<192x512xf32, #tpu.memory_space<vmem>>, vector<1x16xf32>,
        %get3A_367 = vector.shape_cast %get3A_366 : vector<1x16xf32> to vector<16xf32>
        %mul3A_368 = arith.constant 4.75682831 : f32
        %mul3A_369 = vector.broadcast %mul3A_368 : f32 to vector<16xf32>
        %mul3A_370 = arith.mulf %get3A_367, %mul3A_369 : vector<16xf32>
        %swap3A_371 = arith.index_cast %while3A_149 : i32 to index
        %swap3A_372 = arith.constant 288 : index
        %swap3A_373 = tpu.vector_load %arg6[%swap3A_371, %swap3A_372] {strides = array<i32>} : memref<192x512xf32, #tpu.memory_space<vmem>>, vector<1x16xf32>,
        %swap3A_374 = vector.shape_cast %swap3A_373 : vector<1x16xf32> to vector<16xf32>
        %swap3A_375 = vector.shape_cast %mul3A_370 : vector<16xf32> to vector<1x16xf32>
        tpu.vector_store %arg6[%swap3A_371, %swap3A_372], %swap3A_375 {strides = array<i32>} : memref<192x512xf32, #tpu.memory_space<vmem>>, vector<1x16xf32>,
        %get3A_376 = arith.index_cast %while3A_149 : i32 to index
        %get3A_377 = arith.constant 304 : index
        %get3A_378 = tpu.vector_load %arg6[%get3A_376, %get3A_377] {strides = array<i32>} : memref<192x512xf32, #tpu.memory_space<vmem>>, vector<1x16xf32>,
        %get3A_379 = vector.shape_cast %get3A_378 : vector<1x16xf32> to vector<16xf32>
        %mul3A_380 = arith.constant 4.75682831 : f32
        %mul3A_381 = vector.broadcast %mul3A_380 : f32 to vector<16xf32>
        %mul3A_382 = arith.mulf %get3A_379, %mul3A_381 : vector<16xf32>
        %swap3A_383 = arith.index_cast %while3A_149 : i32 to index
        %swap3A_384 = arith.constant 304 : index
        %swap3A_385 = tpu.vector_load %arg6[%swap3A_383, %swap3A_384] {strides = array<i32>} : memref<192x512xf32, #tpu.memory_space<vmem>>, vector<1x16xf32>,
        %swap3A_386 = vector.shape_cast %swap3A_385 : vector<1x16xf32> to vector<16xf32>
        %swap3A_387 = vector.shape_cast %mul3A_382 : vector<16xf32> to vector<1x16xf32>
        tpu.vector_store %arg6[%swap3A_383, %swap3A_384], %swap3A_387 {strides = array<i32>} : memref<192x512xf32, #tpu.memory_space<vmem>>, vector<1x16xf32>,
        %get3A_388 = arith.index_cast %while3A_149 : i32 to index
        %get3A_389 = arith.constant 320 : index
        %get3A_390 = tpu.vector_load %arg6[%get3A_388, %get3A_389] {strides = array<i32>} : memref<192x512xf32, #tpu.memory_space<vmem>>, vector<1x16xf32>,
        %get3A_391 = vector.shape_cast %get3A_390 : vector<1x16xf32> to vector<16xf32>
        %mul3A_392 = arith.constant 4.75682831 : f32
        %mul3A_393 = vector.broadcast %mul3A_392 : f32 to vector<16xf32>
        %mul3A_394 = arith.mulf %get3A_391, %mul3A_393 : vector<16xf32>
        %swap3A_395 = arith.index_cast %while3A_149 : i32 to index
        %swap3A_396 = arith.constant 320 : index
        %swap3A_397 = tpu.vector_load %arg6[%swap3A_395, %swap3A_396] {strides = array<i32>} : memref<192x512xf32, #tpu.memory_space<vmem>>, vector<1x16xf32>,
        %swap3A_398 = vector.shape_cast %swap3A_397 : vector<1x16xf32> to vector<16xf32>
        %swap3A_399 = vector.shape_cast %mul3A_394 : vector<16xf32> to vector<1x16xf32>
        tpu.vector_store %arg6[%swap3A_395, %swap3A_396], %swap3A_399 {strides = array<i32>} : memref<192x512xf32, #tpu.memory_space<vmem>>, vector<1x16xf32>,
        %get3A_400 = arith.index_cast %while3A_149 : i32 to index
        %get3A_401 = arith.constant 336 : index
        %get3A_402 = tpu.vector_load %arg6[%get3A_400, %get3A_401] {strides = array<i32>} : memref<192x512xf32, #tpu.memory_space<vmem>>, vector<1x16xf32>,
        %get3A_403 = vector.shape_cast %get3A_402 : vector<1x16xf32> to vector<16xf32>
        %mul3A_404 = arith.constant 4.75682831 : f32
        %mul3A_405 = vector.broadcast %mul3A_404 : f32 to vector<16xf32>
        %mul3A_406 = arith.mulf %get3A_403, %mul3A_405 : vector<16xf32>
        %swap3A_407 = arith.index_cast %while3A_149 : i32 to index
        %swap3A_408 = arith.constant 336 : index
        %swap3A_409 = tpu.vector_load %arg6[%swap3A_407, %swap3A_408] {strides = array<i32>} : memref<192x512xf32, #tpu.memory_space<vmem>>, vector<1x16xf32>,
        %swap3A_410 = vector.shape_cast %swap3A_409 : vector<1x16xf32> to vector<16xf32>
        %swap3A_411 = vector.shape_cast %mul3A_406 : vector<16xf32> to vector<1x16xf32>
        tpu.vector_store %arg6[%swap3A_407, %swap3A_408], %swap3A_411 {strides = array<i32>} : memref<192x512xf32, #tpu.memory_space<vmem>>, vector<1x16xf32>,
        %get3A_412 = arith.index_cast %while3A_149 : i32 to index
        %get3A_413 = arith.constant 352 : index
        %get3A_414 = tpu.vector_load %arg6[%get3A_412, %get3A_413] {strides = array<i32>} : memref<192x512xf32, #tpu.memory_space<vmem>>, vector<1x16xf32>,
        %get3A_415 = vector.shape_cast %get3A_414 : vector<1x16xf32> to vector<16xf32>
        %mul3A_416 = arith.constant 4.75682831 : f32
        %mul3A_417 = vector.broadcast %mul3A_416 : f32 to vector<16xf32>
        %mul3A_418 = arith.mulf %get3A_415, %mul3A_417 : vector<16xf32>
        %swap3A_419 = arith.index_cast %while3A_149 : i32 to index
        %swap3A_420 = arith.constant 352 : index
        %swap3A_421 = tpu.vector_load %arg6[%swap3A_419, %swap3A_420] {strides = array<i32>} : memref<192x512xf32, #tpu.memory_space<vmem>>, vector<1x16xf32>,
        %swap3A_422 = vector.shape_cast %swap3A_421 : vector<1x16xf32> to vector<16xf32>
        %swap3A_423 = vector.shape_cast %mul3A_418 : vector<16xf32> to vector<1x16xf32>
        tpu.vector_store %arg6[%swap3A_419, %swap3A_420], %swap3A_423 {strides = array<i32>} : memref<192x512xf32, #tpu.memory_space<vmem>>, vector<1x16xf32>,
        %get3A_424 = arith.index_cast %while3A_149 : i32 to index
        %get3A_425 = arith.constant 368 : index
        %get3A_426 = tpu.vector_load %arg6[%get3A_424, %get3A_425] {strides = array<i32>} : memref<192x512xf32, #tpu.memory_space<vmem>>, vector<1x16xf32>,
        %get3A_427 = vector.shape_cast %get3A_426 : vector<1x16xf32> to vector<16xf32>
        %mul3A_428 = arith.constant 4.75682831 : f32
        %mul3A_429 = vector.broadcast %mul3A_428 : f32 to vector<16xf32>
        %mul3A_430 = arith.mulf %get3A_427, %mul3A_429 : vector<16xf32>
        %swap3A_431 = arith.index_cast %while3A_149 : i32 to index
        %swap3A_432 = arith.constant 368 : index
        %swap3A_433 = tpu.vector_load %arg6[%swap3A_431, %swap3A_432] {strides = array<i32>} : memref<192x512xf32, #tpu.memory_space<vmem>>, vector<1x16xf32>,
        %swap3A_434 = vector.shape_cast %swap3A_433 : vector<1x16xf32> to vector<16xf32>
        %swap3A_435 = vector.shape_cast %mul3A_430 : vector<16xf32> to vector<1x16xf32>
        tpu.vector_store %arg6[%swap3A_431, %swap3A_432], %swap3A_435 {strides = array<i32>} : memref<192x512xf32, #tpu.memory_space<vmem>>, vector<1x16xf32>,
        %get3A_436 = arith.index_cast %while3A_149 : i32 to index
        %get3A_437 = arith.constant 384 : index
        %get3A_438 = tpu.vector_load %arg6[%get3A_436, %get3A_437] {strides = array<i32>} : memref<192x512xf32, #tpu.memory_space<vmem>>, vector<1x16xf32>,
        %get3A_439 = vector.shape_cast %get3A_438 : vector<1x16xf32> to vector<16xf32>
        %mul3A_440 = arith.constant 4.75682831 : f32
        %mul3A_441 = vector.broadcast %mul3A_440 : f32 to vector<16xf32>
        %mul3A_442 = arith.mulf %get3A_439, %mul3A_441 : vector<16xf32>
        %swap3A_443 = arith.index_cast %while3A_149 : i32 to index
        %swap3A_444 = arith.constant 384 : index
        %swap3A_445 = tpu.vector_load %arg6[%swap3A_443, %swap3A_444] {strides = array<i32>} : memref<192x512xf32, #tpu.memory_space<vmem>>, vector<1x16xf32>,
        %swap3A_446 = vector.shape_cast %swap3A_445 : vector<1x16xf32> to vector<16xf32>
        %swap3A_447 = vector.shape_cast %mul3A_442 : vector<16xf32> to vector<1x16xf32>
        tpu.vector_store %arg6[%swap3A_443, %swap3A_444], %swap3A_447 {strides = array<i32>} : memref<192x512xf32, #tpu.memory_space<vmem>>, vector<1x16xf32>,
        %get3A_448 = arith.index_cast %while3A_149 : i32 to index
        %get3A_449 = arith.constant 400 : index
        %get3A_450 = tpu.vector_load %arg6[%get3A_448, %get3A_449] {strides = array<i32>} : memref<192x512xf32, #tpu.memory_space<vmem>>, vector<1x16xf32>,
        %get3A_451 = vector.shape_cast %get3A_450 : vector<1x16xf32> to vector<16xf32>
        %mul3A_452 = arith.constant 4.75682831 : f32
        %mul3A_453 = vector.broadcast %mul3A_452 : f32 to vector<16xf32>
        %mul3A_454 = arith.mulf %get3A_451, %mul3A_453 : vector<16xf32>
        %swap3A_455 = arith.index_cast %while3A_149 : i32 to index
        %swap3A_456 = arith.constant 400 : index
        %swap3A_457 = tpu.vector_load %arg6[%swap3A_455, %swap3A_456] {strides = array<i32>} : memref<192x512xf32, #tpu.memory_space<vmem>>, vector<1x16xf32>,
        %swap3A_458 = vector.shape_cast %swap3A_457 : vector<1x16xf32> to vector<16xf32>
        %swap3A_459 = vector.shape_cast %mul3A_454 : vector<16xf32> to vector<1x16xf32>
        tpu.vector_store %arg6[%swap3A_455, %swap3A_456], %swap3A_459 {strides = array<i32>} : memref<192x512xf32, #tpu.memory_space<vmem>>, vector<1x16xf32>,
        %get3A_460 = arith.index_cast %while3A_149 : i32 to index
        %get3A_461 = arith.constant 416 : index
        %get3A_462 = tpu.vector_load %arg6[%get3A_460, %get3A_461] {strides = array<i32>} : memref<192x512xf32, #tpu.memory_space<vmem>>, vector<1x16xf32>,
        %get3A_463 = vector.shape_cast %get3A_462 : vector<1x16xf32> to vector<16xf32>
        %mul3A_464 = arith.constant 4.75682831 : f32
        %mul3A_465 = vector.broadcast %mul3A_464 : f32 to vector<16xf32>
        %mul3A_466 = arith.mulf %get3A_463, %mul3A_465 : vector<16xf32>
        %swap3A_467 = arith.index_cast %while3A_149 : i32 to index
        %swap3A_468 = arith.constant 416 : index
        %swap3A_469 = tpu.vector_load %arg6[%swap3A_467, %swap3A_468] {strides = array<i32>} : memref<192x512xf32, #tpu.memory_space<vmem>>, vector<1x16xf32>,
        %swap3A_470 = vector.shape_cast %swap3A_469 : vector<1x16xf32> to vector<16xf32>
        %swap3A_471 = vector.shape_cast %mul3A_466 : vector<16xf32> to vector<1x16xf32>
        tpu.vector_store %arg6[%swap3A_467, %swap3A_468], %swap3A_471 {strides = array<i32>} : memref<192x512xf32, #tpu.memory_space<vmem>>, vector<1x16xf32>,
        %get3A_472 = arith.index_cast %while3A_149 : i32 to index
        %get3A_473 = arith.constant 432 : index
        %get3A_474 = tpu.vector_load %arg6[%get3A_472, %get3A_473] {strides = array<i32>} : memref<192x512xf32, #tpu.memory_space<vmem>>, vector<1x16xf32>,
        %get3A_475 = vector.shape_cast %get3A_474 : vector<1x16xf32> to vector<16xf32>
        %mul3A_476 = arith.constant 4.75682831 : f32
        %mul3A_477 = vector.broadcast %mul3A_476 : f32 to vector<16xf32>
        %mul3A_478 = arith.mulf %get3A_475, %mul3A_477 : vector<16xf32>
        %swap3A_479 = arith.index_cast %while3A_149 : i32 to index
        %swap3A_480 = arith.constant 432 : index
        %swap3A_481 = tpu.vector_load %arg6[%swap3A_479, %swap3A_480] {strides = array<i32>} : memref<192x512xf32, #tpu.memory_space<vmem>>, vector<1x16xf32>,
        %swap3A_482 = vector.shape_cast %swap3A_481 : vector<1x16xf32> to vector<16xf32>
        %swap3A_483 = vector.shape_cast %mul3A_478 : vector<16xf32> to vector<1x16xf32>
        tpu.vector_store %arg6[%swap3A_479, %swap3A_480], %swap3A_483 {strides = array<i32>} : memref<192x512xf32, #tpu.memory_space<vmem>>, vector<1x16xf32>,
        %get3A_484 = arith.index_cast %while3A_149 : i32 to index
        %get3A_485 = arith.constant 448 : index
        %get3A_486 = tpu.vector_load %arg6[%get3A_484, %get3A_485] {strides = array<i32>} : memref<192x512xf32, #tpu.memory_space<vmem>>, vector<1x16xf32>,
        %get3A_487 = vector.shape_cast %get3A_486 : vector<1x16xf32> to vector<16xf32>
        %mul3A_488 = arith.constant 4.75682831 : f32
        %mul3A_489 = vector.broadcast %mul3A_488 : f32 to vector<16xf32>
        %mul3A_490 = arith.mulf %get3A_487, %mul3A_489 : vector<16xf32>
        %swap3A_491 = arith.index_cast %while3A_149 : i32 to index
        %swap3A_492 = arith.constant 448 : index
        %swap3A_493 = tpu.vector_load %arg6[%swap3A_491, %swap3A_492] {strides = array<i32>} : memref<192x512xf32, #tpu.memory_space<vmem>>, vector<1x16xf32>,
        %swap3A_494 = vector.shape_cast %swap3A_493 : vector<1x16xf32> to vector<16xf32>
        %swap3A_495 = vector.shape_cast %mul3A_490 : vector<16xf32> to vector<1x16xf32>
        tpu.vector_store %arg6[%swap3A_491, %swap3A_492], %swap3A_495 {strides = array<i32>} : memref<192x512xf32, #tpu.memory_space<vmem>>, vector<1x16xf32>,
        %get3A_496 = arith.index_cast %while3A_149 : i32 to index
        %get3A_497 = arith.constant 464 : index
        %get3A_498 = tpu.vector_load %arg6[%get3A_496, %get3A_497] {strides = array<i32>} : memref<192x512xf32, #tpu.memory_space<vmem>>, vector<1x16xf32>,
        %get3A_499 = vector.shape_cast %get3A_498 : vector<1x16xf32> to vector<16xf32>
        %mul3A_500 = arith.constant 4.75682831 : f32
        %mul3A_501 = vector.broadcast %mul3A_500 : f32 to vector<16xf32>
        %mul3A_502 = arith.mulf %get3A_499, %mul3A_501 : vector<16xf32>
        %swap3A_503 = arith.index_cast %while3A_149 : i32 to index
        %swap3A_504 = arith.constant 464 : index
        %swap3A_505 = tpu.vector_load %arg6[%swap3A_503, %swap3A_504] {strides = array<i32>} : memref<192x512xf32, #tpu.memory_space<vmem>>, vector<1x16xf32>,
        %swap3A_506 = vector.shape_cast %swap3A_505 : vector<1x16xf32> to vector<16xf32>
        %swap3A_507 = vector.shape_cast %mul3A_502 : vector<16xf32> to vector<1x16xf32>
        tpu.vector_store %arg6[%swap3A_503, %swap3A_504], %swap3A_507 {strides = array<i32>} : memref<192x512xf32, #tpu.memory_space<vmem>>, vector<1x16xf32>,
        %get3A_508 = arith.index_cast %while3A_149 : i32 to index
        %get3A_509 = arith.constant 480 : index
        %get3A_510 = tpu.vector_load %arg6[%get3A_508, %get3A_509] {strides = array<i32>} : memref<192x512xf32, #tpu.memory_space<vmem>>, vector<1x16xf32>,
        %get3A_511 = vector.shape_cast %get3A_510 : vector<1x16xf32> to vector<16xf32>
        %mul3A_512 = arith.constant 4.75682831 : f32
        %mul3A_513 = vector.broadcast %mul3A_512 : f32 to vector<16xf32>
        %mul3A_514 = arith.mulf %get3A_511, %mul3A_513 : vector<16xf32>
        %swap3A_515 = arith.index_cast %while3A_149 : i32 to index
        %swap3A_516 = arith.constant 480 : index
        %swap3A_517 = tpu.vector_load %arg6[%swap3A_515, %swap3A_516] {strides = array<i32>} : memref<192x512xf32, #tpu.memory_space<vmem>>, vector<1x16xf32>,
        %swap3A_518 = vector.shape_cast %swap3A_517 : vector<1x16xf32> to vector<16xf32>
        %swap3A_519 = vector.shape_cast %mul3A_514 : vector<16xf32> to vector<1x16xf32>
        tpu.vector_store %arg6[%swap3A_515, %swap3A_516], %swap3A_519 {strides = array<i32>} : memref<192x512xf32, #tpu.memory_space<vmem>>, vector<1x16xf32>,
        %get3A_520 = arith.index_cast %while3A_149 : i32 to index
        %get3A_521 = arith.constant 496 : index
        %get3A_522 = tpu.vector_load %arg6[%get3A_520, %get3A_521] {strides = array<i32>} : memref<192x512xf32, #tpu.memory_space<vmem>>, vector<1x16xf32>,
        %get3A_523 = vector.shape_cast %get3A_522 : vector<1x16xf32> to vector<16xf32>
        %mul3A_524 = arith.constant 4.75682831 : f32
        %mul3A_525 = vector.broadcast %mul3A_524 : f32 to vector<16xf32>
        %mul3A_526 = arith.mulf %get3A_523, %mul3A_525 : vector<16xf32>
        %swap3A_527 = arith.index_cast %while3A_149 : i32 to index
        %swap3A_528 = arith.constant 496 : index
        %swap3A_529 = tpu.vector_load %arg6[%swap3A_527, %swap3A_528] {strides = array<i32>} : memref<192x512xf32, #tpu.memory_space<vmem>>, vector<1x16xf32>,
        %swap3A_530 = vector.shape_cast %swap3A_529 : vector<1x16xf32> to vector<16xf32>
        %swap3A_531 = vector.shape_cast %mul3A_526 : vector<16xf32> to vector<1x16xf32>
        tpu.vector_store %arg6[%swap3A_527, %swap3A_528], %swap3A_531 {strides = array<i32>} : memref<192x512xf32, #tpu.memory_space<vmem>>, vector<1x16xf32>,
      }
      %add3A_93 = arith.constant 0 : i32
      %add3A_94 = arith.addi %mul3A_73, %add3A_93 : i32
      %mul3A_95 = arith.constant 64 : i32
      %mul3A_96 = arith.muli %add3A_69, %mul3A_95 : i32
      %add3A_97 = arith.addi %mul3A_32, %mul3A_96 : i32
      %add3A_98 = arith.constant 0 : i32
      %add3A_99 = arith.addi %add3A_97, %add3A_98 : i32
      %dma_start3A_100 = arith.constant 0 : i32
      %dma_start3A_101 = tpu.memref_slice %arg6[%add3A_94, %dma_start3A_100] : memref<192x512xf32, #tpu.memory_space<vmem>> -> memref<32x512xf32, #tpu.memory_space<vmem>>
      %dma_start3A_102 = arith.constant 0 : i32
      %dma_start3A_103 = tpu.memref_slice %arg4[%select_n3A, %add3A_99, %dma_start3A_102] : memref<4x2048x512xf32, #tpu.memory_space<hbm>> -> memref<1x32x512xf32, #tpu.memory_space<hbm>>
      %dma_start3A_104 = tpu.memref_squeeze %dma_start3A_103 : memref<1x32x512xf32, #tpu.memory_space<hbm>> -> memref<32x512xf32, #tpu.memory_space<hbm>>
      %dma_start3A_105 = arith.constant 0 : i32
      %dma_start3A_106 = tpu.memref_slice %arg4[%select_n3A, %add3A_99, %dma_start3A_105] : memref<4x2048x512xf32, #tpu.memory_space<hbm>> -> memref<1x32x512xf32, #tpu.memory_space<hbm>>
      %dma_start3A_107 = tpu.memref_squeeze %dma_start3A_106 : memref<1x32x512xf32, #tpu.memory_space<hbm>> -> memref<32x512xf32, #tpu.memory_space<hbm>>
      %dma_start3A_108 = arith.constant 0 : i32
      %dma_start3A_109 = tpu.memref_slice %arg6[%add3A_94, %dma_start3A_108] : memref<192x512xf32, #tpu.memory_space<vmem>> -> memref<32x512xf32, #tpu.memory_space<vmem>>
      tpu.enqueue_dma source(%dma_start3A_109 : memref<32x512xf32, #tpu.memory_space<vmem>>) target(%dma_start3A_107 : memref<32x512xf32, #tpu.memory_space<hbm>>) target_semaphore(%arg8 : memref<!tpu.dma_semaphore, #tpu.memory_space<semaphore_mem>>)
      %add3A_110 = arith.constant 32 : i32
      %add3A_111 = arith.addi %mul3A_73, %add3A_110 : i32
      %add3A_112 = arith.constant 32 : i32
      %add3A_113 = arith.addi %add3A_111, %add3A_112 : i32
      %while3A_114 = arith.constant 0 : i32
      %while3A_115 = arith.subi %add3A_113, %add3A_111 : i32
      %while3A_116 = arith.addi %add3A_111, %while3A_115 : i32
      %while3A_117 = arith.constant 1 : i32
      %while3A_118 = arith.divsi %while3A_115, %while3A_117 : i32
      %while3A_119 = arith.muli %while3A_118, %while3A_117 : i32
      %while3A_120 = arith.addi %add3A_111, %while3A_119 : i32
      %while3A_121 = arith.constant 1 : i32
      scf.for %while3A_149 = %add3A_111 to %while3A_120 step %while3A_121  : i32 {
        %get3A = arith.index_cast %while3A_149 : i32 to index
        %get3A_150 = arith.constant 0 : index
        %get3A_151 = tpu.vector_load %arg6[%get3A, %get3A_150] {strides = array<i32>} : memref<192x512xf32, #tpu.memory_space<vmem>>, vector<1x16xf32>,
        %get3A_152 = vector.shape_cast %get3A_151 : vector<1x16xf32> to vector<16xf32>
        %mul3A_153 = arith.constant 4.75682831 : f32
        %mul3A_154 = vector.broadcast %mul3A_153 : f32 to vector<16xf32>
        %mul3A_155 = arith.mulf %get3A_152, %mul3A_154 : vector<16xf32>
        %swap3A = arith.index_cast %while3A_149 : i32 to index
        %swap3A_156 = arith.constant 0 : index
        %swap3A_157 = tpu.vector_load %arg6[%swap3A, %swap3A_156] {strides = array<i32>} : memref<192x512xf32, #tpu.memory_space<vmem>>, vector<1x16xf32>,
        %swap3A_158 = vector.shape_cast %swap3A_157 : vector<1x16xf32> to vector<16xf32>
        %swap3A_159 = vector.shape_cast %mul3A_155 : vector<16xf32> to vector<1x16xf32>
        tpu.vector_store %arg6[%swap3A, %swap3A_156], %swap3A_159 {strides = array<i32>} : memref<192x512xf32, #tpu.memory_space<vmem>>, vector<1x16xf32>,
        %get3A_160 = arith.index_cast %while3A_149 : i32 to index
        %get3A_161 = arith.constant 16 : index
        %get3A_162 = tpu.vector_load %arg6[%get3A_160, %get3A_161] {strides = array<i32>} : memref<192x512xf32, #tpu.memory_space<vmem>>, vector<1x16xf32>,
        %get3A_163 = vector.shape_cast %get3A_162 : vector<1x16xf32> to vector<16xf32>
        %mul3A_164 = arith.constant 4.75682831 : f32
        %mul3A_165 = vector.broadcast %mul3A_164 : f32 to vector<16xf32>
        %mul3A_166 = arith.mulf %get3A_163, %mul3A_165 : vector<16xf32>
        %swap3A_167 = arith.index_cast %while3A_149 : i32 to index
        %swap3A_168 = arith.constant 16 : index
        %swap3A_169 = tpu.vector_load %arg6[%swap3A_167, %swap3A_168] {strides = array<i32>} : memref<192x512xf32, #tpu.memory_space<vmem>>, vector<1x16xf32>,
        %swap3A_170 = vector.shape_cast %swap3A_169 : vector<1x16xf32> to vector<16xf32>
        %swap3A_171 = vector.shape_cast %mul3A_166 : vector<16xf32> to vector<1x16xf32>
        tpu.vector_store %arg6[%swap3A_167, %swap3A_168], %swap3A_171 {strides = array<i32>} : memref<192x512xf32, #tpu.memory_space<vmem>>, vector<1x16xf32>,
        %get3A_172 = arith.index_cast %while3A_149 : i32 to index
        %get3A_173 = arith.constant 32 : index
        %get3A_174 = tpu.vector_load %arg6[%get3A_172, %get3A_173] {strides = array<i32>} : memref<192x512xf32, #tpu.memory_space<vmem>>, vector<1x16xf32>,
        %get3A_175 = vector.shape_cast %get3A_174 : vector<1x16xf32> to vector<16xf32>
        %mul3A_176 = arith.constant 4.75682831 : f32
        %mul3A_177 = vector.broadcast %mul3A_176 : f32 to vector<16xf32>
        %mul3A_178 = arith.mulf %get3A_175, %mul3A_177 : vector<16xf32>
        %swap3A_179 = arith.index_cast %while3A_149 : i32 to index
        %swap3A_180 = arith.constant 32 : index
        %swap3A_181 = tpu.vector_load %arg6[%swap3A_179, %swap3A_180] {strides = array<i32>} : memref<192x512xf32, #tpu.memory_space<vmem>>, vector<1x16xf32>,
        %swap3A_182 = vector.shape_cast %swap3A_181 : vector<1x16xf32> to vector<16xf32>
        %swap3A_183 = vector.shape_cast %mul3A_178 : vector<16xf32> to vector<1x16xf32>
        tpu.vector_store %arg6[%swap3A_179, %swap3A_180], %swap3A_183 {strides = array<i32>} : memref<192x512xf32, #tpu.memory_space<vmem>>, vector<1x16xf32>,
        %get3A_184 = arith.index_cast %while3A_149 : i32 to index
        %get3A_185 = arith.constant 48 : index
        %get3A_186 = tpu.vector_load %arg6[%get3A_184, %get3A_185] {strides = array<i32>} : memref<192x512xf32, #tpu.memory_space<vmem>>, vector<1x16xf32>,
        %get3A_187 = vector.shape_cast %get3A_186 : vector<1x16xf32> to vector<16xf32>
        %mul3A_188 = arith.constant 4.75682831 : f32
        %mul3A_189 = vector.broadcast %mul3A_188 : f32 to vector<16xf32>
        %mul3A_190 = arith.mulf %get3A_187, %mul3A_189 : vector<16xf32>
        %swap3A_191 = arith.index_cast %while3A_149 : i32 to index
        %swap3A_192 = arith.constant 48 : index
        %swap3A_193 = tpu.vector_load %arg6[%swap3A_191, %swap3A_192] {strides = array<i32>} : memref<192x512xf32, #tpu.memory_space<vmem>>, vector<1x16xf32>,
        %swap3A_194 = vector.shape_cast %swap3A_193 : vector<1x16xf32> to vector<16xf32>
        %swap3A_195 = vector.shape_cast %mul3A_190 : vector<16xf32> to vector<1x16xf32>
        tpu.vector_store %arg6[%swap3A_191, %swap3A_192], %swap3A_195 {strides = array<i32>} : memref<192x512xf32, #tpu.memory_space<vmem>>, vector<1x16xf32>,
        %get3A_196 = arith.index_cast %while3A_149 : i32 to index
        %get3A_197 = arith.constant 64 : index
        %get3A_198 = tpu.vector_load %arg6[%get3A_196, %get3A_197] {strides = array<i32>} : memref<192x512xf32, #tpu.memory_space<vmem>>, vector<1x16xf32>,
        %get3A_199 = vector.shape_cast %get3A_198 : vector<1x16xf32> to vector<16xf32>
        %mul3A_200 = arith.constant 4.75682831 : f32
        %mul3A_201 = vector.broadcast %mul3A_200 : f32 to vector<16xf32>
        %mul3A_202 = arith.mulf %get3A_199, %mul3A_201 : vector<16xf32>
        %swap3A_203 = arith.index_cast %while3A_149 : i32 to index
        %swap3A_204 = arith.constant 64 : index
        %swap3A_205 = tpu.vector_load %arg6[%swap3A_203, %swap3A_204] {strides = array<i32>} : memref<192x512xf32, #tpu.memory_space<vmem>>, vector<1x16xf32>,
        %swap3A_206 = vector.shape_cast %swap3A_205 : vector<1x16xf32> to vector<16xf32>
        %swap3A_207 = vector.shape_cast %mul3A_202 : vector<16xf32> to vector<1x16xf32>
        tpu.vector_store %arg6[%swap3A_203, %swap3A_204], %swap3A_207 {strides = array<i32>} : memref<192x512xf32, #tpu.memory_space<vmem>>, vector<1x16xf32>,
        %get3A_208 = arith.index_cast %while3A_149 : i32 to index
        %get3A_209 = arith.constant 80 : index
        %get3A_210 = tpu.vector_load %arg6[%get3A_208, %get3A_209] {strides = array<i32>} : memref<192x512xf32, #tpu.memory_space<vmem>>, vector<1x16xf32>,
        %get3A_211 = vector.shape_cast %get3A_210 : vector<1x16xf32> to vector<16xf32>
        %mul3A_212 = arith.constant 4.75682831 : f32
        %mul3A_213 = vector.broadcast %mul3A_212 : f32 to vector<16xf32>
        %mul3A_214 = arith.mulf %get3A_211, %mul3A_213 : vector<16xf32>
        %swap3A_215 = arith.index_cast %while3A_149 : i32 to index
        %swap3A_216 = arith.constant 80 : index
        %swap3A_217 = tpu.vector_load %arg6[%swap3A_215, %swap3A_216] {strides = array<i32>} : memref<192x512xf32, #tpu.memory_space<vmem>>, vector<1x16xf32>,
        %swap3A_218 = vector.shape_cast %swap3A_217 : vector<1x16xf32> to vector<16xf32>
        %swap3A_219 = vector.shape_cast %mul3A_214 : vector<16xf32> to vector<1x16xf32>
        tpu.vector_store %arg6[%swap3A_215, %swap3A_216], %swap3A_219 {strides = array<i32>} : memref<192x512xf32, #tpu.memory_space<vmem>>, vector<1x16xf32>,
        %get3A_220 = arith.index_cast %while3A_149 : i32 to index
        %get3A_221 = arith.constant 96 : index
        %get3A_222 = tpu.vector_load %arg6[%get3A_220, %get3A_221] {strides = array<i32>} : memref<192x512xf32, #tpu.memory_space<vmem>>, vector<1x16xf32>,
        %get3A_223 = vector.shape_cast %get3A_222 : vector<1x16xf32> to vector<16xf32>
        %mul3A_224 = arith.constant 4.75682831 : f32
        %mul3A_225 = vector.broadcast %mul3A_224 : f32 to vector<16xf32>
        %mul3A_226 = arith.mulf %get3A_223, %mul3A_225 : vector<16xf32>
        %swap3A_227 = arith.index_cast %while3A_149 : i32 to index
        %swap3A_228 = arith.constant 96 : index
        %swap3A_229 = tpu.vector_load %arg6[%swap3A_227, %swap3A_228] {strides = array<i32>} : memref<192x512xf32, #tpu.memory_space<vmem>>, vector<1x16xf32>,
        %swap3A_230 = vector.shape_cast %swap3A_229 : vector<1x16xf32> to vector<16xf32>
        %swap3A_231 = vector.shape_cast %mul3A_226 : vector<16xf32> to vector<1x16xf32>
        tpu.vector_store %arg6[%swap3A_227, %swap3A_228], %swap3A_231 {strides = array<i32>} : memref<192x512xf32, #tpu.memory_space<vmem>>, vector<1x16xf32>,
        %get3A_232 = arith.index_cast %while3A_149 : i32 to index
        %get3A_233 = arith.constant 112 : index
        %get3A_234 = tpu.vector_load %arg6[%get3A_232, %get3A_233] {strides = array<i32>} : memref<192x512xf32, #tpu.memory_space<vmem>>, vector<1x16xf32>,
        %get3A_235 = vector.shape_cast %get3A_234 : vector<1x16xf32> to vector<16xf32>
        %mul3A_236 = arith.constant 4.75682831 : f32
        %mul3A_237 = vector.broadcast %mul3A_236 : f32 to vector<16xf32>
        %mul3A_238 = arith.mulf %get3A_235, %mul3A_237 : vector<16xf32>
        %swap3A_239 = arith.index_cast %while3A_149 : i32 to index
        %swap3A_240 = arith.constant 112 : index
        %swap3A_241 = tpu.vector_load %arg6[%swap3A_239, %swap3A_240] {strides = array<i32>} : memref<192x512xf32, #tpu.memory_space<vmem>>, vector<1x16xf32>,
        %swap3A_242 = vector.shape_cast %swap3A_241 : vector<1x16xf32> to vector<16xf32>
        %swap3A_243 = vector.shape_cast %mul3A_238 : vector<16xf32> to vector<1x16xf32>
        tpu.vector_store %arg6[%swap3A_239, %swap3A_240], %swap3A_243 {strides = array<i32>} : memref<192x512xf32, #tpu.memory_space<vmem>>, vector<1x16xf32>,
        %get3A_244 = arith.index_cast %while3A_149 : i32 to index
        %get3A_245 = arith.constant 128 : index
        %get3A_246 = tpu.vector_load %arg6[%get3A_244, %get3A_245] {strides = array<i32>} : memref<192x512xf32, #tpu.memory_space<vmem>>, vector<1x16xf32>,
        %get3A_247 = vector.shape_cast %get3A_246 : vector<1x16xf32> to vector<16xf32>
        %mul3A_248 = arith.constant 4.75682831 : f32
        %mul3A_249 = vector.broadcast %mul3A_248 : f32 to vector<16xf32>
        %mul3A_250 = arith.mulf %get3A_247, %mul3A_249 : vector<16xf32>
        %swap3A_251 = arith.index_cast %while3A_149 : i32 to index
        %swap3A_252 = arith.constant 128 : index
        %swap3A_253 = tpu.vector_load %arg6[%swap3A_251, %swap3A_252] {strides = array<i32>} : memref<192x512xf32, #tpu.memory_space<vmem>>, vector<1x16xf32>,
        %swap3A_254 = vector.shape_cast %swap3A_253 : vector<1x16xf32> to vector<16xf32>
        %swap3A_255 = vector.shape_cast %mul3A_250 : vector<16xf32> to vector<1x16xf32>
        tpu.vector_store %arg6[%swap3A_251, %swap3A_252], %swap3A_255 {strides = array<i32>} : memref<192x512xf32, #tpu.memory_space<vmem>>, vector<1x16xf32>,
        %get3A_256 = arith.index_cast %while3A_149 : i32 to index
        %get3A_257 = arith.constant 144 : index
        %get3A_258 = tpu.vector_load %arg6[%get3A_256, %get3A_257] {strides = array<i32>} : memref<192x512xf32, #tpu.memory_space<vmem>>, vector<1x16xf32>,
        %get3A_259 = vector.shape_cast %get3A_258 : vector<1x16xf32> to vector<16xf32>
        %mul3A_260 = arith.constant 4.75682831 : f32
        %mul3A_261 = vector.broadcast %mul3A_260 : f32 to vector<16xf32>
        %mul3A_262 = arith.mulf %get3A_259, %mul3A_261 : vector<16xf32>
        %swap3A_263 = arith.index_cast %while3A_149 : i32 to index
        %swap3A_264 = arith.constant 144 : index
        %swap3A_265 = tpu.vector_load %arg6[%swap3A_263, %swap3A_264] {strides = array<i32>} : memref<192x512xf32, #tpu.memory_space<vmem>>, vector<1x16xf32>,
        %swap3A_266 = vector.shape_cast %swap3A_265 : vector<1x16xf32> to vector<16xf32>
        %swap3A_267 = vector.shape_cast %mul3A_262 : vector<16xf32> to vector<1x16xf32>
        tpu.vector_store %arg6[%swap3A_263, %swap3A_264], %swap3A_267 {strides = array<i32>} : memref<192x512xf32, #tpu.memory_space<vmem>>, vector<1x16xf32>,
        %get3A_268 = arith.index_cast %while3A_149 : i32 to index
        %get3A_269 = arith.constant 160 : index
        %get3A_270 = tpu.vector_load %arg6[%get3A_268, %get3A_269] {strides = array<i32>} : memref<192x512xf32, #tpu.memory_space<vmem>>, vector<1x16xf32>,
        %get3A_271 = vector.shape_cast %get3A_270 : vector<1x16xf32> to vector<16xf32>
        %mul3A_272 = arith.constant 4.75682831 : f32
        %mul3A_273 = vector.broadcast %mul3A_272 : f32 to vector<16xf32>
        %mul3A_274 = arith.mulf %get3A_271, %mul3A_273 : vector<16xf32>
        %swap3A_275 = arith.index_cast %while3A_149 : i32 to index
        %swap3A_276 = arith.constant 160 : index
        %swap3A_277 = tpu.vector_load %arg6[%swap3A_275, %swap3A_276] {strides = array<i32>} : memref<192x512xf32, #tpu.memory_space<vmem>>, vector<1x16xf32>,
        %swap3A_278 = vector.shape_cast %swap3A_277 : vector<1x16xf32> to vector<16xf32>
        %swap3A_279 = vector.shape_cast %mul3A_274 : vector<16xf32> to vector<1x16xf32>
        tpu.vector_store %arg6[%swap3A_275, %swap3A_276], %swap3A_279 {strides = array<i32>} : memref<192x512xf32, #tpu.memory_space<vmem>>, vector<1x16xf32>,
        %get3A_280 = arith.index_cast %while3A_149 : i32 to index
        %get3A_281 = arith.constant 176 : index
        %get3A_282 = tpu.vector_load %arg6[%get3A_280, %get3A_281] {strides = array<i32>} : memref<192x512xf32, #tpu.memory_space<vmem>>, vector<1x16xf32>,
        %get3A_283 = vector.shape_cast %get3A_282 : vector<1x16xf32> to vector<16xf32>
        %mul3A_284 = arith.constant 4.75682831 : f32
        %mul3A_285 = vector.broadcast %mul3A_284 : f32 to vector<16xf32>
        %mul3A_286 = arith.mulf %get3A_283, %mul3A_285 : vector<16xf32>
        %swap3A_287 = arith.index_cast %while3A_149 : i32 to index
        %swap3A_288 = arith.constant 176 : index
        %swap3A_289 = tpu.vector_load %arg6[%swap3A_287, %swap3A_288] {strides = array<i32>} : memref<192x512xf32, #tpu.memory_space<vmem>>, vector<1x16xf32>,
        %swap3A_290 = vector.shape_cast %swap3A_289 : vector<1x16xf32> to vector<16xf32>
        %swap3A_291 = vector.shape_cast %mul3A_286 : vector<16xf32> to vector<1x16xf32>
        tpu.vector_store %arg6[%swap3A_287, %swap3A_288], %swap3A_291 {strides = array<i32>} : memref<192x512xf32, #tpu.memory_space<vmem>>, vector<1x16xf32>,
        %get3A_292 = arith.index_cast %while3A_149 : i32 to index
        %get3A_293 = arith.constant 192 : index
        %get3A_294 = tpu.vector_load %arg6[%get3A_292, %get3A_293] {strides = array<i32>} : memref<192x512xf32, #tpu.memory_space<vmem>>, vector<1x16xf32>,
        %get3A_295 = vector.shape_cast %get3A_294 : vector<1x16xf32> to vector<16xf32>
        %mul3A_296 = arith.constant 4.75682831 : f32
        %mul3A_297 = vector.broadcast %mul3A_296 : f32 to vector<16xf32>
        %mul3A_298 = arith.mulf %get3A_295, %mul3A_297 : vector<16xf32>
        %swap3A_299 = arith.index_cast %while3A_149 : i32 to index
        %swap3A_300 = arith.constant 192 : index
        %swap3A_301 = tpu.vector_load %arg6[%swap3A_299, %swap3A_300] {strides = array<i32>} : memref<192x512xf32, #tpu.memory_space<vmem>>, vector<1x16xf32>,
        %swap3A_302 = vector.shape_cast %swap3A_301 : vector<1x16xf32> to vector<16xf32>
        %swap3A_303 = vector.shape_cast %mul3A_298 : vector<16xf32> to vector<1x16xf32>
        tpu.vector_store %arg6[%swap3A_299, %swap3A_300], %swap3A_303 {strides = array<i32>} : memref<192x512xf32, #tpu.memory_space<vmem>>, vector<1x16xf32>,
        %get3A_304 = arith.index_cast %while3A_149 : i32 to index
        %get3A_305 = arith.constant 208 : index
        %get3A_306 = tpu.vector_load %arg6[%get3A_304, %get3A_305] {strides = array<i32>} : memref<192x512xf32, #tpu.memory_space<vmem>>, vector<1x16xf32>,
        %get3A_307 = vector.shape_cast %get3A_306 : vector<1x16xf32> to vector<16xf32>
        %mul3A_308 = arith.constant 4.75682831 : f32
        %mul3A_309 = vector.broadcast %mul3A_308 : f32 to vector<16xf32>
        %mul3A_310 = arith.mulf %get3A_307, %mul3A_309 : vector<16xf32>
        %swap3A_311 = arith.index_cast %while3A_149 : i32 to index
        %swap3A_312 = arith.constant 208 : index
        %swap3A_313 = tpu.vector_load %arg6[%swap3A_311, %swap3A_312] {strides = array<i32>} : memref<192x512xf32, #tpu.memory_space<vmem>>, vector<1x16xf32>,
        %swap3A_314 = vector.shape_cast %swap3A_313 : vector<1x16xf32> to vector<16xf32>
        %swap3A_315 = vector.shape_cast %mul3A_310 : vector<16xf32> to vector<1x16xf32>
        tpu.vector_store %arg6[%swap3A_311, %swap3A_312], %swap3A_315 {strides = array<i32>} : memref<192x512xf32, #tpu.memory_space<vmem>>, vector<1x16xf32>,
        %get3A_316 = arith.index_cast %while3A_149 : i32 to index
        %get3A_317 = arith.constant 224 : index
        %get3A_318 = tpu.vector_load %arg6[%get3A_316, %get3A_317] {strides = array<i32>} : memref<192x512xf32, #tpu.memory_space<vmem>>, vector<1x16xf32>,
        %get3A_319 = vector.shape_cast %get3A_318 : vector<1x16xf32> to vector<16xf32>
        %mul3A_320 = arith.constant 4.75682831 : f32
        %mul3A_321 = vector.broadcast %mul3A_320 : f32 to vector<16xf32>
        %mul3A_322 = arith.mulf %get3A_319, %mul3A_321 : vector<16xf32>
        %swap3A_323 = arith.index_cast %while3A_149 : i32 to index
        %swap3A_324 = arith.constant 224 : index
        %swap3A_325 = tpu.vector_load %arg6[%swap3A_323, %swap3A_324] {strides = array<i32>} : memref<192x512xf32, #tpu.memory_space<vmem>>, vector<1x16xf32>,
        %swap3A_326 = vector.shape_cast %swap3A_325 : vector<1x16xf32> to vector<16xf32>
        %swap3A_327 = vector.shape_cast %mul3A_322 : vector<16xf32> to vector<1x16xf32>
        tpu.vector_store %arg6[%swap3A_323, %swap3A_324], %swap3A_327 {strides = array<i32>} : memref<192x512xf32, #tpu.memory_space<vmem>>, vector<1x16xf32>,
        %get3A_328 = arith.index_cast %while3A_149 : i32 to index
        %get3A_329 = arith.constant 240 : index
        %get3A_330 = tpu.vector_load %arg6[%get3A_328, %get3A_329] {strides = array<i32>} : memref<192x512xf32, #tpu.memory_space<vmem>>, vector<1x16xf32>,
        %get3A_331 = vector.shape_cast %get3A_330 : vector<1x16xf32> to vector<16xf32>
        %mul3A_332 = arith.constant 4.75682831 : f32
        %mul3A_333 = vector.broadcast %mul3A_332 : f32 to vector<16xf32>
        %mul3A_334 = arith.mulf %get3A_331, %mul3A_333 : vector<16xf32>
        %swap3A_335 = arith.index_cast %while3A_149 : i32 to index
        %swap3A_336 = arith.constant 240 : index
        %swap3A_337 = tpu.vector_load %arg6[%swap3A_335, %swap3A_336] {strides = array<i32>} : memref<192x512xf32, #tpu.memory_space<vmem>>, vector<1x16xf32>,
        %swap3A_338 = vector.shape_cast %swap3A_337 : vector<1x16xf32> to vector<16xf32>
        %swap3A_339 = vector.shape_cast %mul3A_334 : vector<16xf32> to vector<1x16xf32>
        tpu.vector_store %arg6[%swap3A_335, %swap3A_336], %swap3A_339 {strides = array<i32>} : memref<192x512xf32, #tpu.memory_space<vmem>>, vector<1x16xf32>,
        %get3A_340 = arith.index_cast %while3A_149 : i32 to index
        %get3A_341 = arith.constant 256 : index
        %get3A_342 = tpu.vector_load %arg6[%get3A_340, %get3A_341] {strides = array<i32>} : memref<192x512xf32, #tpu.memory_space<vmem>>, vector<1x16xf32>,
        %get3A_343 = vector.shape_cast %get3A_342 : vector<1x16xf32> to vector<16xf32>
        %mul3A_344 = arith.constant 4.75682831 : f32
        %mul3A_345 = vector.broadcast %mul3A_344 : f32 to vector<16xf32>
        %mul3A_346 = arith.mulf %get3A_343, %mul3A_345 : vector<16xf32>
        %swap3A_347 = arith.index_cast %while3A_149 : i32 to index
        %swap3A_348 = arith.constant 256 : index
        %swap3A_349 = tpu.vector_load %arg6[%swap3A_347, %swap3A_348] {strides = array<i32>} : memref<192x512xf32, #tpu.memory_space<vmem>>, vector<1x16xf32>,
        %swap3A_350 = vector.shape_cast %swap3A_349 : vector<1x16xf32> to vector<16xf32>
        %swap3A_351 = vector.shape_cast %mul3A_346 : vector<16xf32> to vector<1x16xf32>
        tpu.vector_store %arg6[%swap3A_347, %swap3A_348], %swap3A_351 {strides = array<i32>} : memref<192x512xf32, #tpu.memory_space<vmem>>, vector<1x16xf32>,
        %get3A_352 = arith.index_cast %while3A_149 : i32 to index
        %get3A_353 = arith.constant 272 : index
        %get3A_354 = tpu.vector_load %arg6[%get3A_352, %get3A_353] {strides = array<i32>} : memref<192x512xf32, #tpu.memory_space<vmem>>, vector<1x16xf32>,
        %get3A_355 = vector.shape_cast %get3A_354 : vector<1x16xf32> to vector<16xf32>
        %mul3A_356 = arith.constant 4.75682831 : f32
        %mul3A_357 = vector.broadcast %mul3A_356 : f32 to vector<16xf32>
        %mul3A_358 = arith.mulf %get3A_355, %mul3A_357 : vector<16xf32>
        %swap3A_359 = arith.index_cast %while3A_149 : i32 to index
        %swap3A_360 = arith.constant 272 : index
        %swap3A_361 = tpu.vector_load %arg6[%swap3A_359, %swap3A_360] {strides = array<i32>} : memref<192x512xf32, #tpu.memory_space<vmem>>, vector<1x16xf32>,
        %swap3A_362 = vector.shape_cast %swap3A_361 : vector<1x16xf32> to vector<16xf32>
        %swap3A_363 = vector.shape_cast %mul3A_358 : vector<16xf32> to vector<1x16xf32>
        tpu.vector_store %arg6[%swap3A_359, %swap3A_360], %swap3A_363 {strides = array<i32>} : memref<192x512xf32, #tpu.memory_space<vmem>>, vector<1x16xf32>,
        %get3A_364 = arith.index_cast %while3A_149 : i32 to index
        %get3A_365 = arith.constant 288 : index
        %get3A_366 = tpu.vector_load %arg6[%get3A_364, %get3A_365] {strides = array<i32>} : memref<192x512xf32, #tpu.memory_space<vmem>>, vector<1x16xf32>,
        %get3A_367 = vector.shape_cast %get3A_366 : vector<1x16xf32> to vector<16xf32>
        %mul3A_368 = arith.constant 4.75682831 : f32
        %mul3A_369 = vector.broadcast %mul3A_368 : f32 to vector<16xf32>
        %mul3A_370 = arith.mulf %get3A_367, %mul3A_369 : vector<16xf32>
        %swap3A_371 = arith.index_cast %while3A_149 : i32 to index
        %swap3A_372 = arith.constant 288 : index
        %swap3A_373 = tpu.vector_load %arg6[%swap3A_371, %swap3A_372] {strides = array<i32>} : memref<192x512xf32, #tpu.memory_space<vmem>>, vector<1x16xf32>,
        %swap3A_374 = vector.shape_cast %swap3A_373 : vector<1x16xf32> to vector<16xf32>
        %swap3A_375 = vector.shape_cast %mul3A_370 : vector<16xf32> to vector<1x16xf32>
        tpu.vector_store %arg6[%swap3A_371, %swap3A_372], %swap3A_375 {strides = array<i32>} : memref<192x512xf32, #tpu.memory_space<vmem>>, vector<1x16xf32>,
        %get3A_376 = arith.index_cast %while3A_149 : i32 to index
        %get3A_377 = arith.constant 304 : index
        %get3A_378 = tpu.vector_load %arg6[%get3A_376, %get3A_377] {strides = array<i32>} : memref<192x512xf32, #tpu.memory_space<vmem>>, vector<1x16xf32>,
        %get3A_379 = vector.shape_cast %get3A_378 : vector<1x16xf32> to vector<16xf32>
        %mul3A_380 = arith.constant 4.75682831 : f32
        %mul3A_381 = vector.broadcast %mul3A_380 : f32 to vector<16xf32>
        %mul3A_382 = arith.mulf %get3A_379, %mul3A_381 : vector<16xf32>
        %swap3A_383 = arith.index_cast %while3A_149 : i32 to index
        %swap3A_384 = arith.constant 304 : index
        %swap3A_385 = tpu.vector_load %arg6[%swap3A_383, %swap3A_384] {strides = array<i32>} : memref<192x512xf32, #tpu.memory_space<vmem>>, vector<1x16xf32>,
        %swap3A_386 = vector.shape_cast %swap3A_385 : vector<1x16xf32> to vector<16xf32>
        %swap3A_387 = vector.shape_cast %mul3A_382 : vector<16xf32> to vector<1x16xf32>
        tpu.vector_store %arg6[%swap3A_383, %swap3A_384], %swap3A_387 {strides = array<i32>} : memref<192x512xf32, #tpu.memory_space<vmem>>, vector<1x16xf32>,
        %get3A_388 = arith.index_cast %while3A_149 : i32 to index
        %get3A_389 = arith.constant 320 : index
        %get3A_390 = tpu.vector_load %arg6[%get3A_388, %get3A_389] {strides = array<i32>} : memref<192x512xf32, #tpu.memory_space<vmem>>, vector<1x16xf32>,
        %get3A_391 = vector.shape_cast %get3A_390 : vector<1x16xf32> to vector<16xf32>
        %mul3A_392 = arith.constant 4.75682831 : f32
        %mul3A_393 = vector.broadcast %mul3A_392 : f32 to vector<16xf32>
        %mul3A_394 = arith.mulf %get3A_391, %mul3A_393 : vector<16xf32>
        %swap3A_395 = arith.index_cast %while3A_149 : i32 to index
        %swap3A_396 = arith.constant 320 : index
        %swap3A_397 = tpu.vector_load %arg6[%swap3A_395, %swap3A_396] {strides = array<i32>} : memref<192x512xf32, #tpu.memory_space<vmem>>, vector<1x16xf32>,
        %swap3A_398 = vector.shape_cast %swap3A_397 : vector<1x16xf32> to vector<16xf32>
        %swap3A_399 = vector.shape_cast %mul3A_394 : vector<16xf32> to vector<1x16xf32>
        tpu.vector_store %arg6[%swap3A_395, %swap3A_396], %swap3A_399 {strides = array<i32>} : memref<192x512xf32, #tpu.memory_space<vmem>>, vector<1x16xf32>,
        %get3A_400 = arith.index_cast %while3A_149 : i32 to index
        %get3A_401 = arith.constant 336 : index
        %get3A_402 = tpu.vector_load %arg6[%get3A_400, %get3A_401] {strides = array<i32>} : memref<192x512xf32, #tpu.memory_space<vmem>>, vector<1x16xf32>,
        %get3A_403 = vector.shape_cast %get3A_402 : vector<1x16xf32> to vector<16xf32>
        %mul3A_404 = arith.constant 4.75682831 : f32
        %mul3A_405 = vector.broadcast %mul3A_404 : f32 to vector<16xf32>
        %mul3A_406 = arith.mulf %get3A_403, %mul3A_405 : vector<16xf32>
        %swap3A_407 = arith.index_cast %while3A_149 : i32 to index
        %swap3A_408 = arith.constant 336 : index
        %swap3A_409 = tpu.vector_load %arg6[%swap3A_407, %swap3A_408] {strides = array<i32>} : memref<192x512xf32, #tpu.memory_space<vmem>>, vector<1x16xf32>,
        %swap3A_410 = vector.shape_cast %swap3A_409 : vector<1x16xf32> to vector<16xf32>
        %swap3A_411 = vector.shape_cast %mul3A_406 : vector<16xf32> to vector<1x16xf32>
        tpu.vector_store %arg6[%swap3A_407, %swap3A_408], %swap3A_411 {strides = array<i32>} : memref<192x512xf32, #tpu.memory_space<vmem>>, vector<1x16xf32>,
        %get3A_412 = arith.index_cast %while3A_149 : i32 to index
        %get3A_413 = arith.constant 352 : index
        %get3A_414 = tpu.vector_load %arg6[%get3A_412, %get3A_413] {strides = array<i32>} : memref<192x512xf32, #tpu.memory_space<vmem>>, vector<1x16xf32>,
        %get3A_415 = vector.shape_cast %get3A_414 : vector<1x16xf32> to vector<16xf32>
        %mul3A_416 = arith.constant 4.75682831 : f32
        %mul3A_417 = vector.broadcast %mul3A_416 : f32 to vector<16xf32>
        %mul3A_418 = arith.mulf %get3A_415, %mul3A_417 : vector<16xf32>
        %swap3A_419 = arith.index_cast %while3A_149 : i32 to index
        %swap3A_420 = arith.constant 352 : index
        %swap3A_421 = tpu.vector_load %arg6[%swap3A_419, %swap3A_420] {strides = array<i32>} : memref<192x512xf32, #tpu.memory_space<vmem>>, vector<1x16xf32>,
        %swap3A_422 = vector.shape_cast %swap3A_421 : vector<1x16xf32> to vector<16xf32>
        %swap3A_423 = vector.shape_cast %mul3A_418 : vector<16xf32> to vector<1x16xf32>
        tpu.vector_store %arg6[%swap3A_419, %swap3A_420], %swap3A_423 {strides = array<i32>} : memref<192x512xf32, #tpu.memory_space<vmem>>, vector<1x16xf32>,
        %get3A_424 = arith.index_cast %while3A_149 : i32 to index
        %get3A_425 = arith.constant 368 : index
        %get3A_426 = tpu.vector_load %arg6[%get3A_424, %get3A_425] {strides = array<i32>} : memref<192x512xf32, #tpu.memory_space<vmem>>, vector<1x16xf32>,
        %get3A_427 = vector.shape_cast %get3A_426 : vector<1x16xf32> to vector<16xf32>
        %mul3A_428 = arith.constant 4.75682831 : f32
        %mul3A_429 = vector.broadcast %mul3A_428 : f32 to vector<16xf32>
        %mul3A_430 = arith.mulf %get3A_427, %mul3A_429 : vector<16xf32>
        %swap3A_431 = arith.index_cast %while3A_149 : i32 to index
        %swap3A_432 = arith.constant 368 : index
        %swap3A_433 = tpu.vector_load %arg6[%swap3A_431, %swap3A_432] {strides = array<i32>} : memref<192x512xf32, #tpu.memory_space<vmem>>, vector<1x16xf32>,
        %swap3A_434 = vector.shape_cast %swap3A_433 : vector<1x16xf32> to vector<16xf32>
        %swap3A_435 = vector.shape_cast %mul3A_430 : vector<16xf32> to vector<1x16xf32>
        tpu.vector_store %arg6[%swap3A_431, %swap3A_432], %swap3A_435 {strides = array<i32>} : memref<192x512xf32, #tpu.memory_space<vmem>>, vector<1x16xf32>,
        %get3A_436 = arith.index_cast %while3A_149 : i32 to index
        %get3A_437 = arith.constant 384 : index
        %get3A_438 = tpu.vector_load %arg6[%get3A_436, %get3A_437] {strides = array<i32>} : memref<192x512xf32, #tpu.memory_space<vmem>>, vector<1x16xf32>,
        %get3A_439 = vector.shape_cast %get3A_438 : vector<1x16xf32> to vector<16xf32>
        %mul3A_440 = arith.constant 4.75682831 : f32
        %mul3A_441 = vector.broadcast %mul3A_440 : f32 to vector<16xf32>
        %mul3A_442 = arith.mulf %get3A_439, %mul3A_441 : vector<16xf32>
        %swap3A_443 = arith.index_cast %while3A_149 : i32 to index
        %swap3A_444 = arith.constant 384 : index
        %swap3A_445 = tpu.vector_load %arg6[%swap3A_443, %swap3A_444] {strides = array<i32>} : memref<192x512xf32, #tpu.memory_space<vmem>>, vector<1x16xf32>,
        %swap3A_446 = vector.shape_cast %swap3A_445 : vector<1x16xf32> to vector<16xf32>
        %swap3A_447 = vector.shape_cast %mul3A_442 : vector<16xf32> to vector<1x16xf32>
        tpu.vector_store %arg6[%swap3A_443, %swap3A_444], %swap3A_447 {strides = array<i32>} : memref<192x512xf32, #tpu.memory_space<vmem>>, vector<1x16xf32>,
        %get3A_448 = arith.index_cast %while3A_149 : i32 to index
        %get3A_449 = arith.constant 400 : index
        %get3A_450 = tpu.vector_load %arg6[%get3A_448, %get3A_449] {strides = array<i32>} : memref<192x512xf32, #tpu.memory_space<vmem>>, vector<1x16xf32>,
        %get3A_451 = vector.shape_cast %get3A_450 : vector<1x16xf32> to vector<16xf32>
        %mul3A_452 = arith.constant 4.75682831 : f32
        %mul3A_453 = vector.broadcast %mul3A_452 : f32 to vector<16xf32>
        %mul3A_454 = arith.mulf %get3A_451, %mul3A_453 : vector<16xf32>
        %swap3A_455 = arith.index_cast %while3A_149 : i32 to index
        %swap3A_456 = arith.constant 400 : index
        %swap3A_457 = tpu.vector_load %arg6[%swap3A_455, %swap3A_456] {strides = array<i32>} : memref<192x512xf32, #tpu.memory_space<vmem>>, vector<1x16xf32>,
        %swap3A_458 = vector.shape_cast %swap3A_457 : vector<1x16xf32> to vector<16xf32>
        %swap3A_459 = vector.shape_cast %mul3A_454 : vector<16xf32> to vector<1x16xf32>
        tpu.vector_store %arg6[%swap3A_455, %swap3A_456], %swap3A_459 {strides = array<i32>} : memref<192x512xf32, #tpu.memory_space<vmem>>, vector<1x16xf32>,
        %get3A_460 = arith.index_cast %while3A_149 : i32 to index
        %get3A_461 = arith.constant 416 : index
        %get3A_462 = tpu.vector_load %arg6[%get3A_460, %get3A_461] {strides = array<i32>} : memref<192x512xf32, #tpu.memory_space<vmem>>, vector<1x16xf32>,
        %get3A_463 = vector.shape_cast %get3A_462 : vector<1x16xf32> to vector<16xf32>
        %mul3A_464 = arith.constant 4.75682831 : f32
        %mul3A_465 = vector.broadcast %mul3A_464 : f32 to vector<16xf32>
        %mul3A_466 = arith.mulf %get3A_463, %mul3A_465 : vector<16xf32>
        %swap3A_467 = arith.index_cast %while3A_149 : i32 to index
        %swap3A_468 = arith.constant 416 : index
        %swap3A_469 = tpu.vector_load %arg6[%swap3A_467, %swap3A_468] {strides = array<i32>} : memref<192x512xf32, #tpu.memory_space<vmem>>, vector<1x16xf32>,
        %swap3A_470 = vector.shape_cast %swap3A_469 : vector<1x16xf32> to vector<16xf32>
        %swap3A_471 = vector.shape_cast %mul3A_466 : vector<16xf32> to vector<1x16xf32>
        tpu.vector_store %arg6[%swap3A_467, %swap3A_468], %swap3A_471 {strides = array<i32>} : memref<192x512xf32, #tpu.memory_space<vmem>>, vector<1x16xf32>,
        %get3A_472 = arith.index_cast %while3A_149 : i32 to index
        %get3A_473 = arith.constant 432 : index
        %get3A_474 = tpu.vector_load %arg6[%get3A_472, %get3A_473] {strides = array<i32>} : memref<192x512xf32, #tpu.memory_space<vmem>>, vector<1x16xf32>,
        %get3A_475 = vector.shape_cast %get3A_474 : vector<1x16xf32> to vector<16xf32>
        %mul3A_476 = arith.constant 4.75682831 : f32
        %mul3A_477 = vector.broadcast %mul3A_476 : f32 to vector<16xf32>
        %mul3A_478 = arith.mulf %get3A_475, %mul3A_477 : vector<16xf32>
        %swap3A_479 = arith.index_cast %while3A_149 : i32 to index
        %swap3A_480 = arith.constant 432 : index
        %swap3A_481 = tpu.vector_load %arg6[%swap3A_479, %swap3A_480] {strides = array<i32>} : memref<192x512xf32, #tpu.memory_space<vmem>>, vector<1x16xf32>,
        %swap3A_482 = vector.shape_cast %swap3A_481 : vector<1x16xf32> to vector<16xf32>
        %swap3A_483 = vector.shape_cast %mul3A_478 : vector<16xf32> to vector<1x16xf32>
        tpu.vector_store %arg6[%swap3A_479, %swap3A_480], %swap3A_483 {strides = array<i32>} : memref<192x512xf32, #tpu.memory_space<vmem>>, vector<1x16xf32>,
        %get3A_484 = arith.index_cast %while3A_149 : i32 to index
        %get3A_485 = arith.constant 448 : index
        %get3A_486 = tpu.vector_load %arg6[%get3A_484, %get3A_485] {strides = array<i32>} : memref<192x512xf32, #tpu.memory_space<vmem>>, vector<1x16xf32>,
        %get3A_487 = vector.shape_cast %get3A_486 : vector<1x16xf32> to vector<16xf32>
        %mul3A_488 = arith.constant 4.75682831 : f32
        %mul3A_489 = vector.broadcast %mul3A_488 : f32 to vector<16xf32>
        %mul3A_490 = arith.mulf %get3A_487, %mul3A_489 : vector<16xf32>
        %swap3A_491 = arith.index_cast %while3A_149 : i32 to index
        %swap3A_492 = arith.constant 448 : index
        %swap3A_493 = tpu.vector_load %arg6[%swap3A_491, %swap3A_492] {strides = array<i32>} : memref<192x512xf32, #tpu.memory_space<vmem>>, vector<1x16xf32>,
        %swap3A_494 = vector.shape_cast %swap3A_493 : vector<1x16xf32> to vector<16xf32>
        %swap3A_495 = vector.shape_cast %mul3A_490 : vector<16xf32> to vector<1x16xf32>
        tpu.vector_store %arg6[%swap3A_491, %swap3A_492], %swap3A_495 {strides = array<i32>} : memref<192x512xf32, #tpu.memory_space<vmem>>, vector<1x16xf32>,
        %get3A_496 = arith.index_cast %while3A_149 : i32 to index
        %get3A_497 = arith.constant 464 : index
        %get3A_498 = tpu.vector_load %arg6[%get3A_496, %get3A_497] {strides = array<i32>} : memref<192x512xf32, #tpu.memory_space<vmem>>, vector<1x16xf32>,
        %get3A_499 = vector.shape_cast %get3A_498 : vector<1x16xf32> to vector<16xf32>
        %mul3A_500 = arith.constant 4.75682831 : f32
        %mul3A_501 = vector.broadcast %mul3A_500 : f32 to vector<16xf32>
        %mul3A_502 = arith.mulf %get3A_499, %mul3A_501 : vector<16xf32>
        %swap3A_503 = arith.index_cast %while3A_149 : i32 to index
        %swap3A_504 = arith.constant 464 : index
        %swap3A_505 = tpu.vector_load %arg6[%swap3A_503, %swap3A_504] {strides = array<i32>} : memref<192x512xf32, #tpu.memory_space<vmem>>, vector<1x16xf32>,
        %swap3A_506 = vector.shape_cast %swap3A_505 : vector<1x16xf32> to vector<16xf32>
        %swap3A_507 = vector.shape_cast %mul3A_502 : vector<16xf32> to vector<1x16xf32>
        tpu.vector_store %arg6[%swap3A_503, %swap3A_504], %swap3A_507 {strides = array<i32>} : memref<192x512xf32, #tpu.memory_space<vmem>>, vector<1x16xf32>,
        %get3A_508 = arith.index_cast %while3A_149 : i32 to index
        %get3A_509 = arith.constant 480 : index
        %get3A_510 = tpu.vector_load %arg6[%get3A_508, %get3A_509] {strides = array<i32>} : memref<192x512xf32, #tpu.memory_space<vmem>>, vector<1x16xf32>,
        %get3A_511 = vector.shape_cast %get3A_510 : vector<1x16xf32> to vector<16xf32>
        %mul3A_512 = arith.constant 4.75682831 : f32
        %mul3A_513 = vector.broadcast %mul3A_512 : f32 to vector<16xf32>
        %mul3A_514 = arith.mulf %get3A_511, %mul3A_513 : vector<16xf32>
        %swap3A_515 = arith.index_cast %while3A_149 : i32 to index
        %swap3A_516 = arith.constant 480 : index
        %swap3A_517 = tpu.vector_load %arg6[%swap3A_515, %swap3A_516] {strides = array<i32>} : memref<192x512xf32, #tpu.memory_space<vmem>>, vector<1x16xf32>,
        %swap3A_518 = vector.shape_cast %swap3A_517 : vector<1x16xf32> to vector<16xf32>
        %swap3A_519 = vector.shape_cast %mul3A_514 : vector<16xf32> to vector<1x16xf32>
        tpu.vector_store %arg6[%swap3A_515, %swap3A_516], %swap3A_519 {strides = array<i32>} : memref<192x512xf32, #tpu.memory_space<vmem>>, vector<1x16xf32>,
        %get3A_520 = arith.index_cast %while3A_149 : i32 to index
        %get3A_521 = arith.constant 496 : index
        %get3A_522 = tpu.vector_load %arg6[%get3A_520, %get3A_521] {strides = array<i32>} : memref<192x512xf32, #tpu.memory_space<vmem>>, vector<1x16xf32>,
        %get3A_523 = vector.shape_cast %get3A_522 : vector<1x16xf32> to vector<16xf32>
        %mul3A_524 = arith.constant 4.75682831 : f32
        %mul3A_525 = vector.broadcast %mul3A_524 : f32 to vector<16xf32>
        %mul3A_526 = arith.mulf %get3A_523, %mul3A_525 : vector<16xf32>
        %swap3A_527 = arith.index_cast %while3A_149 : i32 to index
        %swap3A_528 = arith.constant 496 : index
        %swap3A_529 = tpu.vector_load %arg6[%swap3A_527, %swap3A_528] {strides = array<i32>} : memref<192x512xf32, #tpu.memory_space<vmem>>, vector<1x16xf32>,
        %swap3A_530 = vector.shape_cast %swap3A_529 : vector<1x16xf32> to vector<16xf32>
        %swap3A_531 = vector.shape_cast %mul3A_526 : vector<16xf32> to vector<1x16xf32>
        tpu.vector_store %arg6[%swap3A_527, %swap3A_528], %swap3A_531 {strides = array<i32>} : memref<192x512xf32, #tpu.memory_space<vmem>>, vector<1x16xf32>,
      }
      %while3A_122 = arith.constant 1 : i32
      scf.for %while3A_149 = %while3A_120 to %while3A_116 step %while3A_122  : i32 {
        %get3A = arith.index_cast %while3A_149 : i32 to index
        %get3A_150 = arith.constant 0 : index
        %get3A_151 = tpu.vector_load %arg6[%get3A, %get3A_150] {strides = array<i32>} : memref<192x512xf32, #tpu.memory_space<vmem>>, vector<1x16xf32>,
        %get3A_152 = vector.shape_cast %get3A_151 : vector<1x16xf32> to vector<16xf32>
        %mul3A_153 = arith.constant 4.75682831 : f32
        %mul3A_154 = vector.broadcast %mul3A_153 : f32 to vector<16xf32>
        %mul3A_155 = arith.mulf %get3A_152, %mul3A_154 : vector<16xf32>
        %swap3A = arith.index_cast %while3A_149 : i32 to index
        %swap3A_156 = arith.constant 0 : index
        %swap3A_157 = tpu.vector_load %arg6[%swap3A, %swap3A_156] {strides = array<i32>} : memref<192x512xf32, #tpu.memory_space<vmem>>, vector<1x16xf32>,
        %swap3A_158 = vector.shape_cast %swap3A_157 : vector<1x16xf32> to vector<16xf32>
        %swap3A_159 = vector.shape_cast %mul3A_155 : vector<16xf32> to vector<1x16xf32>
        tpu.vector_store %arg6[%swap3A, %swap3A_156], %swap3A_159 {strides = array<i32>} : memref<192x512xf32, #tpu.memory_space<vmem>>, vector<1x16xf32>,
        %get3A_160 = arith.index_cast %while3A_149 : i32 to index
        %get3A_161 = arith.constant 16 : index
        %get3A_162 = tpu.vector_load %arg6[%get3A_160, %get3A_161] {strides = array<i32>} : memref<192x512xf32, #tpu.memory_space<vmem>>, vector<1x16xf32>,
        %get3A_163 = vector.shape_cast %get3A_162 : vector<1x16xf32> to vector<16xf32>
        %mul3A_164 = arith.constant 4.75682831 : f32
        %mul3A_165 = vector.broadcast %mul3A_164 : f32 to vector<16xf32>
        %mul3A_166 = arith.mulf %get3A_163, %mul3A_165 : vector<16xf32>
        %swap3A_167 = arith.index_cast %while3A_149 : i32 to index
        %swap3A_168 = arith.constant 16 : index
        %swap3A_169 = tpu.vector_load %arg6[%swap3A_167, %swap3A_168] {strides = array<i32>} : memref<192x512xf32, #tpu.memory_space<vmem>>, vector<1x16xf32>,
        %swap3A_170 = vector.shape_cast %swap3A_169 : vector<1x16xf32> to vector<16xf32>
        %swap3A_171 = vector.shape_cast %mul3A_166 : vector<16xf32> to vector<1x16xf32>
        tpu.vector_store %arg6[%swap3A_167, %swap3A_168], %swap3A_171 {strides = array<i32>} : memref<192x512xf32, #tpu.memory_space<vmem>>, vector<1x16xf32>,
        %get3A_172 = arith.index_cast %while3A_149 : i32 to index
        %get3A_173 = arith.constant 32 : index
        %get3A_174 = tpu.vector_load %arg6[%get3A_172, %get3A_173] {strides = array<i32>} : memref<192x512xf32, #tpu.memory_space<vmem>>, vector<1x16xf32>,
        %get3A_175 = vector.shape_cast %get3A_174 : vector<1x16xf32> to vector<16xf32>
        %mul3A_176 = arith.constant 4.75682831 : f32
        %mul3A_177 = vector.broadcast %mul3A_176 : f32 to vector<16xf32>
        %mul3A_178 = arith.mulf %get3A_175, %mul3A_177 : vector<16xf32>
        %swap3A_179 = arith.index_cast %while3A_149 : i32 to index
        %swap3A_180 = arith.constant 32 : index
        %swap3A_181 = tpu.vector_load %arg6[%swap3A_179, %swap3A_180] {strides = array<i32>} : memref<192x512xf32, #tpu.memory_space<vmem>>, vector<1x16xf32>,
        %swap3A_182 = vector.shape_cast %swap3A_181 : vector<1x16xf32> to vector<16xf32>
        %swap3A_183 = vector.shape_cast %mul3A_178 : vector<16xf32> to vector<1x16xf32>
        tpu.vector_store %arg6[%swap3A_179, %swap3A_180], %swap3A_183 {strides = array<i32>} : memref<192x512xf32, #tpu.memory_space<vmem>>, vector<1x16xf32>,
        %get3A_184 = arith.index_cast %while3A_149 : i32 to index
        %get3A_185 = arith.constant 48 : index
        %get3A_186 = tpu.vector_load %arg6[%get3A_184, %get3A_185] {strides = array<i32>} : memref<192x512xf32, #tpu.memory_space<vmem>>, vector<1x16xf32>,
        %get3A_187 = vector.shape_cast %get3A_186 : vector<1x16xf32> to vector<16xf32>
        %mul3A_188 = arith.constant 4.75682831 : f32
        %mul3A_189 = vector.broadcast %mul3A_188 : f32 to vector<16xf32>
        %mul3A_190 = arith.mulf %get3A_187, %mul3A_189 : vector<16xf32>
        %swap3A_191 = arith.index_cast %while3A_149 : i32 to index
        %swap3A_192 = arith.constant 48 : index
        %swap3A_193 = tpu.vector_load %arg6[%swap3A_191, %swap3A_192] {strides = array<i32>} : memref<192x512xf32, #tpu.memory_space<vmem>>, vector<1x16xf32>,
        %swap3A_194 = vector.shape_cast %swap3A_193 : vector<1x16xf32> to vector<16xf32>
        %swap3A_195 = vector.shape_cast %mul3A_190 : vector<16xf32> to vector<1x16xf32>
        tpu.vector_store %arg6[%swap3A_191, %swap3A_192], %swap3A_195 {strides = array<i32>} : memref<192x512xf32, #tpu.memory_space<vmem>>, vector<1x16xf32>,
        %get3A_196 = arith.index_cast %while3A_149 : i32 to index
        %get3A_197 = arith.constant 64 : index
        %get3A_198 = tpu.vector_load %arg6[%get3A_196, %get3A_197] {strides = array<i32>} : memref<192x512xf32, #tpu.memory_space<vmem>>, vector<1x16xf32>,
        %get3A_199 = vector.shape_cast %get3A_198 : vector<1x16xf32> to vector<16xf32>
        %mul3A_200 = arith.constant 4.75682831 : f32
        %mul3A_201 = vector.broadcast %mul3A_200 : f32 to vector<16xf32>
        %mul3A_202 = arith.mulf %get3A_199, %mul3A_201 : vector<16xf32>
        %swap3A_203 = arith.index_cast %while3A_149 : i32 to index
        %swap3A_204 = arith.constant 64 : index
        %swap3A_205 = tpu.vector_load %arg6[%swap3A_203, %swap3A_204] {strides = array<i32>} : memref<192x512xf32, #tpu.memory_space<vmem>>, vector<1x16xf32>,
        %swap3A_206 = vector.shape_cast %swap3A_205 : vector<1x16xf32> to vector<16xf32>
        %swap3A_207 = vector.shape_cast %mul3A_202 : vector<16xf32> to vector<1x16xf32>
        tpu.vector_store %arg6[%swap3A_203, %swap3A_204], %swap3A_207 {strides = array<i32>} : memref<192x512xf32, #tpu.memory_space<vmem>>, vector<1x16xf32>,
        %get3A_208 = arith.index_cast %while3A_149 : i32 to index
        %get3A_209 = arith.constant 80 : index
        %get3A_210 = tpu.vector_load %arg6[%get3A_208, %get3A_209] {strides = array<i32>} : memref<192x512xf32, #tpu.memory_space<vmem>>, vector<1x16xf32>,
        %get3A_211 = vector.shape_cast %get3A_210 : vector<1x16xf32> to vector<16xf32>
        %mul3A_212 = arith.constant 4.75682831 : f32
        %mul3A_213 = vector.broadcast %mul3A_212 : f32 to vector<16xf32>
        %mul3A_214 = arith.mulf %get3A_211, %mul3A_213 : vector<16xf32>
        %swap3A_215 = arith.index_cast %while3A_149 : i32 to index
        %swap3A_216 = arith.constant 80 : index
        %swap3A_217 = tpu.vector_load %arg6[%swap3A_215, %swap3A_216] {strides = array<i32>} : memref<192x512xf32, #tpu.memory_space<vmem>>, vector<1x16xf32>,
        %swap3A_218 = vector.shape_cast %swap3A_217 : vector<1x16xf32> to vector<16xf32>
        %swap3A_219 = vector.shape_cast %mul3A_214 : vector<16xf32> to vector<1x16xf32>
        tpu.vector_store %arg6[%swap3A_215, %swap3A_216], %swap3A_219 {strides = array<i32>} : memref<192x512xf32, #tpu.memory_space<vmem>>, vector<1x16xf32>,
        %get3A_220 = arith.index_cast %while3A_149 : i32 to index
        %get3A_221 = arith.constant 96 : index
        %get3A_222 = tpu.vector_load %arg6[%get3A_220, %get3A_221] {strides = array<i32>} : memref<192x512xf32, #tpu.memory_space<vmem>>, vector<1x16xf32>,
        %get3A_223 = vector.shape_cast %get3A_222 : vector<1x16xf32> to vector<16xf32>
        %mul3A_224 = arith.constant 4.75682831 : f32
        %mul3A_225 = vector.broadcast %mul3A_224 : f32 to vector<16xf32>
        %mul3A_226 = arith.mulf %get3A_223, %mul3A_225 : vector<16xf32>
        %swap3A_227 = arith.index_cast %while3A_149 : i32 to index
        %swap3A_228 = arith.constant 96 : index
        %swap3A_229 = tpu.vector_load %arg6[%swap3A_227, %swap3A_228] {strides = array<i32>} : memref<192x512xf32, #tpu.memory_space<vmem>>, vector<1x16xf32>,
        %swap3A_230 = vector.shape_cast %swap3A_229 : vector<1x16xf32> to vector<16xf32>
        %swap3A_231 = vector.shape_cast %mul3A_226 : vector<16xf32> to vector<1x16xf32>
        tpu.vector_store %arg6[%swap3A_227, %swap3A_228], %swap3A_231 {strides = array<i32>} : memref<192x512xf32, #tpu.memory_space<vmem>>, vector<1x16xf32>,
        %get3A_232 = arith.index_cast %while3A_149 : i32 to index
        %get3A_233 = arith.constant 112 : index
        %get3A_234 = tpu.vector_load %arg6[%get3A_232, %get3A_233] {strides = array<i32>} : memref<192x512xf32, #tpu.memory_space<vmem>>, vector<1x16xf32>,
        %get3A_235 = vector.shape_cast %get3A_234 : vector<1x16xf32> to vector<16xf32>
        %mul3A_236 = arith.constant 4.75682831 : f32
        %mul3A_237 = vector.broadcast %mul3A_236 : f32 to vector<16xf32>
        %mul3A_238 = arith.mulf %get3A_235, %mul3A_237 : vector<16xf32>
        %swap3A_239 = arith.index_cast %while3A_149 : i32 to index
        %swap3A_240 = arith.constant 112 : index
        %swap3A_241 = tpu.vector_load %arg6[%swap3A_239, %swap3A_240] {strides = array<i32>} : memref<192x512xf32, #tpu.memory_space<vmem>>, vector<1x16xf32>,
        %swap3A_242 = vector.shape_cast %swap3A_241 : vector<1x16xf32> to vector<16xf32>
        %swap3A_243 = vector.shape_cast %mul3A_238 : vector<16xf32> to vector<1x16xf32>
        tpu.vector_store %arg6[%swap3A_239, %swap3A_240], %swap3A_243 {strides = array<i32>} : memref<192x512xf32, #tpu.memory_space<vmem>>, vector<1x16xf32>,
        %get3A_244 = arith.index_cast %while3A_149 : i32 to index
        %get3A_245 = arith.constant 128 : index
        %get3A_246 = tpu.vector_load %arg6[%get3A_244, %get3A_245] {strides = array<i32>} : memref<192x512xf32, #tpu.memory_space<vmem>>, vector<1x16xf32>,
        %get3A_247 = vector.shape_cast %get3A_246 : vector<1x16xf32> to vector<16xf32>
        %mul3A_248 = arith.constant 4.75682831 : f32
        %mul3A_249 = vector.broadcast %mul3A_248 : f32 to vector<16xf32>
        %mul3A_250 = arith.mulf %get3A_247, %mul3A_249 : vector<16xf32>
        %swap3A_251 = arith.index_cast %while3A_149 : i32 to index
        %swap3A_252 = arith.constant 128 : index
        %swap3A_253 = tpu.vector_load %arg6[%swap3A_251, %swap3A_252] {strides = array<i32>} : memref<192x512xf32, #tpu.memory_space<vmem>>, vector<1x16xf32>,
        %swap3A_254 = vector.shape_cast %swap3A_253 : vector<1x16xf32> to vector<16xf32>
        %swap3A_255 = vector.shape_cast %mul3A_250 : vector<16xf32> to vector<1x16xf32>
        tpu.vector_store %arg6[%swap3A_251, %swap3A_252], %swap3A_255 {strides = array<i32>} : memref<192x512xf32, #tpu.memory_space<vmem>>, vector<1x16xf32>,
        %get3A_256 = arith.index_cast %while3A_149 : i32 to index
        %get3A_257 = arith.constant 144 : index
        %get3A_258 = tpu.vector_load %arg6[%get3A_256, %get3A_257] {strides = array<i32>} : memref<192x512xf32, #tpu.memory_space<vmem>>, vector<1x16xf32>,
        %get3A_259 = vector.shape_cast %get3A_258 : vector<1x16xf32> to vector<16xf32>
        %mul3A_260 = arith.constant 4.75682831 : f32
        %mul3A_261 = vector.broadcast %mul3A_260 : f32 to vector<16xf32>
        %mul3A_262 = arith.mulf %get3A_259, %mul3A_261 : vector<16xf32>
        %swap3A_263 = arith.index_cast %while3A_149 : i32 to index
        %swap3A_264 = arith.constant 144 : index
        %swap3A_265 = tpu.vector_load %arg6[%swap3A_263, %swap3A_264] {strides = array<i32>} : memref<192x512xf32, #tpu.memory_space<vmem>>, vector<1x16xf32>,
        %swap3A_266 = vector.shape_cast %swap3A_265 : vector<1x16xf32> to vector<16xf32>
        %swap3A_267 = vector.shape_cast %mul3A_262 : vector<16xf32> to vector<1x16xf32>
        tpu.vector_store %arg6[%swap3A_263, %swap3A_264], %swap3A_267 {strides = array<i32>} : memref<192x512xf32, #tpu.memory_space<vmem>>, vector<1x16xf32>,
        %get3A_268 = arith.index_cast %while3A_149 : i32 to index
        %get3A_269 = arith.constant 160 : index
        %get3A_270 = tpu.vector_load %arg6[%get3A_268, %get3A_269] {strides = array<i32>} : memref<192x512xf32, #tpu.memory_space<vmem>>, vector<1x16xf32>,
        %get3A_271 = vector.shape_cast %get3A_270 : vector<1x16xf32> to vector<16xf32>
        %mul3A_272 = arith.constant 4.75682831 : f32
        %mul3A_273 = vector.broadcast %mul3A_272 : f32 to vector<16xf32>
        %mul3A_274 = arith.mulf %get3A_271, %mul3A_273 : vector<16xf32>
        %swap3A_275 = arith.index_cast %while3A_149 : i32 to index
        %swap3A_276 = arith.constant 160 : index
        %swap3A_277 = tpu.vector_load %arg6[%swap3A_275, %swap3A_276] {strides = array<i32>} : memref<192x512xf32, #tpu.memory_space<vmem>>, vector<1x16xf32>,
        %swap3A_278 = vector.shape_cast %swap3A_277 : vector<1x16xf32> to vector<16xf32>
        %swap3A_279 = vector.shape_cast %mul3A_274 : vector<16xf32> to vector<1x16xf32>
        tpu.vector_store %arg6[%swap3A_275, %swap3A_276], %swap3A_279 {strides = array<i32>} : memref<192x512xf32, #tpu.memory_space<vmem>>, vector<1x16xf32>,
        %get3A_280 = arith.index_cast %while3A_149 : i32 to index
        %get3A_281 = arith.constant 176 : index
        %get3A_282 = tpu.vector_load %arg6[%get3A_280, %get3A_281] {strides = array<i32>} : memref<192x512xf32, #tpu.memory_space<vmem>>, vector<1x16xf32>,
        %get3A_283 = vector.shape_cast %get3A_282 : vector<1x16xf32> to vector<16xf32>
        %mul3A_284 = arith.constant 4.75682831 : f32
        %mul3A_285 = vector.broadcast %mul3A_284 : f32 to vector<16xf32>
        %mul3A_286 = arith.mulf %get3A_283, %mul3A_285 : vector<16xf32>
        %swap3A_287 = arith.index_cast %while3A_149 : i32 to index
        %swap3A_288 = arith.constant 176 : index
        %swap3A_289 = tpu.vector_load %arg6[%swap3A_287, %swap3A_288] {strides = array<i32>} : memref<192x512xf32, #tpu.memory_space<vmem>>, vector<1x16xf32>,
        %swap3A_290 = vector.shape_cast %swap3A_289 : vector<1x16xf32> to vector<16xf32>
        %swap3A_291 = vector.shape_cast %mul3A_286 : vector<16xf32> to vector<1x16xf32>
        tpu.vector_store %arg6[%swap3A_287, %swap3A_288], %swap3A_291 {strides = array<i32>} : memref<192x512xf32, #tpu.memory_space<vmem>>, vector<1x16xf32>,
        %get3A_292 = arith.index_cast %while3A_149 : i32 to index
        %get3A_293 = arith.constant 192 : index
        %get3A_294 = tpu.vector_load %arg6[%get3A_292, %get3A_293] {strides = array<i32>} : memref<192x512xf32, #tpu.memory_space<vmem>>, vector<1x16xf32>,
        %get3A_295 = vector.shape_cast %get3A_294 : vector<1x16xf32> to vector<16xf32>
        %mul3A_296 = arith.constant 4.75682831 : f32
        %mul3A_297 = vector.broadcast %mul3A_296 : f32 to vector<16xf32>
        %mul3A_298 = arith.mulf %get3A_295, %mul3A_297 : vector<16xf32>
        %swap3A_299 = arith.index_cast %while3A_149 : i32 to index
        %swap3A_300 = arith.constant 192 : index
        %swap3A_301 = tpu.vector_load %arg6[%swap3A_299, %swap3A_300] {strides = array<i32>} : memref<192x512xf32, #tpu.memory_space<vmem>>, vector<1x16xf32>,
        %swap3A_302 = vector.shape_cast %swap3A_301 : vector<1x16xf32> to vector<16xf32>
        %swap3A_303 = vector.shape_cast %mul3A_298 : vector<16xf32> to vector<1x16xf32>
        tpu.vector_store %arg6[%swap3A_299, %swap3A_300], %swap3A_303 {strides = array<i32>} : memref<192x512xf32, #tpu.memory_space<vmem>>, vector<1x16xf32>,
        %get3A_304 = arith.index_cast %while3A_149 : i32 to index
        %get3A_305 = arith.constant 208 : index
        %get3A_306 = tpu.vector_load %arg6[%get3A_304, %get3A_305] {strides = array<i32>} : memref<192x512xf32, #tpu.memory_space<vmem>>, vector<1x16xf32>,
        %get3A_307 = vector.shape_cast %get3A_306 : vector<1x16xf32> to vector<16xf32>
        %mul3A_308 = arith.constant 4.75682831 : f32
        %mul3A_309 = vector.broadcast %mul3A_308 : f32 to vector<16xf32>
        %mul3A_310 = arith.mulf %get3A_307, %mul3A_309 : vector<16xf32>
        %swap3A_311 = arith.index_cast %while3A_149 : i32 to index
        %swap3A_312 = arith.constant 208 : index
        %swap3A_313 = tpu.vector_load %arg6[%swap3A_311, %swap3A_312] {strides = array<i32>} : memref<192x512xf32, #tpu.memory_space<vmem>>, vector<1x16xf32>,
        %swap3A_314 = vector.shape_cast %swap3A_313 : vector<1x16xf32> to vector<16xf32>
        %swap3A_315 = vector.shape_cast %mul3A_310 : vector<16xf32> to vector<1x16xf32>
        tpu.vector_store %arg6[%swap3A_311, %swap3A_312], %swap3A_315 {strides = array<i32>} : memref<192x512xf32, #tpu.memory_space<vmem>>, vector<1x16xf32>,
        %get3A_316 = arith.index_cast %while3A_149 : i32 to index
        %get3A_317 = arith.constant 224 : index
        %get3A_318 = tpu.vector_load %arg6[%get3A_316, %get3A_317] {strides = array<i32>} : memref<192x512xf32, #tpu.memory_space<vmem>>, vector<1x16xf32>,
        %get3A_319 = vector.shape_cast %get3A_318 : vector<1x16xf32> to vector<16xf32>
        %mul3A_320 = arith.constant 4.75682831 : f32
        %mul3A_321 = vector.broadcast %mul3A_320 : f32 to vector<16xf32>
        %mul3A_322 = arith.mulf %get3A_319, %mul3A_321 : vector<16xf32>
        %swap3A_323 = arith.index_cast %while3A_149 : i32 to index
        %swap3A_324 = arith.constant 224 : index
        %swap3A_325 = tpu.vector_load %arg6[%swap3A_323, %swap3A_324] {strides = array<i32>} : memref<192x512xf32, #tpu.memory_space<vmem>>, vector<1x16xf32>,
        %swap3A_326 = vector.shape_cast %swap3A_325 : vector<1x16xf32> to vector<16xf32>
        %swap3A_327 = vector.shape_cast %mul3A_322 : vector<16xf32> to vector<1x16xf32>
        tpu.vector_store %arg6[%swap3A_323, %swap3A_324], %swap3A_327 {strides = array<i32>} : memref<192x512xf32, #tpu.memory_space<vmem>>, vector<1x16xf32>,
        %get3A_328 = arith.index_cast %while3A_149 : i32 to index
        %get3A_329 = arith.constant 240 : index
        %get3A_330 = tpu.vector_load %arg6[%get3A_328, %get3A_329] {strides = array<i32>} : memref<192x512xf32, #tpu.memory_space<vmem>>, vector<1x16xf32>,
        %get3A_331 = vector.shape_cast %get3A_330 : vector<1x16xf32> to vector<16xf32>
        %mul3A_332 = arith.constant 4.75682831 : f32
        %mul3A_333 = vector.broadcast %mul3A_332 : f32 to vector<16xf32>
        %mul3A_334 = arith.mulf %get3A_331, %mul3A_333 : vector<16xf32>
        %swap3A_335 = arith.index_cast %while3A_149 : i32 to index
        %swap3A_336 = arith.constant 240 : index
        %swap3A_337 = tpu.vector_load %arg6[%swap3A_335, %swap3A_336] {strides = array<i32>} : memref<192x512xf32, #tpu.memory_space<vmem>>, vector<1x16xf32>,
        %swap3A_338 = vector.shape_cast %swap3A_337 : vector<1x16xf32> to vector<16xf32>
        %swap3A_339 = vector.shape_cast %mul3A_334 : vector<16xf32> to vector<1x16xf32>
        tpu.vector_store %arg6[%swap3A_335, %swap3A_336], %swap3A_339 {strides = array<i32>} : memref<192x512xf32, #tpu.memory_space<vmem>>, vector<1x16xf32>,
        %get3A_340 = arith.index_cast %while3A_149 : i32 to index
        %get3A_341 = arith.constant 256 : index
        %get3A_342 = tpu.vector_load %arg6[%get3A_340, %get3A_341] {strides = array<i32>} : memref<192x512xf32, #tpu.memory_space<vmem>>, vector<1x16xf32>,
        %get3A_343 = vector.shape_cast %get3A_342 : vector<1x16xf32> to vector<16xf32>
        %mul3A_344 = arith.constant 4.75682831 : f32
        %mul3A_345 = vector.broadcast %mul3A_344 : f32 to vector<16xf32>
        %mul3A_346 = arith.mulf %get3A_343, %mul3A_345 : vector<16xf32>
        %swap3A_347 = arith.index_cast %while3A_149 : i32 to index
        %swap3A_348 = arith.constant 256 : index
        %swap3A_349 = tpu.vector_load %arg6[%swap3A_347, %swap3A_348] {strides = array<i32>} : memref<192x512xf32, #tpu.memory_space<vmem>>, vector<1x16xf32>,
        %swap3A_350 = vector.shape_cast %swap3A_349 : vector<1x16xf32> to vector<16xf32>
        %swap3A_351 = vector.shape_cast %mul3A_346 : vector<16xf32> to vector<1x16xf32>
        tpu.vector_store %arg6[%swap3A_347, %swap3A_348], %swap3A_351 {strides = array<i32>} : memref<192x512xf32, #tpu.memory_space<vmem>>, vector<1x16xf32>,
        %get3A_352 = arith.index_cast %while3A_149 : i32 to index
        %get3A_353 = arith.constant 272 : index
        %get3A_354 = tpu.vector_load %arg6[%get3A_352, %get3A_353] {strides = array<i32>} : memref<192x512xf32, #tpu.memory_space<vmem>>, vector<1x16xf32>,
        %get3A_355 = vector.shape_cast %get3A_354 : vector<1x16xf32> to vector<16xf32>
        %mul3A_356 = arith.constant 4.75682831 : f32
        %mul3A_357 = vector.broadcast %mul3A_356 : f32 to vector<16xf32>
        %mul3A_358 = arith.mulf %get3A_355, %mul3A_357 : vector<16xf32>
        %swap3A_359 = arith.index_cast %while3A_149 : i32 to index
        %swap3A_360 = arith.constant 272 : index
        %swap3A_361 = tpu.vector_load %arg6[%swap3A_359, %swap3A_360] {strides = array<i32>} : memref<192x512xf32, #tpu.memory_space<vmem>>, vector<1x16xf32>,
        %swap3A_362 = vector.shape_cast %swap3A_361 : vector<1x16xf32> to vector<16xf32>
        %swap3A_363 = vector.shape_cast %mul3A_358 : vector<16xf32> to vector<1x16xf32>
        tpu.vector_store %arg6[%swap3A_359, %swap3A_360], %swap3A_363 {strides = array<i32>} : memref<192x512xf32, #tpu.memory_space<vmem>>, vector<1x16xf32>,
        %get3A_364 = arith.index_cast %while3A_149 : i32 to index
        %get3A_365 = arith.constant 288 : index
        %get3A_366 = tpu.vector_load %arg6[%get3A_364, %get3A_365] {strides = array<i32>} : memref<192x512xf32, #tpu.memory_space<vmem>>, vector<1x16xf32>,
        %get3A_367 = vector.shape_cast %get3A_366 : vector<1x16xf32> to vector<16xf32>
        %mul3A_368 = arith.constant 4.75682831 : f32
        %mul3A_369 = vector.broadcast %mul3A_368 : f32 to vector<16xf32>
        %mul3A_370 = arith.mulf %get3A_367, %mul3A_369 : vector<16xf32>
        %swap3A_371 = arith.index_cast %while3A_149 : i32 to index
        %swap3A_372 = arith.constant 288 : index
        %swap3A_373 = tpu.vector_load %arg6[%swap3A_371, %swap3A_372] {strides = array<i32>} : memref<192x512xf32, #tpu.memory_space<vmem>>, vector<1x16xf32>,
        %swap3A_374 = vector.shape_cast %swap3A_373 : vector<1x16xf32> to vector<16xf32>
        %swap3A_375 = vector.shape_cast %mul3A_370 : vector<16xf32> to vector<1x16xf32>
        tpu.vector_store %arg6[%swap3A_371, %swap3A_372], %swap3A_375 {strides = array<i32>} : memref<192x512xf32, #tpu.memory_space<vmem>>, vector<1x16xf32>,
        %get3A_376 = arith.index_cast %while3A_149 : i32 to index
        %get3A_377 = arith.constant 304 : index
        %get3A_378 = tpu.vector_load %arg6[%get3A_376, %get3A_377] {strides = array<i32>} : memref<192x512xf32, #tpu.memory_space<vmem>>, vector<1x16xf32>,
        %get3A_379 = vector.shape_cast %get3A_378 : vector<1x16xf32> to vector<16xf32>
        %mul3A_380 = arith.constant 4.75682831 : f32
        %mul3A_381 = vector.broadcast %mul3A_380 : f32 to vector<16xf32>
        %mul3A_382 = arith.mulf %get3A_379, %mul3A_381 : vector<16xf32>
        %swap3A_383 = arith.index_cast %while3A_149 : i32 to index
        %swap3A_384 = arith.constant 304 : index
        %swap3A_385 = tpu.vector_load %arg6[%swap3A_383, %swap3A_384] {strides = array<i32>} : memref<192x512xf32, #tpu.memory_space<vmem>>, vector<1x16xf32>,
        %swap3A_386 = vector.shape_cast %swap3A_385 : vector<1x16xf32> to vector<16xf32>
        %swap3A_387 = vector.shape_cast %mul3A_382 : vector<16xf32> to vector<1x16xf32>
        tpu.vector_store %arg6[%swap3A_383, %swap3A_384], %swap3A_387 {strides = array<i32>} : memref<192x512xf32, #tpu.memory_space<vmem>>, vector<1x16xf32>,
        %get3A_388 = arith.index_cast %while3A_149 : i32 to index
        %get3A_389 = arith.constant 320 : index
        %get3A_390 = tpu.vector_load %arg6[%get3A_388, %get3A_389] {strides = array<i32>} : memref<192x512xf32, #tpu.memory_space<vmem>>, vector<1x16xf32>,
        %get3A_391 = vector.shape_cast %get3A_390 : vector<1x16xf32> to vector<16xf32>
        %mul3A_392 = arith.constant 4.75682831 : f32
        %mul3A_393 = vector.broadcast %mul3A_392 : f32 to vector<16xf32>
        %mul3A_394 = arith.mulf %get3A_391, %mul3A_393 : vector<16xf32>
        %swap3A_395 = arith.index_cast %while3A_149 : i32 to index
        %swap3A_396 = arith.constant 320 : index
        %swap3A_397 = tpu.vector_load %arg6[%swap3A_395, %swap3A_396] {strides = array<i32>} : memref<192x512xf32, #tpu.memory_space<vmem>>, vector<1x16xf32>,
        %swap3A_398 = vector.shape_cast %swap3A_397 : vector<1x16xf32> to vector<16xf32>
        %swap3A_399 = vector.shape_cast %mul3A_394 : vector<16xf32> to vector<1x16xf32>
        tpu.vector_store %arg6[%swap3A_395, %swap3A_396], %swap3A_399 {strides = array<i32>} : memref<192x512xf32, #tpu.memory_space<vmem>>, vector<1x16xf32>,
        %get3A_400 = arith.index_cast %while3A_149 : i32 to index
        %get3A_401 = arith.constant 336 : index
        %get3A_402 = tpu.vector_load %arg6[%get3A_400, %get3A_401] {strides = array<i32>} : memref<192x512xf32, #tpu.memory_space<vmem>>, vector<1x16xf32>,
        %get3A_403 = vector.shape_cast %get3A_402 : vector<1x16xf32> to vector<16xf32>
        %mul3A_404 = arith.constant 4.75682831 : f32
        %mul3A_405 = vector.broadcast %mul3A_404 : f32 to vector<16xf32>
        %mul3A_406 = arith.mulf %get3A_403, %mul3A_405 : vector<16xf32>
        %swap3A_407 = arith.index_cast %while3A_149 : i32 to index
        %swap3A_408 = arith.constant 336 : index
        %swap3A_409 = tpu.vector_load %arg6[%swap3A_407, %swap3A_408] {strides = array<i32>} : memref<192x512xf32, #tpu.memory_space<vmem>>, vector<1x16xf32>,
        %swap3A_410 = vector.shape_cast %swap3A_409 : vector<1x16xf32> to vector<16xf32>
        %swap3A_411 = vector.shape_cast %mul3A_406 : vector<16xf32> to vector<1x16xf32>
        tpu.vector_store %arg6[%swap3A_407, %swap3A_408], %swap3A_411 {strides = array<i32>} : memref<192x512xf32, #tpu.memory_space<vmem>>, vector<1x16xf32>,
        %get3A_412 = arith.index_cast %while3A_149 : i32 to index
        %get3A_413 = arith.constant 352 : index
        %get3A_414 = tpu.vector_load %arg6[%get3A_412, %get3A_413] {strides = array<i32>} : memref<192x512xf32, #tpu.memory_space<vmem>>, vector<1x16xf32>,
        %get3A_415 = vector.shape_cast %get3A_414 : vector<1x16xf32> to vector<16xf32>
        %mul3A_416 = arith.constant 4.75682831 : f32
        %mul3A_417 = vector.broadcast %mul3A_416 : f32 to vector<16xf32>
        %mul3A_418 = arith.mulf %get3A_415, %mul3A_417 : vector<16xf32>
        %swap3A_419 = arith.index_cast %while3A_149 : i32 to index
        %swap3A_420 = arith.constant 352 : index
        %swap3A_421 = tpu.vector_load %arg6[%swap3A_419, %swap3A_420] {strides = array<i32>} : memref<192x512xf32, #tpu.memory_space<vmem>>, vector<1x16xf32>,
        %swap3A_422 = vector.shape_cast %swap3A_421 : vector<1x16xf32> to vector<16xf32>
        %swap3A_423 = vector.shape_cast %mul3A_418 : vector<16xf32> to vector<1x16xf32>
        tpu.vector_store %arg6[%swap3A_419, %swap3A_420], %swap3A_423 {strides = array<i32>} : memref<192x512xf32, #tpu.memory_space<vmem>>, vector<1x16xf32>,
        %get3A_424 = arith.index_cast %while3A_149 : i32 to index
        %get3A_425 = arith.constant 368 : index
        %get3A_426 = tpu.vector_load %arg6[%get3A_424, %get3A_425] {strides = array<i32>} : memref<192x512xf32, #tpu.memory_space<vmem>>, vector<1x16xf32>,
        %get3A_427 = vector.shape_cast %get3A_426 : vector<1x16xf32> to vector<16xf32>
        %mul3A_428 = arith.constant 4.75682831 : f32
        %mul3A_429 = vector.broadcast %mul3A_428 : f32 to vector<16xf32>
        %mul3A_430 = arith.mulf %get3A_427, %mul3A_429 : vector<16xf32>
        %swap3A_431 = arith.index_cast %while3A_149 : i32 to index
        %swap3A_432 = arith.constant 368 : index
        %swap3A_433 = tpu.vector_load %arg6[%swap3A_431, %swap3A_432] {strides = array<i32>} : memref<192x512xf32, #tpu.memory_space<vmem>>, vector<1x16xf32>,
        %swap3A_434 = vector.shape_cast %swap3A_433 : vector<1x16xf32> to vector<16xf32>
        %swap3A_435 = vector.shape_cast %mul3A_430 : vector<16xf32> to vector<1x16xf32>
        tpu.vector_store %arg6[%swap3A_431, %swap3A_432], %swap3A_435 {strides = array<i32>} : memref<192x512xf32, #tpu.memory_space<vmem>>, vector<1x16xf32>,
        %get3A_436 = arith.index_cast %while3A_149 : i32 to index
        %get3A_437 = arith.constant 384 : index
        %get3A_438 = tpu.vector_load %arg6[%get3A_436, %get3A_437] {strides = array<i32>} : memref<192x512xf32, #tpu.memory_space<vmem>>, vector<1x16xf32>,
        %get3A_439 = vector.shape_cast %get3A_438 : vector<1x16xf32> to vector<16xf32>
        %mul3A_440 = arith.constant 4.75682831 : f32
        %mul3A_441 = vector.broadcast %mul3A_440 : f32 to vector<16xf32>
        %mul3A_442 = arith.mulf %get3A_439, %mul3A_441 : vector<16xf32>
        %swap3A_443 = arith.index_cast %while3A_149 : i32 to index
        %swap3A_444 = arith.constant 384 : index
        %swap3A_445 = tpu.vector_load %arg6[%swap3A_443, %swap3A_444] {strides = array<i32>} : memref<192x512xf32, #tpu.memory_space<vmem>>, vector<1x16xf32>,
        %swap3A_446 = vector.shape_cast %swap3A_445 : vector<1x16xf32> to vector<16xf32>
        %swap3A_447 = vector.shape_cast %mul3A_442 : vector<16xf32> to vector<1x16xf32>
        tpu.vector_store %arg6[%swap3A_443, %swap3A_444], %swap3A_447 {strides = array<i32>} : memref<192x512xf32, #tpu.memory_space<vmem>>, vector<1x16xf32>,
        %get3A_448 = arith.index_cast %while3A_149 : i32 to index
        %get3A_449 = arith.constant 400 : index
        %get3A_450 = tpu.vector_load %arg6[%get3A_448, %get3A_449] {strides = array<i32>} : memref<192x512xf32, #tpu.memory_space<vmem>>, vector<1x16xf32>,
        %get3A_451 = vector.shape_cast %get3A_450 : vector<1x16xf32> to vector<16xf32>
        %mul3A_452 = arith.constant 4.75682831 : f32
        %mul3A_453 = vector.broadcast %mul3A_452 : f32 to vector<16xf32>
        %mul3A_454 = arith.mulf %get3A_451, %mul3A_453 : vector<16xf32>
        %swap3A_455 = arith.index_cast %while3A_149 : i32 to index
        %swap3A_456 = arith.constant 400 : index
        %swap3A_457 = tpu.vector_load %arg6[%swap3A_455, %swap3A_456] {strides = array<i32>} : memref<192x512xf32, #tpu.memory_space<vmem>>, vector<1x16xf32>,
        %swap3A_458 = vector.shape_cast %swap3A_457 : vector<1x16xf32> to vector<16xf32>
        %swap3A_459 = vector.shape_cast %mul3A_454 : vector<16xf32> to vector<1x16xf32>
        tpu.vector_store %arg6[%swap3A_455, %swap3A_456], %swap3A_459 {strides = array<i32>} : memref<192x512xf32, #tpu.memory_space<vmem>>, vector<1x16xf32>,
        %get3A_460 = arith.index_cast %while3A_149 : i32 to index
        %get3A_461 = arith.constant 416 : index
        %get3A_462 = tpu.vector_load %arg6[%get3A_460, %get3A_461] {strides = array<i32>} : memref<192x512xf32, #tpu.memory_space<vmem>>, vector<1x16xf32>,
        %get3A_463 = vector.shape_cast %get3A_462 : vector<1x16xf32> to vector<16xf32>
        %mul3A_464 = arith.constant 4.75682831 : f32
        %mul3A_465 = vector.broadcast %mul3A_464 : f32 to vector<16xf32>
        %mul3A_466 = arith.mulf %get3A_463, %mul3A_465 : vector<16xf32>
        %swap3A_467 = arith.index_cast %while3A_149 : i32 to index
        %swap3A_468 = arith.constant 416 : index
        %swap3A_469 = tpu.vector_load %arg6[%swap3A_467, %swap3A_468] {strides = array<i32>} : memref<192x512xf32, #tpu.memory_space<vmem>>, vector<1x16xf32>,
        %swap3A_470 = vector.shape_cast %swap3A_469 : vector<1x16xf32> to vector<16xf32>
        %swap3A_471 = vector.shape_cast %mul3A_466 : vector<16xf32> to vector<1x16xf32>
        tpu.vector_store %arg6[%swap3A_467, %swap3A_468], %swap3A_471 {strides = array<i32>} : memref<192x512xf32, #tpu.memory_space<vmem>>, vector<1x16xf32>,
        %get3A_472 = arith.index_cast %while3A_149 : i32 to index
        %get3A_473 = arith.constant 432 : index
        %get3A_474 = tpu.vector_load %arg6[%get3A_472, %get3A_473] {strides = array<i32>} : memref<192x512xf32, #tpu.memory_space<vmem>>, vector<1x16xf32>,
        %get3A_475 = vector.shape_cast %get3A_474 : vector<1x16xf32> to vector<16xf32>
        %mul3A_476 = arith.constant 4.75682831 : f32
        %mul3A_477 = vector.broadcast %mul3A_476 : f32 to vector<16xf32>
        %mul3A_478 = arith.mulf %get3A_475, %mul3A_477 : vector<16xf32>
        %swap3A_479 = arith.index_cast %while3A_149 : i32 to index
        %swap3A_480 = arith.constant 432 : index
        %swap3A_481 = tpu.vector_load %arg6[%swap3A_479, %swap3A_480] {strides = array<i32>} : memref<192x512xf32, #tpu.memory_space<vmem>>, vector<1x16xf32>,
        %swap3A_482 = vector.shape_cast %swap3A_481 : vector<1x16xf32> to vector<16xf32>
        %swap3A_483 = vector.shape_cast %mul3A_478 : vector<16xf32> to vector<1x16xf32>
        tpu.vector_store %arg6[%swap3A_479, %swap3A_480], %swap3A_483 {strides = array<i32>} : memref<192x512xf32, #tpu.memory_space<vmem>>, vector<1x16xf32>,
        %get3A_484 = arith.index_cast %while3A_149 : i32 to index
        %get3A_485 = arith.constant 448 : index
        %get3A_486 = tpu.vector_load %arg6[%get3A_484, %get3A_485] {strides = array<i32>} : memref<192x512xf32, #tpu.memory_space<vmem>>, vector<1x16xf32>,
        %get3A_487 = vector.shape_cast %get3A_486 : vector<1x16xf32> to vector<16xf32>
        %mul3A_488 = arith.constant 4.75682831 : f32
        %mul3A_489 = vector.broadcast %mul3A_488 : f32 to vector<16xf32>
        %mul3A_490 = arith.mulf %get3A_487, %mul3A_489 : vector<16xf32>
        %swap3A_491 = arith.index_cast %while3A_149 : i32 to index
        %swap3A_492 = arith.constant 448 : index
        %swap3A_493 = tpu.vector_load %arg6[%swap3A_491, %swap3A_492] {strides = array<i32>} : memref<192x512xf32, #tpu.memory_space<vmem>>, vector<1x16xf32>,
        %swap3A_494 = vector.shape_cast %swap3A_493 : vector<1x16xf32> to vector<16xf32>
        %swap3A_495 = vector.shape_cast %mul3A_490 : vector<16xf32> to vector<1x16xf32>
        tpu.vector_store %arg6[%swap3A_491, %swap3A_492], %swap3A_495 {strides = array<i32>} : memref<192x512xf32, #tpu.memory_space<vmem>>, vector<1x16xf32>,
        %get3A_496 = arith.index_cast %while3A_149 : i32 to index
        %get3A_497 = arith.constant 464 : index
        %get3A_498 = tpu.vector_load %arg6[%get3A_496, %get3A_497] {strides = array<i32>} : memref<192x512xf32, #tpu.memory_space<vmem>>, vector<1x16xf32>,
        %get3A_499 = vector.shape_cast %get3A_498 : vector<1x16xf32> to vector<16xf32>
        %mul3A_500 = arith.constant 4.75682831 : f32
        %mul3A_501 = vector.broadcast %mul3A_500 : f32 to vector<16xf32>
        %mul3A_502 = arith.mulf %get3A_499, %mul3A_501 : vector<16xf32>
        %swap3A_503 = arith.index_cast %while3A_149 : i32 to index
        %swap3A_504 = arith.constant 464 : index
        %swap3A_505 = tpu.vector_load %arg6[%swap3A_503, %swap3A_504] {strides = array<i32>} : memref<192x512xf32, #tpu.memory_space<vmem>>, vector<1x16xf32>,
        %swap3A_506 = vector.shape_cast %swap3A_505 : vector<1x16xf32> to vector<16xf32>
        %swap3A_507 = vector.shape_cast %mul3A_502 : vector<16xf32> to vector<1x16xf32>
        tpu.vector_store %arg6[%swap3A_503, %swap3A_504], %swap3A_507 {strides = array<i32>} : memref<192x512xf32, #tpu.memory_space<vmem>>, vector<1x16xf32>,
        %get3A_508 = arith.index_cast %while3A_149 : i32 to index
        %get3A_509 = arith.constant 480 : index
        %get3A_510 = tpu.vector_load %arg6[%get3A_508, %get3A_509] {strides = array<i32>} : memref<192x512xf32, #tpu.memory_space<vmem>>, vector<1x16xf32>,
        %get3A_511 = vector.shape_cast %get3A_510 : vector<1x16xf32> to vector<16xf32>
        %mul3A_512 = arith.constant 4.75682831 : f32
        %mul3A_513 = vector.broadcast %mul3A_512 : f32 to vector<16xf32>
        %mul3A_514 = arith.mulf %get3A_511, %mul3A_513 : vector<16xf32>
        %swap3A_515 = arith.index_cast %while3A_149 : i32 to index
        %swap3A_516 = arith.constant 480 : index
        %swap3A_517 = tpu.vector_load %arg6[%swap3A_515, %swap3A_516] {strides = array<i32>} : memref<192x512xf32, #tpu.memory_space<vmem>>, vector<1x16xf32>,
        %swap3A_518 = vector.shape_cast %swap3A_517 : vector<1x16xf32> to vector<16xf32>
        %swap3A_519 = vector.shape_cast %mul3A_514 : vector<16xf32> to vector<1x16xf32>
        tpu.vector_store %arg6[%swap3A_515, %swap3A_516], %swap3A_519 {strides = array<i32>} : memref<192x512xf32, #tpu.memory_space<vmem>>, vector<1x16xf32>,
        %get3A_520 = arith.index_cast %while3A_149 : i32 to index
        %get3A_521 = arith.constant 496 : index
        %get3A_522 = tpu.vector_load %arg6[%get3A_520, %get3A_521] {strides = array<i32>} : memref<192x512xf32, #tpu.memory_space<vmem>>, vector<1x16xf32>,
        %get3A_523 = vector.shape_cast %get3A_522 : vector<1x16xf32> to vector<16xf32>
        %mul3A_524 = arith.constant 4.75682831 : f32
        %mul3A_525 = vector.broadcast %mul3A_524 : f32 to vector<16xf32>
        %mul3A_526 = arith.mulf %get3A_523, %mul3A_525 : vector<16xf32>
        %swap3A_527 = arith.index_cast %while3A_149 : i32 to index
        %swap3A_528 = arith.constant 496 : index
        %swap3A_529 = tpu.vector_load %arg6[%swap3A_527, %swap3A_528] {strides = array<i32>} : memref<192x512xf32, #tpu.memory_space<vmem>>, vector<1x16xf32>,
        %swap3A_530 = vector.shape_cast %swap3A_529 : vector<1x16xf32> to vector<16xf32>
        %swap3A_531 = vector.shape_cast %mul3A_526 : vector<16xf32> to vector<1x16xf32>
        tpu.vector_store %arg6[%swap3A_527, %swap3A_528], %swap3A_531 {strides = array<i32>} : memref<192x512xf32, #tpu.memory_space<vmem>>, vector<1x16xf32>,
      }
      %add3A_123 = arith.constant 32 : i32
      %add3A_124 = arith.addi %mul3A_73, %add3A_123 : i32
      %mul3A_125 = arith.constant 64 : i32
      %mul3A_126 = arith.muli %add3A_69, %mul3A_125 : i32
      %add3A_127 = arith.addi %mul3A_32, %mul3A_126 : i32
      %add3A_128 = arith.constant 32 : i32
      %add3A_129 = arith.addi %add3A_127, %add3A_128 : i32
      %dma_start3A_130 = arith.constant 0 : i32
      %dma_start3A_131 = tpu.memref_slice %arg6[%add3A_124, %dma_start3A_130] : memref<192x512xf32, #tpu.memory_space<vmem>> -> memref<32x512xf32, #tpu.memory_space<vmem>>
      %dma_start3A_132 = arith.constant 0 : i32
      %dma_start3A_133 = tpu.memref_slice %arg4[%select_n3A, %add3A_129, %dma_start3A_132] : memref<4x2048x512xf32, #tpu.memory_space<hbm>> -> memref<1x32x512xf32, #tpu.memory_space<hbm>>
      %dma_start3A_134 = tpu.memref_squeeze %dma_start3A_133 : memref<1x32x512xf32, #tpu.memory_space<hbm>> -> memref<32x512xf32, #tpu.memory_space<hbm>>
      %dma_start3A_135 = arith.constant 0 : i32
      %dma_start3A_136 = tpu.memref_slice %arg4[%select_n3A, %add3A_129, %dma_start3A_135] : memref<4x2048x512xf32, #tpu.memory_space<hbm>> -> memref<1x32x512xf32, #tpu.memory_space<hbm>>
      %dma_start3A_137 = tpu.memref_squeeze %dma_start3A_136 : memref<1x32x512xf32, #tpu.memory_space<hbm>> -> memref<32x512xf32, #tpu.memory_space<hbm>>
      %dma_start3A_138 = arith.constant 0 : i32
      %dma_start3A_139 = tpu.memref_slice %arg6[%add3A_124, %dma_start3A_138] : memref<192x512xf32, #tpu.memory_space<vmem>> -> memref<32x512xf32, #tpu.memory_space<vmem>>
      tpu.enqueue_dma source(%dma_start3A_139 : memref<32x512xf32, #tpu.memory_space<vmem>>) target(%dma_start3A_137 : memref<32x512xf32, #tpu.memory_space<hbm>>) target_semaphore(%arg8 : memref<!tpu.dma_semaphore, #tpu.memory_space<semaphore_mem>>)
      %add3A_140 = arith.constant 3 : i32
      %add3A_141 = arith.addi %add3A_69, %add3A_140 : i32
      %sub3A_142 = arith.constant 1 : i32
      %sub3A_143 = arith.subi %add3A_141, %sub3A_142 : i32
      %ge3A = arith.constant 1 : i32
      %ge3A_144 = arith.cmpi sge, %add3A_69, %ge3A : i32
      %lt3A_145 = arith.constant 4 : i32
      %lt3A_146 = arith.cmpi slt, %sub3A_143, %lt3A_145 : i32
      %and3A_147 = arith.andi %ge3A_144, %lt3A_146 : i1
      %convert_element_type3A = arith.extui %and3A_147 : i1 to i32
      %cond3A = arith.constant 0 : i32
      %cond3A_148 = arith.cmpi ne, %convert_element_type3A, %cond3A : i32
      scf.if %cond3A_148 {
        %sub3A_149 = arith.constant 1 : i32
        %sub3A_150 = arith.subi %add3A_69, %sub3A_149 : i32
        %rem3A_151 = arith.constant 3 : i32
        %rem3A_152 = arith.remsi %sub3A_150, %rem3A_151 : i32
        %mul3A_153 = arith.constant 64 : i32
        %mul3A_154 = arith.muli %rem3A_152, %mul3A_153 : i32
        %sub3A_155 = arith.constant 1 : i32
        %sub3A_156 = arith.subi %add3A_69, %sub3A_155 : i32
        %add3A_157 = arith.constant 0 : i32
        %add3A_158 = arith.addi %mul3A_154, %add3A_157 : i32
        %mul3A_159 = arith.constant 64 : i32
        %mul3A_160 = arith.muli %sub3A_156, %mul3A_159 : i32
        %add3A_161 = arith.addi %mul3A_32, %mul3A_160 : i32
        %add3A_162 = arith.constant 0 : i32
        %add3A_163 = arith.addi %add3A_161, %add3A_162 : i32
        %dma_wait3A_164 = arith.constant 0 : i32
        %dma_wait3A_165 = tpu.memref_slice %arg6[%add3A_158, %dma_wait3A_164] : memref<192x512xf32, #tpu.memory_space<vmem>> -> memref<32x512xf32, #tpu.memory_space<vmem>>
        %dma_wait3A_166 = arith.constant 0 : i32
        %dma_wait3A_167 = tpu.memref_slice %arg4[%select_n3A, %add3A_163, %dma_wait3A_166] : memref<4x2048x512xf32, #tpu.memory_space<hbm>> -> memref<1x32x512xf32, #tpu.memory_space<hbm>>
        %dma_wait3A_168 = tpu.memref_squeeze %dma_wait3A_167 : memref<1x32x512xf32, #tpu.memory_space<hbm>> -> memref<32x512xf32, #tpu.memory_space<hbm>>
        %dma_wait3A_169 = arith.constant 0 : i32
        %dma_wait3A_170 = tpu.memref_slice %arg4[%select_n3A, %add3A_163, %dma_wait3A_169] : memref<4x2048x512xf32, #tpu.memory_space<hbm>> -> memref<1x32x512xf32, #tpu.memory_space<hbm>>
        %dma_wait3A_171 = tpu.memref_squeeze %dma_wait3A_170 : memref<1x32x512xf32, #tpu.memory_space<hbm>> -> memref<32x512xf32, #tpu.memory_space<hbm>>
        %dma_wait3A_172 = arith.constant 0 : i32
        %dma_wait3A_173 = tpu.memref_slice %arg6[%add3A_158, %dma_wait3A_172] : memref<192x512xf32, #tpu.memory_space<vmem>> -> memref<32x512xf32, #tpu.memory_space<vmem>>
        tpu.wait_dma2 semaphore(%arg8 : memref<!tpu.dma_semaphore, #tpu.memory_space<semaphore_mem>>) src(%dma_wait3A_173 : memref<32x512xf32, #tpu.memory_space<vmem>>) dst(%dma_wait3A_171 : memref<32x512xf32, #tpu.memory_space<hbm>>)
        %sub3A_174 = arith.constant 1 : i32
        %sub3A_175 = arith.subi %add3A_69, %sub3A_174 : i32
        %add3A_176 = arith.constant 32 : i32
        %add3A_177 = arith.addi %mul3A_154, %add3A_176 : i32
        %mul3A_178 = arith.constant 64 : i32
        %mul3A_179 = arith.muli %sub3A_175, %mul3A_178 : i32
        %add3A_180 = arith.addi %mul3A_32, %mul3A_179 : i32
        %add3A_181 = arith.constant 32 : i32
        %add3A_182 = arith.addi %add3A_180, %add3A_181 : i32
        %dma_wait3A_183 = arith.constant 0 : i32
        %dma_wait3A_184 = tpu.memref_slice %arg6[%add3A_177, %dma_wait3A_183] : memref<192x512xf32, #tpu.memory_space<vmem>> -> memref<32x512xf32, #tpu.memory_space<vmem>>
        %dma_wait3A_185 = arith.constant 0 : i32
        %dma_wait3A_186 = tpu.memref_slice %arg4[%select_n3A, %add3A_182, %dma_wait3A_185] : memref<4x2048x512xf32, #tpu.memory_space<hbm>> -> memref<1x32x512xf32, #tpu.memory_space<hbm>>
        %dma_wait3A_187 = tpu.memref_squeeze %dma_wait3A_186 : memref<1x32x512xf32, #tpu.memory_space<hbm>> -> memref<32x512xf32, #tpu.memory_space<hbm>>
        %dma_wait3A_188 = arith.constant 0 : i32
        %dma_wait3A_189 = tpu.memref_slice %arg4[%select_n3A, %add3A_182, %dma_wait3A_188] : memref<4x2048x512xf32, #tpu.memory_space<hbm>> -> memref<1x32x512xf32, #tpu.memory_space<hbm>>
        %dma_wait3A_190 = tpu.memref_squeeze %dma_wait3A_189 : memref<1x32x512xf32, #tpu.memory_space<hbm>> -> memref<32x512xf32, #tpu.memory_space<hbm>>
        %dma_wait3A_191 = arith.constant 0 : i32
        %dma_wait3A_192 = tpu.memref_slice %arg6[%add3A_177, %dma_wait3A_191] : memref<192x512xf32, #tpu.memory_space<vmem>> -> memref<32x512xf32, #tpu.memory_space<vmem>>
        tpu.wait_dma2 semaphore(%arg8 : memref<!tpu.dma_semaphore, #tpu.memory_space<semaphore_mem>>) src(%dma_wait3A_192 : memref<32x512xf32, #tpu.memory_space<vmem>>) dst(%dma_wait3A_190 : memref<32x512xf32, #tpu.memory_space<hbm>>)
        %mul3A_193 = arith.constant 64 : i32
        %mul3A_194 = arith.muli %sub3A_143, %mul3A_193 : i32
        %dma_start3A_195 = arith.constant 0 : i32
        %dma_start3A_196 = tpu.memref_slice %arg6[%mul3A_154, %dma_start3A_195] : memref<192x512xf32, #tpu.memory_space<vmem>> -> memref<64x512xf32, #tpu.memory_space<vmem>>
        %dma_start3A_197 = tpu.memref_slice %arg5[%mul3A_194] : memref<256xi32, #tpu.memory_space<vmem>> -> memref<64xi32, #tpu.memory_space<vmem>>
        %dma_start3A_198 = arith.constant 0 : i32
        %dma_start3A_199 = arith.constant 0 : i32
        %dma_start3A_200 = tpu.memref_slice %arg3[%dma_start3A_198, %dma_start3A_199] : memref<100000x512xf32, #tpu.memory_space<hbm>> -> memref<100000x512xf32, #tpu.memory_space<hbm>>
        tpu.enqueue_indirect_dma source(%dma_start3A_200 : memref<100000x512xf32, #tpu.memory_space<hbm>>) target(%dma_start3A_196 : memref<64x512xf32, #tpu.memory_space<vmem>>) offsets(%dma_start3A_197 : memref<64xi32, #tpu.memory_space<vmem>>) semaphore(%arg7 : memref<!tpu.dma_semaphore, #tpu.memory_space<semaphore_mem>>)
      } else {
      }
    }
    %scan3A_59 = arith.constant 4 : i32
    %scan3A_60 = arith.constant 0 : i32
    %scan3A_61 = arith.constant 3 : i32
    %scan3A_62 = arith.addi %scan3A_60, %scan3A_61 : i32
    %scan3A_63 = arith.constant 1 : i32
    scf.for %scan3A_65 = %scan3A_60 to %scan3A_62 step %scan3A_63  : i32 {
      %mul3A_66 = arith.constant 1 : i32
      %mul3A_67 = arith.muli %scan3A_65, %mul3A_66 : i32
      %add3A_68 = arith.constant 1 : i32
      %add3A_69 = arith.addi %add3A_68, %mul3A_67 : i32
      %rem3A_70 = arith.constant 3 : i32
      %rem3A_71 = arith.remsi %add3A_69, %rem3A_70 : i32
      %mul3A_72 = arith.constant 64 : i32
      %mul3A_73 = arith.muli %rem3A_71, %mul3A_72 : i32
      %add3A_74 = arith.constant 0 : i32
      %add3A_75 = arith.addi %mul3A_73, %add3A_74 : i32
      %mul3A_76 = arith.constant 64 : i32
      %mul3A_77 = arith.muli %add3A_69, %mul3A_76 : i32
      %add3A_78 = arith.addi %mul3A_32, %mul3A_77 : i32
      %add3A_79 = arith.constant 0 : i32
      %add3A_80 = arith.addi %add3A_78, %add3A_79 : i32
      %dma_wait3A = arith.constant 0 : i32
      %dma_wait3A_81 = tpu.memref_slice %arg6[%add3A_75, %dma_wait3A] : memref<192x512xf32, #tpu.memory_space<vmem>> -> memref<32x512xf32, #tpu.memory_space<vmem>>
      %dma_wait3A_82 = arith.constant 0 : i32
      %dma_wait3A_83 = tpu.memref_slice %arg4[%select_n3A, %add3A_80, %dma_wait3A_82] : memref<4x2048x512xf32, #tpu.memory_space<hbm>> -> memref<1x32x512xf32, #tpu.memory_space<hbm>>
      %dma_wait3A_84 = tpu.memref_squeeze %dma_wait3A_83 : memref<1x32x512xf32, #tpu.memory_space<hbm>> -> memref<32x512xf32, #tpu.memory_space<hbm>>
      %dma_wait3A_85 = arith.constant 0 : i32
      %dma_wait3A_86 = tpu.memref_slice %arg4[%select_n3A, %add3A_80, %dma_wait3A_85] : memref<4x2048x512xf32, #tpu.memory_space<hbm>> -> memref<1x32x512xf32, #tpu.memory_space<hbm>>
      %dma_wait3A_87 = tpu.memref_squeeze %dma_wait3A_86 : memref<1x32x512xf32, #tpu.memory_space<hbm>> -> memref<32x512xf32, #tpu.memory_space<hbm>>
      %dma_wait3A_88 = arith.constant 0 : i32
      %dma_wait3A_89 = tpu.memref_slice %arg6[%add3A_75, %dma_wait3A_88] : memref<192x512xf32, #tpu.memory_space<vmem>> -> memref<32x512xf32, #tpu.memory_space<vmem>>
      tpu.wait_dma2 semaphore(%arg8 : memref<!tpu.dma_semaphore, #tpu.memory_space<semaphore_mem>>) src(%dma_wait3A_89 : memref<32x512xf32, #tpu.memory_space<vmem>>) dst(%dma_wait3A_87 : memref<32x512xf32, #tpu.memory_space<hbm>>)
      %add3A_90 = arith.constant 32 : i32
      %add3A_91 = arith.addi %mul3A_73, %add3A_90 : i32
      %mul3A_92 = arith.constant 64 : i32
      %mul3A_93 = arith.muli %add3A_69, %mul3A_92 : i32
      %add3A_94 = arith.addi %mul3A_32, %mul3A_93 : i32
      %add3A_95 = arith.constant 32 : i32
      %add3A_96 = arith.addi %add3A_94, %add3A_95 : i32
      %dma_wait3A_97 = arith.constant 0 : i32
      %dma_wait3A_98 = tpu.memref_slice %arg6[%add3A_91, %dma_wait3A_97] : memref<192x512xf32, #tpu.memory_space<vmem>> -> memref<32x512xf32, #tpu.memory_space<vmem>>
      %dma_wait3A_99 = arith.constant 0 : i32
      %dma_wait3A_100 = tpu.memref_slice %arg4[%select_n3A, %add3A_96, %dma_wait3A_99] : memref<4x2048x512xf32, #tpu.memory_space<hbm>> -> memref<1x32x512xf32, #tpu.memory_space<hbm>>
      %dma_wait3A_101 = tpu.memref_squeeze %dma_wait3A_100 : memref<1x32x512xf32, #tpu.memory_space<hbm>> -> memref<32x512xf32, #tpu.memory_space<hbm>>
      %dma_wait3A_102 = arith.constant 0 : i32
      %dma_wait3A_103 = tpu.memref_slice %arg4[%select_n3A, %add3A_96, %dma_wait3A_102] : memref<4x2048x512xf32, #tpu.memory_space<hbm>> -> memref<1x32x512xf32, #tpu.memory_space<hbm>>
      %dma_wait3A_104 = tpu.memref_squeeze %dma_wait3A_103 : memref<1x32x512xf32, #tpu.memory_space<hbm>> -> memref<32x512xf32, #tpu.memory_space<hbm>>
      %dma_wait3A_105 = arith.constant 0 : i32
      %dma_wait3A_106 = tpu.memref_slice %arg6[%add3A_91, %dma_wait3A_105] : memref<192x512xf32, #tpu.memory_space<vmem>> -> memref<32x512xf32, #tpu.memory_space<vmem>>
      tpu.wait_dma2 semaphore(%arg8 : memref<!tpu.dma_semaphore, #tpu.memory_space<semaphore_mem>>) src(%dma_wait3A_106 : memref<32x512xf32, #tpu.memory_space<vmem>>) dst(%dma_wait3A_104 : memref<32x512xf32, #tpu.memory_space<hbm>>)
    }
    %scan3A_64 = arith.constant 3 : i32
    return
  }
}

</mosaic_0001>

<sc_bundles>
// kernel: kernel.3.cloned.1.call-start
scs
__scs_entry_jumppad:
0x0: {  	(pc) =	sbr.rel $0x88, $3  }
0x1: {  	(tag) =	ssettag $0x0;
	lr =	simm.s32 $0x1  }
0x2: {  	[smem:$0x3F9F] =	sst lr;
	_ =	strace $0xD0000000  }
0x3: {  	_ = 	snop  }
0x4: {  	_ = 	snop  }
0x5: {  	_ = 	snop  }
0x6: {  	_ = 	snop  }
0x7: {  	_ = 	snop  }
__scs_overlays_trampoline_lowered:
0x8: {  	[smem:$0x3FAE] =	sst s0  }
0x9: {  	[smem:$0x3FAF] =	sst s1  }
0xa: {  	[smem:$0x3FB0] =	sst s2  }
0xb: {  	[smem:$0x3FB1] =	sst s3  }
0xc: {  	[smem:$0x3FB2] =	sst s4  }
0xd: {  	[smem:$0x3FB3] =	sst s5  }
0xe: {  	[smem:$0x3FB4] =	sst s6  }
0xf: {  	[smem:$0x3FB5] =	sst s7  }
0x10: {  	[smem:$0x3FB6] =	sst s8  }
0x11: {  	[smem:$0x3FB7] =	sst s9;
	s0 =	simm.s32 @!p0 $0x0  }
0x12: {  	s1 =	sld [smem:$0x3F9D];
	s0 =	simm.s32 @p0 $0x1  }
0x13: {  	[smem:$0x3FB8] =	sst s0;
	s0 =	simm.s32 @!p1 $0x0  }
0x14: {  	s2 =	sld [smem:$0x3F9C];
	s0 =	simm.s32 @p1 $0x1  }
0x15: {  	[smem:$0x3FB9] =	sst s0;
	s0 =	simm.s32 @!p2 $0x0  }
0x16: {  	s3 =	sld [smem:$0x3FDB];
	s0 =	simm.s32 @p2 $0x1  }
0x17: {  	s4 =	simm.s32 $0x1BF5;
	[smem:$0x3FBB] =	sst s0  }
0x18: {  	s0 =	sld [smem:$0x3F9E];
	_ =	swait.ge [sflag:s4], $0x0  }
0x19: {  	s7 =	sld [smem:$0x3F9F]  }
0x1a: {  	s8 =	sadd.s32 $0xFFFFE003, lr  }
0x1b: {  	s9 =	sadd.s32 $0xFFFFFEF7, lr;
	s5 =	simm.s32 $0xFFFFFFFF;
	p2 =	slt.u32 s8, $0xFFFFF086  }
0x1c: {  	p1 =	slt.u32 s9, $0xF7A;
	s5 =	simm.s32 @!p2 $0x0  }
0x1d: {  	s5 =	simm.s32 @p1 $0x1;
	p0 =	seq.s32 s7, s2  }
0x1e: {  	s7 =	smul.u32 @!p0 $0xF7A, s2;
	p2 =	seq.s32 @!p0 s5, $0x0  }
0x1f: {  	s9 =	smul.u32 $0xF7A, s1;
	s8 =	simm.s32 @!p0 $0x1BF5;
	p2 =	por !p2, p0  }
0x20: {  	[sflag:s8] =	ssyncset.s32 @!p0 $0xFFFFF086;
	s6 =	sadd.s32 @!p0 s3, s7;
	s7 =	simm.s32 @!p0 $0x108  }
0x21: {  	s3 =	sadd.s32 s3, s9;
	s6 =	sadd.s32 @!p0 $0x88, s6;
	s7 =	simm.s32 @p2 $0x1082  }
0x22: {  	[simem:s7], [sflag:s8] =	dma.local @!p0 [hbm:s6], $0xF7A  }
0x23: {  	s9 =	sor.u32 $0xD0000000, s2;
	s6 =	simm.s32 $0x108;
	_ =	swait.ge @!p0 [sflag:s8], $0x0  }
0x24: {  	s3 =	sadd.s32 $0x88, s3;
	s6 =	simm.s32 @!p1 $0x1082;
	[sflag:s4] =	ssyncset.s32 $0xFFFFF086  }
0x25: {  	[simem:s6], [sflag:s4] =	dma.local [hbm:s3], $0xF7A  }
0x26: {  	[smem:$0x3F9F] =	sst s1;
	(tag) =	ssettag s2;
	_ =	strace s9  }
0x27: {  	s1 =	sld [smem:$0x3FAF]  }
0x28: {  	s2 =	sld [smem:$0x3FB0]  }
0x29: {  	s4 =	sld [smem:$0x3FB2]  }
0x2a: {  	p0 =	seq.s32 s5, $0x0;
	s5 =	sld [smem:$0x3FB3]  }
0x2b: {  	s6 =	sld [smem:$0x3FB4]  }
0x2c: {  	s7 =	sld [smem:$0x3FB5]  }
0x2d: {  	s3 =	simm.s32 $0x108;
	s8 =	sld [smem:$0x3FB6]  }
0x2e: {  	s3 =	simm.s32 @!p0 $0x1082;
	s9 =	sld [smem:$0x3FB7]  }
0x2f: {  	lr =	sadd.s32 s0, s3;
	s0 =	sld [smem:$0x3FAE]  }
0x30: {  	s3 =	sld [smem:$0x3FB1]  }
0x31: {  	[smem:$0x3FBA] =	sst s10  }
0x32: {  	s10 =	sld [smem:$0x3FB8];
	_ =	sdelay $0x3  }
0x33: {  	p0 =	seq.s32 s10, $0x1;
	s10 =	sld [smem:$0x3FBA];
	_ =	sdelay $0x3  }
0x34: {  	[smem:$0x3FBA] =	sst s10  }
0x35: {  	s10 =	sld [smem:$0x3FB9];
	_ =	sdelay $0x3  }
0x36: {  	p1 =	seq.s32 s10, $0x1;
	s10 =	sld [smem:$0x3FBA];
	_ =	sdelay $0x3  }
0x37: {  	[smem:$0x3FBA] =	sst s10  }
0x38: {  	s10 =	sld [smem:$0x3FBB]  }
0x39: {  	_ = 	snop;
	(pc) =	sbr.ind lr, $3  }
0x3a: {  	_ = 	snop  }
0x3b: {  	_ = 	snop  }
0x3c: {  	p2 =	seq.s32 s10, $0x1;
	s10 =	sld [smem:$0x3FBA]  }
0x3d: {  	_ =	shalt  }
0x3e: {  	_ =	shalt  }
0x3f: {  	_ =	shalt  }
0x40: {  	_ =	shalt  }
0x41: {  	_ =	shalt  }
0x42: {  	_ =	shalt  }
0x43: {  	_ =	shalt  }
0x44: {  	_ =	shalt  }
0x45: {  	_ =	shalt  }
0x46: {  	_ =	shalt  }
0x47: {  	_ =	shalt  }
0x48: {  	_ =	shalt  }
0x49: {  	_ =	shalt  }
0x4a: {  	_ =	shalt  }
0x4b: {  	_ =	shalt  }
0x4c: {  	_ =	shalt  }
0x4d: {  	_ =	shalt  }
0x4e: {  	_ =	shalt  }
0x4f: {  	_ =	shalt  }
0x50: {  	_ =	shalt  }
0x51: {  	_ =	shalt  }
0x52: {  	_ =	shalt  }
0x53: {  	_ =	shalt  }
0x54: {  	_ =	shalt  }
0x55: {  	_ =	shalt  }
0x56: {  	_ =	shalt  }
0x57: {  	_ =	shalt  }
0x58: {  	_ =	shalt  }
0x59: {  	_ =	shalt  }
0x5a: {  	_ =	shalt  }
0x5b: {  	_ =	shalt  }
0x5c: {  	_ =	shalt  }
0x5d: {  	_ =	shalt  }
0x5e: {  	_ =	shalt  }
0x5f: {  	_ =	shalt  }
0x60: {  	_ =	shalt  }
0x61: {  	_ =	shalt  }
0x62: {  	_ =	shalt  }
0x63: {  	_ =	shalt  }
0x64: {  	_ =	shalt  }
0x65: {  	_ =	shalt  }
0x66: {  	_ =	shalt  }
0x67: {  	_ =	shalt  }
0x68: {  	_ =	shalt  }
0x69: {  	_ =	shalt  }
0x6a: {  	_ =	shalt  }
0x6b: {  	_ =	shalt  }
0x6c: {  	_ =	shalt  }
0x6d: {  	_ =	shalt  }
0x6e: {  	_ =	shalt  }
0x6f: {  	_ =	shalt  }
0x70: {  	_ =	shalt  }
0x71: {  	_ =	shalt  }
0x72: {  	_ =	shalt  }
0x73: {  	_ =	shalt  }
0x74: {  	_ =	shalt  }
0x75: {  	_ =	shalt  }
0x76: {  	_ =	shalt  }
0x77: {  	_ =	shalt  }
0x78: {  	_ =	shalt  }
0x79: {  	_ =	shalt  }
0x7a: {  	_ =	shalt  }
0x7b: {  	_ =	shalt  }
0x7c: {  	_ =	shalt  }
0x7d: {  	_ =	shalt  }
0x7e: {  	_ =	shalt  }
0x7f: {  	_ =	shalt  }
0x80: {  	_ =	shalt  }
0x81: {  	_ =	shalt  }
0x82: {  	_ =	shalt  }
0x83: {  	_ =	shalt  }
0x84: {  	_ =	shalt  }
0x85: {  	_ =	shalt  }
0x86: {  	_ =	shalt  }
0x87: {  	_ =	shalt  }
.Lfunc_end0:
.L_simem_size_0:
called_computation_lowered:
.L_overlay_start_0:
0x88: {  	s2 =	sld [smem:$0x3FD9]  }
0x89: {  	s3 =	sld [smem:$0x3FFE];
	_ =	sdelay $0x1  }
0x8a: {  	s1 =	srdreg.scid  }
0x8b: {  	s0 =	sand.u32 $0x1, s1  }
0x8c: {  	s18 =	sshll.u32 s0, $0xA;
	s2 =	sadd.s32 s3, s2  }
0x8d: {  	s2 =	sadd.s32 s2, s18  }
0x8e: {  	[smem:$0x3FC6] =	sst s2  }
0x8f: {  	_ = 	snop  }
0x90: {  	s2 =	sld [smem:$0x3FC9]  }
0x91: {  	s19 =	sld [smem:$0x3FC8]  }
0x92: {  	s4 =	sld [smem:$0x3FD0];
	(tm) =	ssettm $0x1  }
0x93: {  	s5 =	sld [smem:$0x3FFB];
	_ =	sdelay $0x3  }
0x94: {  	_ =	strace s5  }
0x95: {  	s5 =	sld [smem:$0x3FFC];
	_ =	sdelay $0x3  }
0x96: {  	_ =	strace s5  }
0x97: {  	s5 =	sld [smem:$0x3FFD];
	_ =	sdelay $0x3  }
0x98: {  	_ =	strace s5  }
0x99: {  	_ =	strace $0x8FFFFFFF  }
0x9a: {  	s20 =	sld [smem:$0x3FDB];
	_ =	sdelay $0x1  }
0x9b: {  	s6 =	simm.s32 $_scs_section_size  }
0x9c: {  	s7 =	simm.s32 $_size__tile_overlayer_lowered;
	s8 =	simm.s32 $_tile_overlayer_lowered  }
0x9d: {  	s23 =	simm.s32 $0x1BFF;
	s22 =	sshll.u32 s8, $0x1;
	s5 =	sadd.s32 s6, s20  }
0x9e: {  	s9 =	simm.s32 $0x0;
	s21 =	sshll.u32 s7, $0x1;
	s7 =	sadd.s32 s22, s5  }
0x9f: {  	[timem:s9], [sflag:s23] =	dma.local [hbm:s7], s21  }
0xa0: {  	_ =	swait.ge [sflag:s23], s21  }
0xa1: {  	s6 =	ssub.s32 $0x0, s21;
	[sflag:s23] =	ssyncset.done $0x0  }
0xa2: {  	[sflag:s23] =	ssyncadd.s32 s6;
	_ =	sdelay $0x1  }
0xa3: {  	s24 =	simm.s32 $0x1B8B  }
0xa4: {  	_ =	swait.ge [sflag:s24], $0x1  }
0xa5: {  	[sflag:s24] =	ssyncset.done $0x0  }
0xa6: {  	s25 =	simm.s32 $0x1B8E;
	[sflag:s24] =	ssyncadd.s32 $0xFFFFFFFF  }
0xa7: {  	s26 =	simm.s32 $execute0_lowered;
	[smem:$0x3FD2] =	sst s25  }
0xa8: {  	s6 =	sshll.u32 s26, $0x1;
	_ =	strace $0x80000046;
	[dreg:$0x1] =	wrdreg $0xFFFFFFFF  }
0xa9: {  	s28 =	simm.s32 $_size_execute0_lowered;
	s5 =	sadd.s32 s5, s6;
	[dreg:$0x0] =	wrdreg $0x0  }
0xaa: {  	s6 =	sshll.u32 s28, $0x1;
	[dreg:$0x2] =	wrdreg s5  }
0xab: {  	[dreg:$0x3] =	wrdreg s6  }
0xac: {  	[dreg:$0x4] =	wrdreg $0xC0  }
0xad: {  	_ =	task [dreg:s9], $0x5FFFF  }
0xae: {  	[dreg:$0x1] =	wrdreg $0xFFFFFFFF  }
0xaf: {  	[dreg:$0x0] =	wrdreg $0x60  }
0xb0: {  	[dreg:$0x2] =	wrdreg s2  }
0xb1: {  	[dreg:$0x3] =	wrdreg s19  }
0xb2: {  	[dreg:$0x4] =	wrdreg s4  }
0xb3: {  	[dreg:$0x5] =	wrdreg $0x9  }
0xb4: {  	_ =	task.clear_ibuf [dreg:s9], $0x6FFFF;
	_ =	strace $0x90000046  }
0xb5: {  	s29 =	simm.s32 $0x9;
	_ =	strace $0x80000048  }
0xb6: {  	_ =	swait.ge [sflag:s29], $0x1  }
0xb7: {  	[sflag:s29] =	ssyncadd.s32 $0xFFFFFFFF  }
0xb8: {  	_ =	strace $0x90000048  }
0xb9: {  	_ =	sfence  }
0xba: {  	s30 =	sld [smem:$0x0];
	_ =	sdelay $0x2  }
0xbb: {  	s31 =	sshll.u32 s1, $0xD;
	s1 =	sshrl.u32 s1, $0x2  }
0xbc: {  	s3 =	sand.u32 $0x4000, s31;
	s1 =	sadd.s32 s1, s30  }
0xbd: {  	s0 =	sor.u32 s3, s0;
	s1 =	sshll.u32 s1, $0x11  }
0xbe: {  	s0 =	sor.u32 s1, s0  }
0xbf: {  	s0 =	sadd.s32 $0x8F2B, s0  }
0xc0: {  	[sflag:s0] =	ssyncadd.remote.s32 $0x1  }
0xc1: {  	_ =	sfence.sel $0xFFFF  }
0xc2: {  	[dreg:$0x0] =	wrdreg $0xFFFFFFFF;
	(pc) =	sbr.abs _section_cstart, $3  }
0xc3: {  	[dreg:$0x1] =	wrdreg $0xFFFFFFFF  }
0xc4: {  	_ =	task.clear_ibuf [dreg:s9], $0x2FFFF;
	_ =	strace $0x9FFFFFFF  }
0xc5: {  	(tm) =	ssettm $0x7FFFFFFF  }
tec
execute0_lowered:
.L_overlay_start_1:
0x0: {  	(tag) =	ssettag $0x1  }
0x1: {  	s0 =	rddreg [dreg:$0x0]  }
0x2: {  	s1 =	rddreg [dreg:$0x1]  }
0x3: {  	s3 =	rddreg [dreg:$0x2];
	s4 =	simm.s32 $0x0  }
0x4: {  	s6 =	stileid.u32;
	s2 =	srdreg.scid;
	s16 =	simm.s32 $0x1900  }
0x5: {  	s17 =	simm.s32 $0x2100;
	s18 =	simm.s32 $0x2900;
	s19 =	simm.s32 $0x3100  }
0x6: {  	s20 =	simm.s32 $0x3900;
	s21 =	simm.s32 $0x4100;
	s22 =	simm.s32 $0x4900  }
0x7: {  	s23 =	simm.s32 $0x5100;
	s24 =	simm.s32 $0x5900;
	s25 =	simm.s32 $0x6100  }
0x8: {  	s26 =	simm.s32 $0x6900;
	s28 =	simm.s32 $0x7100;
	s29 =	simm.s32 $0x7900  }
0x9: {  	[smem:$0x7FF] =	sst s4;
	s5 =	sshll.u32 s6, $0x1;
	s2 =	sand.u32 $0x1, s2  }
0xa: {  	s6 =	sshrl.u32 s6, $0x2;
	_ =	strace $0x80000047;
	s5 =	sand.u32 $0x6, s5  }
0xb: {  	s7 =	ssub.s32 $0x2, s2;
	s30 =	sshll.u32 s6, $0x4;
	s2 =	sor.u32 s2, s5  }
.Ltmp0:
0xc: {  	s8 =	sshrl.u32 s7, $0x1;
	s0 =	sadd.s32 s0, s30;
	(pc) =	sbr.rel .LBB2_1-.Ltmp0, $4  }
0xd: {  	s9 =	sshll.u32 s2, $0x7;
	s10 =	ssub.s32 s7, s8;
	s5 =	sshll.u32 s2, $0x11  }
0xe: {  	v2 =	vlaneseq.u32;
	s7 =	sadd.s32 $0x100, s1;
	s8 =	sshll.u32 s6, $0x14;
	s0 =	sadd.s32 s9, s0  }
0xf: {  	vm0 =	vmmov $0xffff;
	v1 =	vshrl.u32 v2, $0x3;
	s2 =	simm.s32 $0x2;
	s31 =	smax.u32 s10, $0x1;
	[dreg:$0x4] =	wrdreg s0  }
0x10: {  	v0 =	vand.u32 $0x7, v2;
	v2 =	vor.u32 $0x8, v2;
	v1 =	vmul.u32 $0x8, v1;
	s9 =	simm.s32 $0x0;
	[dreg:$0x5] =	wrdreg s31;
	s0 =	simm.s32 $0x1  }
.LBB2_9:
0x11: {  	_ =	swait.ge [sflag:s2], $0x4000  }
0x12: {  	[sflag:s2] =	ssyncset.done $0x0  }
0x13: {  	[sflag:s2] =	ssyncadd.s32 $0xFFFFC000  }
0x14: {  	_ =	swait.ge [sflag:s2], $0x4000  }
0x15: {  	[sflag:s2] =	ssyncset.done $0x0  }
0x16: {  	[sflag:s2] =	ssyncadd.s32 $0xFFFFC000  }
0x17: {  	_ =	swait.ge [sflag:s2], $0x4000  }
0x18: {  	[sflag:s2] =	ssyncset.done $0x0  }
0x19: {  	[sflag:s2] =	ssyncadd.s32 $0xFFFFC000  }
0x1a: {  	_ =	swait.ge [sflag:s2], $0x4000  }
0x1b: {  	[sflag:s2] =	ssyncset.done $0x0  }
0x1c: {  	[sflag:s2] =	ssyncadd.s32 $0xFFFFC000  }
0x1d: {  	_ =	swait.ge [sflag:s2], $0x4000  }
0x1e: {  	[sflag:s2] =	ssyncset.done $0x0  }
0x1f: {  	[sflag:s2] =	ssyncadd.s32 $0xFFFFC000  }
0x20: {  	_ =	swait.ge [sflag:s2], $0x4000  }
0x21: {  	s9 =	rddreg [dreg:$0x6]  }
0x22: {  	s6 =	rddreg [dreg:$0x5];
	s9 =	sadd.s32 $0x1, s9  }
0x23: {  	p0 =	sne.s32 s9, s6  }
.Ltmp1:
0x24: {  	_ = 	snop;
	(pc) =	sbr.rel @!p0 .LBB2_10-.Ltmp1, $3  }
0x25: {  	_ =	sdelay $0x1  }
0x26: {  	[sflag:s2] =	ssyncset.done $0x0  }
0x27: {  	[sflag:s2] =	ssyncadd.s32 $0xFFFFC000  }
.LBB2_1:
0x28: {  	[dreg:$0x6] =	wrdreg s9  }
0x29: {  	s6 =	rddreg [dreg:$0x4]  }
0x2a: {  	s31 =	simm.s32 $0x80;
	s10 =	simm.s32 $0x200;
	s9 =	simm.s32 $0x3  }
0x2b: {  	[tilespmem:s4], [sflag:$0x3] =	stream.strided.gather [hbm4b:s6+s31], $0x100, s10, s31, $0x38;
	[tilespmem:$0x18100] =	vst v63  }
0x2c: {  	_ =	swait.ge [sflag:s9], $0x100  }
0x2d: {  	[sflag:s9] =	ssyncset.done $0x0  }
0x2e: {  	[sflag:s9] =	ssyncadd.s32 $0xFFFFFF00  }
0x2f: {  	v3 =	vld [tilespmem:$0x0];
	_ =	sdelay $0x4  }
0x30: {  	v4 =	vshll.u32 v3, $0x2  }
0x31: {  	v3 =	vand.u32 $0x7, v3;
	v4 =	vand.u32 $0xFFFFFFE0, v4  }
0x32: {  	v3 =	vor.u32 v3, v4  }
0x33: {  	v4 =	vperm.xlane v3, v0;
	_ =	sdelay $0x1  }
0x34: {  	v4 =	vadd.s32 v1, v4;
	_ =	sdelay $0x1  }
0x35: {  	v3 =	vperm.xlane v3, v2;
	_ =	sdelay $0x1  }
0x36: {  	s10 =	simm.s32 $0x100;
	v3 =	vadd.s32 v1, v3  }
0x37: {  	[tilespmem:s10], [sflag:$0x1] =	stream.indirect_vreg.gather [hbm4b:s1+s4], $0x80, v4, vm0, $0xb8;
	[tilespmem:$0x18100] =	vst v63  }
0x38: {  	s11 =	simm.s32 $0x900  }
0x39: {  	[tilespmem:s11], [sflag:$0x1] =	stream.indirect_vreg.gather [hbm4b:s7+s4], $0x80, v4, vm0, $0xb8;
	[tilespmem:$0x18100] =	vst v63  }
0x3a: {  	s12 =	simm.s32 $0x1100  }
0x3b: {  	[tilespmem:s12], [sflag:$0x1] =	stream.indirect_vreg.gather [hbm4b:s1+s4], $0x80, v3, vm0, $0xb8;
	[tilespmem:$0x18100] =	vst v63  }
0x3c: {  	_ = 	snop  }
0x3d: {  	[tilespmem:s16], [sflag:$0x1] =	stream.indirect_vreg.gather [hbm4b:s7+s4], $0x80, v3, vm0, $0xb8;
	[tilespmem:$0x18100] =	vst v63  }
0x3e: {  	v3 =	vld [tilespmem:$0x10];
	_ =	sdelay $0x4  }
0x3f: {  	v53 =	vshll.u32 v3, $0x2  }
0x40: {  	v3 =	vand.u32 $0x7, v3;
	v4 =	vand.u32 $0xFFFFFFE0, v53  }
0x41: {  	v3 =	vor.u32 v3, v4  }
0x42: {  	v4 =	vperm.xlane v3, v0;
	_ =	sdelay $0x1  }
0x43: {  	v4 =	vadd.s32 v1, v4;
	_ =	sdelay $0x1  }
0x44: {  	v3 =	vperm.xlane v3, v2;
	_ =	sdelay $0x1  }
0x45: {  	v3 =	vadd.s32 v1, v3  }
0x46: {  	[tilespmem:s17], [sflag:$0x1] =	stream.indirect_vreg.gather [hbm4b:s1+s4], $0x80, v4, vm0, $0xb8;
	[tilespmem:$0x18100] =	vst v63  }
0x47: {  	_ = 	snop  }
0x48: {  	[tilespmem:s18], [sflag:$0x1] =	stream.indirect_vreg.gather [hbm4b:s7+s4], $0x80, v4, vm0, $0xb8;
	[tilespmem:$0x18100] =	vst v63  }
0x49: {  	_ = 	snop  }
0x4a: {  	[tilespmem:s19], [sflag:$0x1] =	stream.indirect_vreg.gather [hbm4b:s1+s4], $0x80, v3, vm0, $0xb8;
	[tilespmem:$0x18100] =	vst v63  }
0x4b: {  	_ = 	snop  }
0x4c: {  	[tilespmem:s20], [sflag:$0x1] =	stream.indirect_vreg.gather [hbm4b:s7+s4], $0x80, v3, vm0, $0xb8;
	[tilespmem:$0x18100] =	vst v63  }
0x4d: {  	v3 =	vld [tilespmem:$0x20];
	_ =	sdelay $0x4  }
0x4e: {  	v54 =	vshll.u32 v3, $0x2  }
0x4f: {  	v3 =	vand.u32 $0x7, v3;
	v4 =	vand.u32 $0xFFFFFFE0, v54  }
0x50: {  	v3 =	vor.u32 v3, v4  }
0x51: {  	v4 =	vperm.xlane v3, v0;
	_ =	sdelay $0x1  }
0x52: {  	v4 =	vadd.s32 v1, v4;
	_ =	sdelay $0x1  }
0x53: {  	v3 =	vperm.xlane v3, v2;
	_ =	sdelay $0x1  }
0x54: {  	v3 =	vadd.s32 v1, v3  }
0x55: {  	[tilespmem:s21], [sflag:$0x1] =	stream.indirect_vreg.gather [hbm4b:s1+s4], $0x80, v4, vm0, $0xb8;
	[tilespmem:$0x18100] =	vst v63  }
0x56: {  	_ = 	snop  }
0x57: {  	[tilespmem:s22], [sflag:$0x1] =	stream.indirect_vreg.gather [hbm4b:s7+s4], $0x80, v4, vm0, $0xb8;
	[tilespmem:$0x18100] =	vst v63  }
0x58: {  	_ = 	snop  }
0x59: {  	[tilespmem:s23], [sflag:$0x1] =	stream.indirect_vreg.gather [hbm4b:s1+s4], $0x80, v3, vm0, $0xb8;
	[tilespmem:$0x18100] =	vst v63  }
0x5a: {  	_ = 	snop  }
0x5b: {  	[tilespmem:s24], [sflag:$0x1] =	stream.indirect_vreg.gather [hbm4b:s7+s4], $0x80, v3, vm0, $0xb8;
	[tilespmem:$0x18100] =	vst v63  }
0x5c: {  	v3 =	vld [tilespmem:$0x30];
	_ =	sdelay $0x4  }
0x5d: {  	v55 =	vshll.u32 v3, $0x2  }
0x5e: {  	v3 =	vand.u32 $0x7, v3;
	v4 =	vand.u32 $0xFFFFFFE0, v55  }
0x5f: {  	v3 =	vor.u32 v3, v4  }
0x60: {  	v4 =	vperm.xlane v3, v0;
	_ =	sdelay $0x1  }
0x61: {  	v4 =	vadd.s32 v1, v4;
	_ =	sdelay $0x1  }
0x62: {  	v3 =	vperm.xlane v3, v2;
	_ =	sdelay $0x1  }
0x63: {  	v3 =	vadd.s32 v1, v3  }
0x64: {  	[tilespmem:s25], [sflag:$0x1] =	stream.indirect_vreg.gather [hbm4b:s1+s4], $0x80, v4, vm0, $0xb8;
	[tilespmem:$0x18100] =	vst v63  }
0x65: {  	_ = 	snop  }
0x66: {  	[tilespmem:s26], [sflag:$0x1] =	stream.indirect_vreg.gather [hbm4b:s7+s4], $0x80, v4, vm0, $0xb8;
	[tilespmem:$0x18100] =	vst v63  }
0x67: {  	_ = 	snop  }
0x68: {  	[tilespmem:s28], [sflag:$0x1] =	stream.indirect_vreg.gather [hbm4b:s1+s4], $0x80, v3, vm0, $0xb8;
	[tilespmem:$0x18100] =	vst v63  }
0x69: {  	_ = 	snop  }
0x6a: {  	[tilespmem:s29], [sflag:$0x1] =	stream.indirect_vreg.gather [hbm4b:s7+s4], $0x80, v3, vm0, $0xb8;
	[tilespmem:$0x18100] =	vst v63  }
0x6b: {  	v3 =	vld [tilespmem:$0x40];
	_ =	sdelay $0x4  }
0x6c: {  	v56 =	vshll.u32 v3, $0x2  }
0x6d: {  	v3 =	vand.u32 $0x7, v3;
	v4 =	vand.u32 $0xFFFFFFE0, v56  }
0x6e: {  	v3 =	vor.u32 v3, v4  }
0x6f: {  	v4 =	vperm.xlane v3, v0;
	_ =	sdelay $0x1  }
0x70: {  	v4 =	vadd.s32 v1, v4;
	_ =	sdelay $0x1  }
0x71: {  	v3 =	vperm.xlane v3, v2;
	_ =	sdelay $0x1  }
0x72: {  	s13 =	simm.s32 $0x8100;
	v3 =	vadd.s32 v1, v3  }
0x73: {  	[tilespmem:s13], [sflag:$0x1] =	stream.indirect_vreg.gather [hbm4b:s1+s4], $0x80, v4, vm0, $0xb8;
	[tilespmem:$0x18100] =	vst v63  }
0x74: {  	s14 =	simm.s32 $0x8900  }
0x75: {  	[tilespmem:s14], [sflag:$0x1] =	stream.indirect_vreg.gather [hbm4b:s7+s4], $0x80, v4, vm0, $0xb8;
	[tilespmem:$0x18100] =	vst v63  }
0x76: {  	s15 =	simm.s32 $0x9100  }
0x77: {  	[tilespmem:s15], [sflag:$0x1] =	stream.indirect_vreg.gather [hbm4b:s1+s4], $0x80, v3, vm0, $0xb8;
	[tilespmem:$0x18100] =	vst v63  }
0x78: {  	s30 =	simm.s32 $0x9900  }
0x79: {  	[tilespmem:s30], [sflag:$0x1] =	stream.indirect_vreg.gather [hbm4b:s7+s4], $0x80, v3, vm0, $0xb8;
	[tilespmem:$0x18100] =	vst v63  }
0x7a: {  	v3 =	vld [tilespmem:$0x50];
	_ =	sdelay $0x4  }
0x7b: {  	v57 =	vshll.u32 v3, $0x2  }
0x7c: {  	v3 =	vand.u32 $0x7, v3;
	v4 =	vand.u32 $0xFFFFFFE0, v57  }
0x7d: {  	v3 =	vor.u32 v3, v4  }
0x7e: {  	v4 =	vperm.xlane v3, v0;
	_ =	sdelay $0x1  }
0x7f: {  	v4 =	vadd.s32 v1, v4;
	_ =	sdelay $0x1  }
0x80: {  	v3 =	vperm.xlane v3, v2;
	_ =	sdelay $0x1  }
0x81: {  	s31 =	simm.s32 $0xA100;
	v3 =	vadd.s32 v1, v3  }
0x82: {  	[tilespmem:s31], [sflag:$0x1] =	stream.indirect_vreg.gather [hbm4b:s1+s4], $0x80, v4, vm0, $0xb8;
	[tilespmem:$0x18100] =	vst v63  }
0x83: {  	s9 =	simm.s32 $0xA900  }
0x84: {  	[tilespmem:s9], [sflag:$0x1] =	stream.indirect_vreg.gather [hbm4b:s7+s4], $0x80, v4, vm0, $0xb8;
	[tilespmem:$0x18100] =	vst v63  }
0x85: {  	s10 =	simm.s32 $0xB100  }
0x86: {  	[tilespmem:s10], [sflag:$0x1] =	stream.indirect_vreg.gather [hbm4b:s1+s4], $0x80, v3, vm0, $0xb8;
	[tilespmem:$0x18100] =	vst v63  }
0x87: {  	s11 =	simm.s32 $0xB900  }
0x88: {  	[tilespmem:s11], [sflag:$0x1] =	stream.indirect_vreg.gather [hbm4b:s7+s4], $0x80, v3, vm0, $0xb8;
	[tilespmem:$0x18100] =	vst v63  }
0x89: {  	v3 =	vld [tilespmem:$0x60];
	_ =	sdelay $0x4  }
0x8a: {  	v58 =	vshll.u32 v3, $0x2  }
0x8b: {  	v3 =	vand.u32 $0x7, v3;
	v4 =	vand.u32 $0xFFFFFFE0, v58  }
0x8c: {  	v3 =	vor.u32 v3, v4  }
0x8d: {  	v4 =	vperm.xlane v3, v0;
	_ =	sdelay $0x1  }
0x8e: {  	v4 =	vadd.s32 v1, v4;
	_ =	sdelay $0x1  }
0x8f: {  	v3 =	vperm.xlane v3, v2;
	_ =	sdelay $0x1  }
0x90: {  	s12 =	simm.s32 $0xC100;
	v3 =	vadd.s32 v1, v3  }
0x91: {  	[tilespmem:s12], [sflag:$0x1] =	stream.indirect_vreg.gather [hbm4b:s1+s4], $0x80, v4, vm0, $0xb8;
	[tilespmem:$0x18100] =	vst v63  }
0x92: {  	s13 =	simm.s32 $0xC900  }
0x93: {  	[tilespmem:s13], [sflag:$0x1] =	stream.indirect_vreg.gather [hbm4b:s7+s4], $0x80, v4, vm0, $0xb8;
	[tilespmem:$0x18100] =	vst v63  }
0x94: {  	s14 =	simm.s32 $0xD100  }
0x95: {  	[tilespmem:s14], [sflag:$0x1] =	stream.indirect_vreg.gather [hbm4b:s1+s4], $0x80, v3, vm0, $0xb8;
	[tilespmem:$0x18100] =	vst v63  }
0x96: {  	s15 =	simm.s32 $0xD900  }
0x97: {  	[tilespmem:s15], [sflag:$0x1] =	stream.indirect_vreg.gather [hbm4b:s7+s4], $0x80, v3, vm0, $0xb8;
	[tilespmem:$0x18100] =	vst v63  }
0x98: {  	v3 =	vld [tilespmem:$0x70];
	_ =	sdelay $0x4  }
0x99: {  	v59 =	vshll.u32 v3, $0x2  }
0x9a: {  	v3 =	vand.u32 $0x7, v3;
	v4 =	vand.u32 $0xFFFFFFE0, v59  }
0x9b: {  	v3 =	vor.u32 v3, v4  }
0x9c: {  	v4 =	vperm.xlane v3, v0;
	_ =	sdelay $0x1  }
0x9d: {  	v4 =	vadd.s32 v1, v4;
	_ =	sdelay $0x1  }
0x9e: {  	v3 =	vperm.xlane v3, v2;
	_ =	sdelay $0x1  }
0x9f: {  	s30 =	simm.s32 $0xE100;
	v3 =	vadd.s32 v1, v3  }
0xa0: {  	[tilespmem:s30], [sflag:$0x1] =	stream.indirect_vreg.gather [hbm4b:s1+s4], $0x80, v4, vm0, $0xb8;
	[tilespmem:$0x18100] =	vst v63  }
0xa1: {  	s31 =	simm.s32 $0xE900  }
0xa2: {  	[tilespmem:s31], [sflag:$0x1] =	stream.indirect_vreg.gather [hbm4b:s7+s4], $0x80, v4, vm0, $0xb8;
	[tilespmem:$0x18100] =	vst v63  }
0xa3: {  	s9 =	simm.s32 $0xF100  }
0xa4: {  	[tilespmem:s9], [sflag:$0x1] =	stream.indirect_vreg.gather [hbm4b:s1+s4], $0x80, v3, vm0, $0xb8;
	[tilespmem:$0x18100] =	vst v63  }
0xa5: {  	s10 =	simm.s32 $0xF900  }
0xa6: {  	[tilespmem:s10], [sflag:$0x1] =	stream.indirect_vreg.gather [hbm4b:s7+s4], $0x80, v3, vm0, $0xb8;
	[tilespmem:$0x18100] =	vst v63  }
0xa7: {  	v3 =	vld [tilespmem:$0x80];
	_ =	sdelay $0x4  }
0xa8: {  	v60 =	vshll.u32 v3, $0x2  }
0xa9: {  	v3 =	vand.u32 $0x7, v3;
	v4 =	vand.u32 $0xFFFFFFE0, v60  }
0xaa: {  	v3 =	vor.u32 v3, v4  }
0xab: {  	v4 =	vperm.xlane v3, v0;
	_ =	sdelay $0x1  }
0xac: {  	v4 =	vadd.s32 v1, v4;
	_ =	sdelay $0x1  }
0xad: {  	v3 =	vperm.xlane v3, v2;
	_ =	sdelay $0x1  }
0xae: {  	s11 =	simm.s32 $0x10100;
	v3 =	vadd.s32 v1, v3  }
0xaf: {  	[tilespmem:s11], [sflag:$0x1] =	stream.indirect_vreg.gather [hbm4b:s1+s4], $0x80, v4, vm0, $0xb8;
	[tilespmem:$0x18100] =	vst v63  }
0xb0: {  	s12 =	simm.s32 $0x10900  }
0xb1: {  	[tilespmem:s12], [sflag:$0x1] =	stream.indirect_vreg.gather [hbm4b:s7+s4], $0x80, v4, vm0, $0xb8;
	[tilespmem:$0x18100] =	vst v63  }
0xb2: {  	s13 =	simm.s32 $0x11100  }
0xb3: {  	[tilespmem:s13], [sflag:$0x1] =	stream.indirect_vreg.gather [hbm4b:s1+s4], $0x80, v3, vm0, $0xb8;
	[tilespmem:$0x18100] =	vst v63  }
0xb4: {  	s14 =	simm.s32 $0x11900  }
0xb5: {  	[tilespmem:s14], [sflag:$0x1] =	stream.indirect_vreg.gather [hbm4b:s7+s4], $0x80, v3, vm0, $0xb8;
	[tilespmem:$0x18100] =	vst v63  }
0xb6: {  	v3 =	vld [tilespmem:$0x90];
	_ =	sdelay $0x4  }
0xb7: {  	v61 =	vshll.u32 v3, $0x2  }
0xb8: {  	v3 =	vand.u32 $0x7, v3;
	v4 =	vand.u32 $0xFFFFFFE0, v61  }
0xb9: {  	v3 =	vor.u32 v3, v4  }
0xba: {  	v4 =	vperm.xlane v3, v0;
	_ =	sdelay $0x1  }
0xbb: {  	v4 =	vadd.s32 v1, v4;
	_ =	sdelay $0x1  }
0xbc: {  	v3 =	vperm.xlane v3, v2;
	_ =	sdelay $0x1  }
0xbd: {  	s15 =	simm.s32 $0x12100;
	v3 =	vadd.s32 v1, v3  }
0xbe: {  	[tilespmem:s15], [sflag:$0x1] =	stream.indirect_vreg.gather [hbm4b:s1+s4], $0x80, v4, vm0, $0xb8;
	[tilespmem:$0x18100] =	vst v63  }
0xbf: {  	s30 =	simm.s32 $0x12900  }
0xc0: {  	[tilespmem:s30], [sflag:$0x1] =	stream.indirect_vreg.gather [hbm4b:s7+s4], $0x80, v4, vm0, $0xb8;
	[tilespmem:$0x18100] =	vst v63  }
0xc1: {  	s31 =	simm.s32 $0x13100  }
0xc2: {  	[tilespmem:s31], [sflag:$0x1] =	stream.indirect_vreg.gather [hbm4b:s1+s4], $0x80, v3, vm0, $0xb8;
	[tilespmem:$0x18100] =	vst v63  }
0xc3: {  	s9 =	simm.s32 $0x13900  }
0xc4: {  	[tilespmem:s9], [sflag:$0x1] =	stream.indirect_vreg.gather [hbm4b:s7+s4], $0x80, v3, vm0, $0xb8;
	[tilespmem:$0x18100] =	vst v63  }
0xc5: {  	v3 =	vld [tilespmem:$0xA0];
	_ =	sdelay $0x4  }
0xc6: {  	v62 =	vshll.u32 v3, $0x2  }
0xc7: {  	v3 =	vand.u32 $0x7, v3;
	v4 =	vand.u32 $0xFFFFFFE0, v62  }
0xc8: {  	v3 =	vor.u32 v3, v4  }
0xc9: {  	v4 =	vperm.xlane v3, v0;
	_ =	sdelay $0x1  }
0xca: {  	v4 =	vadd.s32 v1, v4;
	_ =	sdelay $0x1  }
0xcb: {  	v3 =	vperm.xlane v3, v2;
	_ =	sdelay $0x1  }
0xcc: {  	s10 =	simm.s32 $0x14100;
	v3 =	vadd.s32 v1, v3  }
0xcd: {  	[tilespmem:s10], [sflag:$0x1] =	stream.indirect_vreg.gather [hbm4b:s1+s4], $0x80, v4, vm0, $0xb8;
	[tilespmem:$0x18100] =	vst v63  }
0xce: {  	s11 =	simm.s32 $0x14900  }
0xcf: {  	[tilespmem:s11], [sflag:$0x1] =	stream.indirect_vreg.gather [hbm4b:s7+s4], $0x80, v4, vm0, $0xb8;
	[tilespmem:$0x18100] =	vst v63  }
0xd0: {  	s12 =	simm.s32 $0x15100  }
0xd1: {  	[tilespmem:s12], [sflag:$0x1] =	stream.indirect_vreg.gather [hbm4b:s1+s4], $0x80, v3, vm0, $0xb8;
	[tilespmem:$0x18100] =	vst v63  }
0xd2: {  	s13 =	simm.s32 $0x15900  }
0xd3: {  	[tilespmem:s13], [sflag:$0x1] =	stream.indirect_vreg.gather [hbm4b:s7+s4], $0x80, v3, vm0, $0xb8;
	[tilespmem:$0x18100] =	vst v63  }
0xd4: {  	v3 =	vld [tilespmem:$0xB0];
	_ =	sdelay $0x4  }
0xd5: {  	v63 =	vshll.u32 v3, $0x2  }
0xd6: {  	v3 =	vand.u32 $0x7, v3;
	v4 =	vand.u32 $0xFFFFFFE0, v63  }
0xd7: {  	v3 =	vor.u32 v3, v4  }
0xd8: {  	v4 =	vperm.xlane v3, v0;
	_ =	sdelay $0x1  }
0xd9: {  	v4 =	vadd.s32 v1, v4;
	_ =	sdelay $0x2  }
0xda: {  	v3 =	vperm.xlane v3, v2  }
0xdb: {  	s14 =	simm.s32 $0x16100  }
0xdc: {  	v3 =	vadd.s32 v1, v3;
	[tilespmem:s14], [sflag:$0x1] =	stream.indirect_vreg.gather [hbm4b:s1+s4], $0x80, v4, vm0, $0xb8;
	[tilespmem:$0x18100] =	vst v63  }
0xdd: {  	s15 =	simm.s32 $0x16900  }
0xde: {  	[tilespmem:s15], [sflag:$0x1] =	stream.indirect_vreg.gather [hbm4b:s7+s4], $0x80, v4, vm0, $0xb8;
	[tilespmem:$0x18100] =	vst v63  }
.Ltmp2:
0xdf: {  	_ = 	snop;
	(pc) =	sbr.rel .LBB2_2-.Ltmp2, $4  }
0xe0: {  	s30 =	simm.s32 $0x17100  }
0xe1: {  	[tilespmem:s30], [sflag:$0x1] =	stream.indirect_vreg.gather [hbm4b:s1+s4], $0x80, v3, vm0, $0xb8;
	[tilespmem:$0x18100] =	vst v63  }
0xe2: {  	s31 =	simm.s32 $0x17900;
	s11 =	simm.s32 $0x0  }
0xe3: {  	[tilespmem:s31], [sflag:$0x1] =	stream.indirect_vreg.gather [hbm4b:s7+s4], $0x80, v3, vm0, $0xb8;
	[tilespmem:$0x18100] =	vst v63  }
.LBB2_8:
0xe4: {  	s11 =	sadd.s32 $0x1, s11  }
0xe5: {  	p0 =	sne.s32 s11, $0x4  }
.Ltmp3:
0xe6: {  	_ = 	snop;
	(pc) =	sbr.rel @!p0 .LBB2_9-.Ltmp3, $1  }
0xe7: {  	_ =	sdelay $0x3  }
.LBB2_2:
0xe8: {  	p0 =	seq.s32 s11, $0x3;
	s9 =	smov.u32 s11  }
0xe9: {  	s9 =	simm.s32 @p0 $0x0  }
0xea: {  	s31 =	sshll.u32 s9, $0xD  }
0xeb: {  	_ =	swait.ge [sflag:s0], $0x8000;
	s6 =	sshll.u32 s9, $0xF;
	s10 =	sadd.s32 $0x0, s31  }
0xec: {  	[sflag:s0] =	ssyncset.done $0x0;
	s12 =	sand.u32 $0xFFFFF000, s6;
	s10 =	sand.u32 $0x380, s10  }
0xed: {  	[sflag:s0] =	ssyncadd.s32 $0xFFFF8000;
	s12 =	sor.u32 s10, s12  }
0xee: {  	v3 =	vld [tilespmem:s12+$0x100]  }
0xef: {  	v4 =	vld [tilespmem:s12+$0x110]  }
0xf0: {  	v5 =	vld [tilespmem:s12+$0x120]  }
0xf1: {  	v6 =	vld [tilespmem:s12+$0x130]  }
0xf2: {  	v7 =	vld [tilespmem:s12+$0x140]  }
0xf3: {  	v8 =	vld [tilespmem:s12+$0x150];
	v3 =	vmul.f32 $4.756828310e+00, v3  }
0xf4: {  	v9 =	vld [tilespmem:s12+$0x160];
	v4 =	vmul.f32 $4.756828310e+00, v4  }
0xf5: {  	[tilespmem:s12+$0x100] =	vst v3;
	v3 =	vmul.f32 $4.756828310e+00, v5;
	v5 =	vld [tilespmem:s12+$0x170]  }
0xf6: {  	[tilespmem:s12+$0x110] =	vst v4;
	v4 =	vmul.f32 $4.756828310e+00, v6;
	v6 =	vld [tilespmem:s12+$0x500]  }
0xf7: {  	[tilespmem:s12+$0x120] =	vst v3;
	v3 =	vmul.f32 $4.756828310e+00, v7;
	v7 =	vld [tilespmem:s12+$0x510]  }
0xf8: {  	[tilespmem:s12+$0x130] =	vst v4;
	v4 =	vmul.f32 $4.756828310e+00, v8;
	v8 =	vld [tilespmem:s12+$0x520]  }
0xf9: {  	[tilespmem:s12+$0x140] =	vst v3;
	v3 =	vmul.f32 $4.756828310e+00, v9;
	v9 =	vld [tilespmem:s12+$0x530]  }
0xfa: {  	[tilespmem:s12+$0x150] =	vst v4;
	v4 =	vmul.f32 $4.756828310e+00, v5;
	v5 =	vld [tilespmem:s12+$0x540]  }
0xfb: {  	[tilespmem:s12+$0x160] =	vst v3;
	v3 =	vmul.f32 $4.756828310e+00, v6;
	v6 =	vld [tilespmem:s12+$0x550]  }
0xfc: {  	[tilespmem:s12+$0x170] =	vst v4;
	v4 =	vmul.f32 $4.756828310e+00, v7;
	v7 =	vld [tilespmem:s12+$0x560]  }
0xfd: {  	[tilespmem:s12+$0x500] =	vst v3;
	v3 =	vmul.f32 $4.756828310e+00, v8;
	v8 =	vld [tilespmem:s12+$0x570]  }
0xfe: {  	[tilespmem:s12+$0x510] =	vst v4;
	v4 =	vmul.f32 $4.756828310e+00, v9;
	v9 =	vld [tilespmem:s12+$0x900]  }
0xff: {  	[tilespmem:s12+$0x520] =	vst v3;
	v3 =	vmul.f32 $4.756828310e+00, v5;
	v5 =	vld [tilespmem:s12+$0x910]  }
0x100: {  	[tilespmem:s12+$0x530] =	vst v4;
	v4 =	vmul.f32 $4.756828310e+00, v6;
	v6 =	vld [tilespmem:s12+$0x920]  }
0x101: {  	[tilespmem:s12+$0x540] =	vst v3;
	v3 =	vmul.f32 $4.756828310e+00, v7;
	v7 =	vld [tilespmem:s12+$0x930]  }
0x102: {  	[tilespmem:s12+$0x550] =	vst v4;
	v4 =	vmul.f32 $4.756828310e+00, v8;
	v8 =	vld [tilespmem:s12+$0x940]  }
0x103: {  	[tilespmem:s12+$0x560] =	vst v3;
	v3 =	vmul.f32 $4.756828310e+00, v9;
	v9 =	vld [tilespmem:s12+$0x950]  }
0x104: {  	v10 =	vld [tilespmem:s12+$0x960];
	[tilespmem:s12+$0x570] =	vst v4;
	v4 =	vmul.f32 $4.756828310e+00, v5  }
0x105: {  	[tilespmem:s12+$0x900] =	vst v3;
	v3 =	vmul.f32 $4.756828310e+00, v6;
	v6 =	vld [tilespmem:s12+$0x970]  }
0x106: {  	[tilespmem:s12+$0x910] =	vst v4;
	v4 =	vmul.f32 $4.756828310e+00, v7;
	v7 =	vld [tilespmem:s12+$0xD00]  }
0x107: {  	v5 =	vld [tilespmem:s12+$0xD10];
	[tilespmem:s12+$0x920] =	vst v3;
	v3 =	vmul.f32 $4.756828310e+00, v8  }
0x108: {  	[tilespmem:s12+$0x930] =	vst v4;
	v8 =	vmul.f32 $4.756828310e+00, v9;
	v4 =	vld [tilespmem:s12+$0xD20]  }
0x109: {  	s10 =	sshll.u32 s9, $0x6;
	v9 =	vmul.f32 $4.756828310e+00, v10;
	[tilespmem:s12+$0x940] =	vst v3;
	v3 =	vld [tilespmem:s12+$0xD30]  }
0x10a: {  	s13 =	smov.u32 s6;
	s9 =	simm.s32 $0x80;
	s30 =	sor.u32 $0x20, s10;
	[tilespmem:s12+$0x950] =	vst v8;
	v8 =	vmul.f32 $4.756828310e+00, v6;
	v6 =	vld [tilespmem:s12+$0xD40]  }
.LBB2_3:
0x10b: {  	s14 =	sadd.s32 s9, s31;
	p0 =	sne.s32 s9, $0xF80;
	[tilespmem:s12+$0x960] =	vst v9;
	v7 =	vmul.f32 $4.756828310e+00, v7;
	v9 =	vld [tilespmem:s12+$0xD50];
	s13 =	sadd.s32 $0x200, s13  }
0x10c: {  	s15 =	sand.u32 $0xFFFFF000, s13;
	s14 =	sand.u32 $0x380, s14;
	[tilespmem:s12+$0x970] =	vst v8;
	v5 =	vmul.f32 $4.756828310e+00, v5;
	v8 =	vld [tilespmem:s12+$0xD60]  }
0x10d: {  	s14 =	sor.u32 s14, s15;
	[tilespmem:s12+$0xD00] =	vst v7;
	v4 =	vmul.f32 $4.756828310e+00, v4;
	v7 =	vld [tilespmem:s12+$0xD70]  }
0x10e: {  	v10 =	vld [tilespmem:s14+$0x100];
	[tilespmem:s12+$0xD10] =	vst v5;
	v3 =	vmul.f32 $4.756828310e+00, v3  }
0x10f: {  	v5 =	vld [tilespmem:s14+$0x110];
	[tilespmem:s12+$0xD20] =	vst v4;
	v4 =	vmul.f32 $4.756828310e+00, v6  }
0x110: {  	v6 =	vld [tilespmem:s14+$0x120];
	[tilespmem:s12+$0xD30] =	vst v3;
	v3 =	vmul.f32 $4.756828310e+00, v9  }
0x111: {  	v9 =	vld [tilespmem:s14+$0x130];
	[tilespmem:s12+$0xD40] =	vst v4;
	v4 =	vmul.f32 $4.756828310e+00, v8  }
0x112: {  	v8 =	vld [tilespmem:s14+$0x140];
	[tilespmem:s12+$0xD50] =	vst v3;
	v3 =	vmul.f32 $4.756828310e+00, v7  }
0x113: {  	v7 =	vmul.f32 $4.756828310e+00, v10;
	v10 =	vld [tilespmem:s14+$0x150];
	[tilespmem:s12+$0xD60] =	vst v4  }
0x114: {  	v4 =	vmul.f32 $4.756828310e+00, v5;
	v5 =	vld [tilespmem:s14+$0x160];
	[tilespmem:s12+$0xD70] =	vst v3;
	s12 =	smov.u32 s14  }
0x115: {  	[tilespmem:s12+$0x100] =	vst v7;
	v3 =	vmul.f32 $4.756828310e+00, v6;
	v6 =	vld [tilespmem:s12+$0x170]  }
0x116: {  	[tilespmem:s12+$0x110] =	vst v4;
	v4 =	vmul.f32 $4.756828310e+00, v9;
	v7 =	vld [tilespmem:s12+$0x500]  }
0x117: {  	[tilespmem:s12+$0x120] =	vst v3;
	v3 =	vmul.f32 $4.756828310e+00, v8;
	v8 =	vld [tilespmem:s12+$0x510]  }
0x118: {  	[tilespmem:s12+$0x130] =	vst v4;
	v4 =	vmul.f32 $4.756828310e+00, v10;
	v9 =	vld [tilespmem:s12+$0x520]  }
0x119: {  	[tilespmem:s12+$0x140] =	vst v3;
	v3 =	vmul.f32 $4.756828310e+00, v5;
	v5 =	vld [tilespmem:s12+$0x530]  }
0x11a: {  	[tilespmem:s12+$0x150] =	vst v4;
	v4 =	vmul.f32 $4.756828310e+00, v6;
	v6 =	vld [tilespmem:s12+$0x540]  }
0x11b: {  	[tilespmem:s12+$0x160] =	vst v3;
	v3 =	vmul.f32 $4.756828310e+00, v7;
	v7 =	vld [tilespmem:s12+$0x550]  }
0x11c: {  	[tilespmem:s12+$0x170] =	vst v4;
	v4 =	vmul.f32 $4.756828310e+00, v8;
	v8 =	vld [tilespmem:s12+$0x560]  }
0x11d: {  	[tilespmem:s12+$0x500] =	vst v3;
	v3 =	vmul.f32 $4.756828310e+00, v9;
	v9 =	vld [tilespmem:s12+$0x570]  }
0x11e: {  	[tilespmem:s12+$0x510] =	vst v4;
	v4 =	vmul.f32 $4.756828310e+00, v5;
	v5 =	vld [tilespmem:s12+$0x900]  }
0x11f: {  	[tilespmem:s12+$0x520] =	vst v3;
	v3 =	vmul.f32 $4.756828310e+00, v6;
	v6 =	vld [tilespmem:s12+$0x910]  }
0x120: {  	[tilespmem:s12+$0x530] =	vst v4;
	v4 =	vmul.f32 $4.756828310e+00, v7;
	v7 =	vld [tilespmem:s12+$0x920]  }
0x121: {  	[tilespmem:s12+$0x540] =	vst v3;
	v3 =	vmul.f32 $4.756828310e+00, v8;
	v8 =	vld [tilespmem:s12+$0x930]  }
0x122: {  	[tilespmem:s12+$0x550] =	vst v4;
	v4 =	vmul.f32 $4.756828310e+00, v9;
	v9 =	vld [tilespmem:s12+$0x940]  }
0x123: {  	[tilespmem:s12+$0x560] =	vst v3;
	v3 =	vmul.f32 $4.756828310e+00, v5;
	v10 =	vld [tilespmem:s12+$0x950]  }
0x124: {  	[tilespmem:s12+$0x570] =	vst v4;
	v4 =	vmul.f32 $4.756828310e+00, v6;
	v6 =	vld [tilespmem:s12+$0x960]  }
0x125: {  	[tilespmem:s12+$0x900] =	vst v3;
	v3 =	vmul.f32 $4.756828310e+00, v7;
	v11 =	vld [tilespmem:s12+$0x970]  }
.Ltmp4:
0x126: {  	[tilespmem:s12+$0x910] =	vst v4;
	v4 =	vmul.f32 $4.756828310e+00, v8;
	v7 =	vld [tilespmem:s12+$0xD00];
	(pc) =	sbr.rel @p0 .LBB2_3-.Ltmp4, $4  }
0x127: {  	[tilespmem:s12+$0x920] =	vst v3;
	v3 =	vmul.f32 $4.756828310e+00, v9;
	v5 =	vld [tilespmem:s12+$0xD10]  }
0x128: {  	[tilespmem:s12+$0x930] =	vst v4;
	v8 =	vmul.f32 $4.756828310e+00, v10;
	v4 =	vld [tilespmem:s12+$0xD20]  }
0x129: {  	[tilespmem:s12+$0x940] =	vst v3;
	v9 =	vmul.f32 $4.756828310e+00, v6;
	v3 =	vld [tilespmem:s12+$0xD30]  }
0x12a: {  	s9 =	sadd.s32 $0x80, s9;
	[tilespmem:s12+$0x950] =	vst v8;
	v8 =	vmul.f32 $4.756828310e+00, v11;
	v6 =	vld [tilespmem:s12+$0xD40]  }
0x12b: {  	[tilespmem:s12+$0x960] =	vst v9;
	v7 =	vmul.f32 $4.756828310e+00, v7;
	v9 =	vld [tilespmem:s12+$0xD50]  }
0x12c: {  	[tilespmem:s12+$0x970] =	vst v8;
	v5 =	vmul.f32 $4.756828310e+00, v5;
	v8 =	vld [tilespmem:s12+$0xD60]  }
0x12d: {  	[tilespmem:s12+$0xD00] =	vst v7;
	v4 =	vmul.f32 $4.756828310e+00, v4;
	v7 =	vld [tilespmem:s12+$0xD70]  }
0x12e: {  	[tilespmem:s12+$0xD10] =	vst v5;
	v3 =	vmul.f32 $4.756828310e+00, v3  }
0x12f: {  	[tilespmem:s12+$0xD20] =	vst v4;
	v4 =	vmul.f32 $4.756828310e+00, v6  }
0x130: {  	s9 =	sshll.u32 s11, $0xF;
	[tilespmem:s12+$0xD30] =	vst v3;
	v3 =	vmul.f32 $4.756828310e+00, v9  }
0x131: {  	s9 =	sadd.s32 s5, s9;
	[tilespmem:s12+$0xD40] =	vst v4;
	v4 =	vmul.f32 $4.756828310e+00, v8  }
0x132: {  	s9 =	sor.u32 s8, s9;
	[tilespmem:s12+$0xD50] =	vst v3;
	v3 =	vmul.f32 $4.756828310e+00, v7  }
0x133: {  	s13 =	sand.u32 $0x3FFF8000, s6;
	s9 =	sshrl.u32 s9, $0x3;
	[tilespmem:s12+$0xD60] =	vst v4  }
0x134: {  	s13 =	sor.u32 $0x100, s13;
	s14 =	sadd.s32 s3, s9;
	[tilespmem:s12+$0xD70] =	vst v3  }
0x135: {  	[hbm4b:s14+s4] =	stream.linear.scatter [tilespmem:s13], [sflag:$0x2], $0x4000, $0x38;
	[tilespmem:$0x18100] =	vst v63  }
0x136: {  	s13 =	sor.u32 $0x1000, s31;
	s14 =	sadd.s32 $0x4000, s6  }
0x137: {  	s6 =	sand.u32 $0xFFFFF000, s14;
	s15 =	sand.u32 $0x380, s13  }
0x138: {  	s6 =	sor.u32 s15, s6  }
0x139: {  	v3 =	vld [tilespmem:s6+$0x560]  }
0x13a: {  	v4 =	vld [tilespmem:s6+$0x570]  }
0x13b: {  	v5 =	vld [tilespmem:s6+$0x900]  }
0x13c: {  	v6 =	vld [tilespmem:s6+$0x910]  }
0x13d: {  	v7 =	vld [tilespmem:s6+$0x920]  }
0x13e: {  	v8 =	vld [tilespmem:s6+$0x520]  }
0x13f: {  	v9 =	vld [tilespmem:s6+$0x550]  }
0x140: {  	v10 =	vld [tilespmem:s6+$0x540]  }
0x141: {  	v16 =	vld [tilespmem:s6+$0x930]  }
0x142: {  	v11 =	vld [tilespmem:s6+$0xD50]  }
0x143: {  	v12 =	vld [tilespmem:s6+$0xD70]  }
0x144: {  	v13 =	vld [tilespmem:s6+$0xD10]  }
0x145: {  	v17 =	vld [tilespmem:s6+$0x530]  }
0x146: {  	v14 =	vld [tilespmem:s6+$0x510]  }
0x147: {  	v19 =	vld [tilespmem:s6+$0x170];
	v11 =	vmul.f32 $4.756828310e+00, v11  }
0x148: {  	v15 =	vld [tilespmem:s6+$0xD20];
	v12 =	vmul.f32 $4.756828310e+00, v12  }
0x149: {  	v18 =	vld [tilespmem:s6+$0x500];
	v13 =	vmul.f32 $4.756828310e+00, v13;
	[tilespmem:s6+$0xD50] =	vst v11  }
0x14a: {  	v21 =	vld [tilespmem:s6+$0x960];
	v8 =	vmul.f32 $4.756828310e+00, v8;
	[tilespmem:s6+$0xD70] =	vst v12  }
0x14b: {  	v14 =	vmul.f32 $4.756828310e+00, v14;
	v11 =	vld [tilespmem:s6+$0x160];
	[tilespmem:s6+$0xD10] =	vst v13  }
0x14c: {  	v20 =	vmul.f32 $4.756828310e+00, v10;
	v10 =	vmul.f32 $4.756828310e+00, v19;
	v12 =	vld [tilespmem:s6+$0x150];
	[tilespmem:s6+$0x520] =	vst v8  }
0x14d: {  	v8 =	vmul.f32 $4.756828310e+00, v15;
	v13 =	vld [tilespmem:s6+$0xD60];
	[tilespmem:s6+$0x510] =	vst v14  }
0x14e: {  	v23 =	vld [tilespmem:s6+$0x100];
	v15 =	vmul.f32 $4.756828310e+00, v18;
	[tilespmem:s6+$0x170] =	vst v10  }
0x14f: {  	v18 =	vld [tilespmem:s6+$0x940];
	v10 =	vmul.f32 $4.756828310e+00, v16;
	[tilespmem:s6+$0xD20] =	vst v8;
	v8 =	vmul.f32 $4.756828310e+00, v9  }
0x150: {  	s10 =	sadd.s32 $0x40, s10;
	s12 =	sadd.s32 $0x1, s30;
	v19 =	vld [tilespmem:s6+$0x950];
	[tilespmem:s6+$0x540] =	vst v20;
	v9 =	vmul.f32 $4.756828310e+00, v3;
	v14 =	vmul.f32 $4.756828310e+00, v11  }
0x151: {  	p0 =	slt.u32 s12, s10;
	v22 =	vld [tilespmem:s6+$0x970];
	[tilespmem:s6+$0x500] =	vst v15;
	v3 =	vmul.f32 $4.756828310e+00, v12;
	v11 =	vmul.f32 $4.756828310e+00, v4  }
.Ltmp5:
0x152: {  	v4 =	vmul.f32 $4.756828310e+00, v13;
	v12 =	vmul.f32 $4.756828310e+00, v5;
	[tilespmem:s6+$0x160] =	vst v14;
	v14 =	vld [tilespmem:s6+$0x110];
	(pc) =	sbr.rel @!p0 .LBB2_6-.Ltmp5, $4  }
0x153: {  	v15 =	vld [tilespmem:s6+$0x140];
	v5 =	vmul.f32 $4.756828310e+00, v7;
	v13 =	vmul.f32 $4.756828310e+00, v6;
	[tilespmem:s6+$0x150] =	vst v3  }
0x154: {  	v6 =	vmul.f32 $4.756828310e+00, v18;
	v18 =	vld [tilespmem:s6+$0x120];
	v3 =	vmul.f32 $4.756828310e+00, v17;
	[tilespmem:s6+$0xD60] =	vst v4  }
0x155: {  	v7 =	vmul.f32 $4.756828310e+00, v23;
	[tilespmem:s6+$0x920] =	vst v5;
	v5 =	vmul.f32 $4.756828310e+00, v19;
	v17 =	vld [tilespmem:s6+$0x130]  }
0x156: {  	s31 =	sadd.s32 $0x80, s13;
	s13 =	sadd.s32 $0x200, s14;
	v16 =	vld [tilespmem:s6+$0xD00];
	v4 =	vmul.f32 $4.756828310e+00, v21;
	[tilespmem:s6+$0x530] =	vst v3;
	v3 =	vmul.f32 $4.756828310e+00, v22  }
.LBB2_5:
0x157: {  	s14 =	sand.u32 $0xFFFFF000, s13;
	s15 =	sand.u32 $0x380, s31;
	s12 =	sadd.s32 $0x1, s12;
	v14 =	vmul.f32 $4.756828310e+00, v14;
	[tilespmem:s6+$0x550] =	vst v8;
	v8 =	vld [tilespmem:s6+$0xD30]  }
0x158: {  	s14 =	sor.u32 s15, s14;
	p0 =	slt.u32 s12, s10;
	v15 =	vmul.f32 $4.756828310e+00, v15;
	[tilespmem:s6+$0x560] =	vst v9;
	v9 =	vld [tilespmem:s6+$0xD40]  }
0x159: {  	v19 =	vld [tilespmem:s14+$0x560];
	v18 =	vmul.f32 $4.756828310e+00, v18;
	[tilespmem:s6+$0x570] =	vst v11  }
0x15a: {  	v11 =	vld [tilespmem:s14+$0x570];
	v17 =	vmul.f32 $4.756828310e+00, v17;
	[tilespmem:s6+$0x900] =	vst v12  }
0x15b: {  	v12 =	vld [tilespmem:s14+$0x900];
	[tilespmem:s6+$0x910] =	vst v13;
	v13 =	vmul.f32 $4.756828310e+00, v16  }
0x15c: {  	v16 =	vld [tilespmem:s14+$0x910];
	[tilespmem:s6+$0x120] =	vst v18;
	v8 =	vmul.f32 $4.756828310e+00, v8  }
0x15d: {  	v18 =	vld [tilespmem:s14+$0x920];
	[tilespmem:s6+$0x140] =	vst v15;
	v9 =	vmul.f32 $4.756828310e+00, v9  }
0x15e: {  	v15 =	vld [tilespmem:s14+$0x520];
	[tilespmem:s6+$0xD30] =	vst v8  }
0x15f: {  	v8 =	vld [tilespmem:s14+$0x550];
	[tilespmem:s6+$0x130] =	vst v17  }
0x160: {  	v17 =	vld [tilespmem:s14+$0x540];
	[tilespmem:s6+$0x930] =	vst v10  }
0x161: {  	v10 =	vld [tilespmem:s14+$0x930];
	[tilespmem:s6+$0x110] =	vst v14  }
0x162: {  	v14 =	vld [tilespmem:s14+$0xD50];
	[tilespmem:s6+$0x940] =	vst v6  }
0x163: {  	v6 =	vld [tilespmem:s14+$0xD70];
	[tilespmem:s6+$0xD40] =	vst v9  }
0x164: {  	v9 =	vld [tilespmem:s14+$0xD10];
	[tilespmem:s6+$0x950] =	vst v5  }
0x165: {  	v5 =	vld [tilespmem:s14+$0x530];
	[tilespmem:s6+$0xD00] =	vst v13  }
0x166: {  	v13 =	vld [tilespmem:s14+$0x510];
	[tilespmem:s6+$0x960] =	vst v4  }
0x167: {  	v4 =	vld [tilespmem:s14+$0xD20];
	v14 =	vmul.f32 $4.756828310e+00, v14;
	[tilespmem:s6+$0x100] =	vst v7  }
0x168: {  	v7 =	vld [tilespmem:s14+$0x500];
	v6 =	vmul.f32 $4.756828310e+00, v6;
	[tilespmem:s6+$0x970] =	vst v3;
	s6 =	smov.u32 s14  }
0x169: {  	v3 =	vld [tilespmem:s6+$0x170];
	v9 =	vmul.f32 $4.756828310e+00, v9;
	[tilespmem:s6+$0xD50] =	vst v14  }
0x16a: {  	v15 =	vmul.f32 $4.756828310e+00, v15;
	v20 =	vmul.f32 $4.756828310e+00, v17;
	v14 =	vld [tilespmem:s6+$0x160];
	[tilespmem:s6+$0xD70] =	vst v6  }
0x16b: {  	v8 =	vmul.f32 $4.756828310e+00, v8;
	v6 =	vld [tilespmem:s6+$0x150];
	v13 =	vmul.f32 $4.756828310e+00, v13;
	[tilespmem:s6+$0xD10] =	vst v9  }
0x16c: {  	v9 =	vmul.f32 $4.756828310e+00, v19;
	[tilespmem:s6+$0x520] =	vst v15;
	v4 =	vmul.f32 $4.756828310e+00, v4;
	v15 =	vld [tilespmem:s6+$0xD60]  }
0x16d: {  	v11 =	vmul.f32 $4.756828310e+00, v11;
	v7 =	vmul.f32 $4.756828310e+00, v7;
	[tilespmem:s6+$0x510] =	vst v13;
	v17 =	vld [tilespmem:s6+$0x940]  }
0x16e: {  	v12 =	vmul.f32 $4.756828310e+00, v12;
	v3 =	vmul.f32 $4.756828310e+00, v3;
	v19 =	vld [tilespmem:s6+$0x950];
	[tilespmem:s6+$0xD20] =	vst v4  }
0x16f: {  	v13 =	vmul.f32 $4.756828310e+00, v16;
	v4 =	vmul.f32 $4.756828310e+00, v14;
	[tilespmem:s6+$0x500] =	vst v7;
	v7 =	vld [tilespmem:s6+$0x960]  }
0x170: {  	v6 =	vmul.f32 $4.756828310e+00, v6;
	[tilespmem:s6+$0x170] =	vst v3;
	v3 =	vmul.f32 $4.756828310e+00, v18;
	v16 =	vld [tilespmem:s6+$0x970]  }
0x171: {  	v10 =	vmul.f32 $4.756828310e+00, v10;
	v21 =	vld [tilespmem:s6+$0x100];
	[tilespmem:s6+$0x160] =	vst v4;
	v4 =	vmul.f32 $4.756828310e+00, v15  }
.Ltmp6:
0x172: {  	v14 =	vld [tilespmem:s6+$0x110];
	[tilespmem:s6+$0x150] =	vst v6;
	v6 =	vmul.f32 $4.756828310e+00, v17;
	(pc) =	sbr.rel @p0 .LBB2_5-.Ltmp6, $4  }
0x173: {  	v22 =	vmul.f32 $4.756828310e+00, v5;
	v15 =	vld [tilespmem:s6+$0x140];
	v5 =	vmul.f32 $4.756828310e+00, v19;
	[tilespmem:s6+$0xD60] =	vst v4  }
0x174: {  	v18 =	vld [tilespmem:s6+$0x120];
	[tilespmem:s6+$0x920] =	vst v3;
	v4 =	vmul.f32 $4.756828310e+00, v7  }
0x175: {  	v17 =	vld [tilespmem:s6+$0x130];
	[tilespmem:s6+$0x530] =	vst v22;
	v3 =	vmul.f32 $4.756828310e+00, v16  }
0x176: {  	s31 =	sadd.s32 $0x80, s31;
	s13 =	sadd.s32 $0x200, s13;
	v7 =	vmul.f32 $4.756828310e+00, v21;
	[tilespmem:s6+$0x540] =	vst v20;
	v16 =	vld [tilespmem:s6+$0xD00]  }
.LBB2_6:
0x177: {  	[tilespmem:s6+$0x550] =	vst v8  }
0x178: {  	[tilespmem:s6+$0x560] =	vst v9  }
0x179: {  	[tilespmem:s6+$0x570] =	vst v11  }
0x17a: {  	[tilespmem:s6+$0x900] =	vst v12  }
0x17b: {  	[tilespmem:s6+$0x910] =	vst v13  }
0x17c: {  	[tilespmem:s6+$0x930] =	vst v10  }
0x17d: {  	[tilespmem:s6+$0x940] =	vst v6  }
0x17e: {  	[tilespmem:s6+$0x950] =	vst v5  }
0x17f: {  	[tilespmem:s6+$0x960] =	vst v4  }
0x180: {  	v56 =	vld [tilespmem:s6+$0xD30];
	v61 =	vmul.f32 $4.756828310e+00, v14;
	[tilespmem:s6+$0x100] =	vst v7  }
0x181: {  	v59 =	vld [tilespmem:s6+$0xD40];
	v58 =	vmul.f32 $4.756828310e+00, v15;
	[tilespmem:s6+$0x970] =	vst v3  }
0x182: {  	v57 =	vmul.f32 $4.756828310e+00, v18;
	[tilespmem:s6+$0x110] =	vst v61  }
0x183: {  	v60 =	vmul.f32 $4.756828310e+00, v17;
	[tilespmem:s6+$0x140] =	vst v58  }
0x184: {  	p0 =	sne.s32 s11, $0x1;
	[tilespmem:s6+$0x120] =	vst v57;
	v63 =	vmul.f32 $4.756828310e+00, v16  }
.Ltmp7:
0x185: {  	v8 =	vmul.f32 $4.756828310e+00, v56;
	[tilespmem:s6+$0x130] =	vst v60;
	(pc) =	sbr.rel @p0 .LBB2_8-.Ltmp7, $4  }
0x186: {  	s10 =	sshll.u32 s30, $0x9;
	v62 =	vmul.f32 $4.756828310e+00, v59;
	[tilespmem:s6+$0xD00] =	vst v63  }
0x187: {  	s9 =	sadd.s32 s9, s3;
	s10 =	sand.u32 $0x3FFFFE00, s10;
	[tilespmem:s6+$0xD30] =	vst v8  }
0x188: {  	s30 =	sadd.s32 $0x800, s9;
	s31 =	sor.u32 $0x100, s10;
	[tilespmem:s6+$0xD40] =	vst v62  }
0x189: {  	[hbm4b:s30+s4] =	stream.linear.scatter [tilespmem:s31], [sflag:$0x2], $0x4000, $0x38;
	[tilespmem:$0x18100] =	vst v63  }
0x18a: {  	_ =	swait.ge [sflag:s2], $0x4000  }
0x18b: {  	[sflag:s2] =	ssyncset.done $0x0  }
0x18c: {  	[sflag:s2] =	ssyncadd.s32 $0xFFFFC000  }
0x18d: {  	_ =	swait.ge [sflag:s2], $0x4000  }
0x18e: {  	[sflag:s2] =	ssyncset.done $0x0  }
0x18f: {  	[sflag:s2] =	ssyncadd.s32 $0xFFFFC000  }
0x190: {  	v3 =	vld [tilespmem:$0xC0];
	_ =	sdelay $0x4  }
0x191: {  	v4 =	vshll.u32 v3, $0x2  }
0x192: {  	v3 =	vand.u32 $0x7, v3;
	v4 =	vand.u32 $0xFFFFFFE0, v4  }
0x193: {  	v3 =	vor.u32 v3, v4  }
0x194: {  	v4 =	vperm.xlane v3, v0;
	_ =	sdelay $0x1  }
0x195: {  	v4 =	vadd.s32 v1, v4;
	_ =	sdelay $0x1  }
0x196: {  	v3 =	vperm.xlane v3, v2;
	_ =	sdelay $0x1  }
0x197: {  	s6 =	simm.s32 $0x100;
	v3 =	vadd.s32 v1, v3  }
0x198: {  	[tilespmem:s6], [sflag:$0x1] =	stream.indirect_vreg.gather [hbm4b:s1+s4], $0x80, v4, vm0, $0xb8;
	[tilespmem:$0x18100] =	vst v63  }
0x199: {  	s30 =	simm.s32 $0x900  }
0x19a: {  	[tilespmem:s30], [sflag:$0x1] =	stream.indirect_vreg.gather [hbm4b:s7+s4], $0x80, v4, vm0, $0xb8;
	[tilespmem:$0x18100] =	vst v63  }
0x19b: {  	s31 =	simm.s32 $0x1100  }
0x19c: {  	[tilespmem:s31], [sflag:$0x1] =	stream.indirect_vreg.gather [hbm4b:s1+s4], $0x80, v3, vm0, $0xb8;
	[tilespmem:$0x18100] =	vst v63  }
0x19d: {  	_ = 	snop  }
0x19e: {  	[tilespmem:s16], [sflag:$0x1] =	stream.indirect_vreg.gather [hbm4b:s7+s4], $0x80, v3, vm0, $0xb8;
	[tilespmem:$0x18100] =	vst v63  }
0x19f: {  	v3 =	vld [tilespmem:$0xD0];
	_ =	sdelay $0x4  }
0x1a0: {  	v61 =	vshll.u32 v3, $0x2  }
0x1a1: {  	v3 =	vand.u32 $0x7, v3;
	v4 =	vand.u32 $0xFFFFFFE0, v61  }
0x1a2: {  	v3 =	vor.u32 v3, v4  }
0x1a3: {  	v4 =	vperm.xlane v3, v0;
	_ =	sdelay $0x1  }
0x1a4: {  	v4 =	vadd.s32 v1, v4;
	_ =	sdelay $0x1  }
0x1a5: {  	v3 =	vperm.xlane v3, v2;
	_ =	sdelay $0x1  }
0x1a6: {  	v3 =	vadd.s32 v1, v3  }
0x1a7: {  	[tilespmem:s17], [sflag:$0x1] =	stream.indirect_vreg.gather [hbm4b:s1+s4], $0x80, v4, vm0, $0xb8;
	[tilespmem:$0x18100] =	vst v63  }
0x1a8: {  	_ = 	snop  }
0x1a9: {  	[tilespmem:s18], [sflag:$0x1] =	stream.indirect_vreg.gather [hbm4b:s7+s4], $0x80, v4, vm0, $0xb8;
	[tilespmem:$0x18100] =	vst v63  }
0x1aa: {  	_ = 	snop  }
0x1ab: {  	[tilespmem:s19], [sflag:$0x1] =	stream.indirect_vreg.gather [hbm4b:s1+s4], $0x80, v3, vm0, $0xb8;
	[tilespmem:$0x18100] =	vst v63  }
0x1ac: {  	_ = 	snop  }
0x1ad: {  	[tilespmem:s20], [sflag:$0x1] =	stream.indirect_vreg.gather [hbm4b:s7+s4], $0x80, v3, vm0, $0xb8;
	[tilespmem:$0x18100] =	vst v63  }
0x1ae: {  	v3 =	vld [tilespmem:$0xE0];
	_ =	sdelay $0x4  }
0x1af: {  	v62 =	vshll.u32 v3, $0x2  }
0x1b0: {  	v3 =	vand.u32 $0x7, v3;
	v4 =	vand.u32 $0xFFFFFFE0, v62  }
0x1b1: {  	v3 =	vor.u32 v3, v4  }
0x1b2: {  	v4 =	vperm.xlane v3, v0;
	_ =	sdelay $0x1  }
0x1b3: {  	v4 =	vadd.s32 v1, v4;
	_ =	sdelay $0x1  }
0x1b4: {  	v3 =	vperm.xlane v3, v2;
	_ =	sdelay $0x1  }
0x1b5: {  	v3 =	vadd.s32 v1, v3  }
0x1b6: {  	[tilespmem:s21], [sflag:$0x1] =	stream.indirect_vreg.gather [hbm4b:s1+s4], $0x80, v4, vm0, $0xb8;
	[tilespmem:$0x18100] =	vst v63  }
0x1b7: {  	_ = 	snop  }
0x1b8: {  	[tilespmem:s22], [sflag:$0x1] =	stream.indirect_vreg.gather [hbm4b:s7+s4], $0x80, v4, vm0, $0xb8;
	[tilespmem:$0x18100] =	vst v63  }
0x1b9: {  	_ = 	snop  }
0x1ba: {  	[tilespmem:s23], [sflag:$0x1] =	stream.indirect_vreg.gather [hbm4b:s1+s4], $0x80, v3, vm0, $0xb8;
	[tilespmem:$0x18100] =	vst v63  }
0x1bb: {  	_ = 	snop  }
0x1bc: {  	[tilespmem:s24], [sflag:$0x1] =	stream.indirect_vreg.gather [hbm4b:s7+s4], $0x80, v3, vm0, $0xb8;
	[tilespmem:$0x18100] =	vst v63  }
0x1bd: {  	v3 =	vld [tilespmem:$0xF0];
	_ =	sdelay $0x4  }
0x1be: {  	v63 =	vshll.u32 v3, $0x2  }
0x1bf: {  	v3 =	vand.u32 $0x7, v3;
	v4 =	vand.u32 $0xFFFFFFE0, v63  }
0x1c0: {  	v3 =	vor.u32 v3, v4  }
0x1c1: {  	v4 =	vperm.xlane v3, v0;
	_ =	sdelay $0x1  }
0x1c2: {  	v4 =	vadd.s32 v1, v4;
	_ =	sdelay $0x2  }
0x1c3: {  	v3 =	vperm.xlane v3, v2;
	_ =	sdelay $0x1  }
0x1c4: {  	v3 =	vadd.s32 v1, v3;
	[tilespmem:s25], [sflag:$0x1] =	stream.indirect_vreg.gather [hbm4b:s1+s4], $0x80, v4, vm0, $0xb8;
	[tilespmem:$0x18100] =	vst v63  }
0x1c5: {  	_ = 	snop  }
0x1c6: {  	[tilespmem:s26], [sflag:$0x1] =	stream.indirect_vreg.gather [hbm4b:s7+s4], $0x80, v4, vm0, $0xb8;
	[tilespmem:$0x18100] =	vst v63  }
.Ltmp8:
0x1c7: {  	_ = 	snop;
	(pc) =	sbr.rel .LBB2_8-.Ltmp8, $4  }
0x1c8: {  	_ = 	snop  }
0x1c9: {  	[tilespmem:s28], [sflag:$0x1] =	stream.indirect_vreg.gather [hbm4b:s1+s4], $0x80, v3, vm0, $0xb8;
	[tilespmem:$0x18100] =	vst v63  }
0x1ca: {  	_ = 	snop  }
0x1cb: {  	[tilespmem:s29], [sflag:$0x1] =	stream.indirect_vreg.gather [hbm4b:s7+s4], $0x80, v3, vm0, $0xb8;
	[tilespmem:$0x18100] =	vst v63  }
.LBB2_10:
0x1cc: {  	_ =	sfence.sel $0x180000  }
0x1cd: {  	[bflag:$0x0] =	sbarrier.arrive $0xFFFF  }
0x1ce: {  	_ =	strace $0x90000047  }
0x1cf: {  	s0 =	stileid.u32;
	[bflag:$0x2] =	sbarrier.arrive $0xFFFF  }
0x1d0: {  	p0 =	sne.s32 s0, $0x0;
	s0 =	rddreg [dreg:$0x3]  }
0x1d1: {  	s0 =	sadd.s32 @!p0 $0x100000, s0  }
0x1d2: {  	[sflag:s0] =	ssyncadd.tile.s32 @!p0 $0x1;
	_ =	shalt  }
.Lfunc_end2:
_tile_overlayer_lowered:
.L_overlay_start_2:
0x1d3: {  	(tag) =	ssettag $0x2  }
0x1d4: {  	s0 =	rddreg [dreg:$0x0];
	s2 =	stileid.u32  }
0x1d5: {  	s1 =	rddreg [dreg:$0x1];
	p0 =	sne.s32 s2, $0x0  }
0x1d6: {  	s3 =	rddreg [dreg:$0x2];
	[bflag:$0x3] =	sbarrier.arrive $0xFFFF;
	s2 =	simm.s32 @!p0 $0x1C03  }
0x1d7: {  	[timem:s3], [sflag:s2] =	dma.local @!p0 [hbm:s0], s1  }
0x1d8: {  	s0 =	simm.s32 @!p0 $0x3  }
0x1d9: {  	_ =	swait.ge @!p0 [sflag:s0], s1  }
0x1da: {  	s1 =	ssub.s32 @!p0 $0x0, s1;
	[sflag:s0] =	ssyncset.done @!p0 $0x0  }
0x1db: {  	[sflag:s0] =	ssyncadd.s32 @!p0 s1  }
0x1dc: {  	[bflag:$0x3] =	sbarrier.arrive $0xFFFF  }
0x1dd: {  	_ =	shalt  }

</sc_bundles>
